<compile_context>
chip_gen: v7x
topology: tpu7x:2x2x1
jax: 0.10.2.dev20260603
libtpu: 0.0.44.dev20260713+nightly
codegen_flags: <defaults>
</compile_context>

<pallas_src>
import functools
import math

import jax
import jax.numpy as jnp
from jax import lax
from jax.experimental import pallas as pl
from jax.experimental.pallas import tpu as pltpu
from jax.experimental.pallas import tpu_sc as plsc

_VOCAB = 100000
_N = 1024
_SMOOTH = 0.1
_CONF = 1.0 - _SMOOTH
_S = _SMOOTH / (_VOCAB - 2)
_C0 = (_VOCAB - 2) * _S * math.log(_S) + _CONF * math.log(_CONF)

_NTC = 768
_CB = 4000

_CH = 200
_NCHUNK = _VOCAB // _CH
_NJ = 32


def _sc_cols(xt, tgt):
    mesh = plsc.VectorSubcoreMesh(core_axis_name="c", subcore_axis_name="s")

    @functools.partial(
        pl.kernel,
        mesh=mesh,
        out_type=jax.ShapeDtypeStruct((2, 16), jnp.float32),
        compiler_params=pltpu.CompilerParams(needs_layout_passes=False),
        scratch_types=[
            pltpu.VMEM((_CH, 128), jnp.float32),
            pltpu.VMEM((_CH, 128), jnp.float32),
            pltpu.VMEM((128,), jnp.int32),
            pltpu.VMEM((256,), jnp.float32),
            pltpu.VMEM((16, 256), jnp.float32),
            pltpu.VMEM((16,), jnp.float32),
            pltpu.VMEM_SHARED((16, 256), jnp.float32),
            pltpu.SemaphoreType.DMA,
            pltpu.SemaphoreType.DMA,
        ],
    )
    def k(xt_hbm, t_hbm, out_hbm, buf0, buf1, tv, stv, gv, rv, sh, sem0, sem1):
        c = lax.axis_index("c")
        s = lax.axis_index("s")
        cbase = _NTC + 128 * c
        pltpu.sync_copy(t_hbm.at[pl.ds(cbase, 128)], tv)
        t16 = [tv[pl.ds(16 * kk, 16)] for kk in range(8)]
        iotas = [lax.iota(jnp.int32, 16) + 16 * kk for kk in range(8)]
        zero = jnp.zeros((16,), jnp.float32)
        bufs = (buf0, buf1)
        sems = (sem0, sem1)

        def chunk_src(j):
            chunk_id = s + 16 * j
            valid = chunk_id < _NCHUNK
            row0 = jnp.where(valid, chunk_id, 0) * _CH
            return xt_hbm.at[pl.ds(row0, _CH), pl.ds(cbase, 128)], chunk_id, valid

        def do_chunk(j, b, carry):
            cs = carry[0:8]
            gm = carry[8:16]
            x0 = carry[16:24]
            src_next, _, _ = chunk_src(j + 1)
            pltpu.async_copy(src_next, bufs[(b + 1) % 2], sems[(b + 1) % 2])
            src_cur, chunk_id, valid = chunk_src(j)
            pltpu.make_async_copy(src_cur, bufs[b], sems[b]).wait()
            buf = bufs[b]
            row0 = jnp.where(valid, chunk_id, 0) * _CH

            def row_body(r, acc):
                return tuple(
                    acc[kk] + buf[r, pl.ds(16 * kk, 16)] for kk in range(8)
                )

            delta = lax.fori_loop(0, _CH, row_body, (zero,) * 8)
            is0 = (chunk_id == 0) & valid
            new_cs = []
            new_gm = []
            new_x0 = []
            for kk in range(8):
                new_cs.append(
                    cs[kk] + jnp.where(valid, delta[kk], jnp.float32(0.0))
                )
                idxr = t16[kk] - row0
                m = (idxr >= 0) & (idxr < _CH) & valid
                g = plsc.load_gather(
                    buf, [jnp.where(m, idxr, 0), iotas[kk]], mask=m
                )
                new_gm.append(gm[kk] + jnp.where(m, g, jnp.float32(0.0)))
                r0row = buf[0, pl.ds(16 * kk, 16)]
                new_x0.append(jnp.where(is0, r0row, x0[kk]))
            return (*new_cs, *new_gm, *new_x0)

        src0, _, _ = chunk_src(0)
        pltpu.async_copy(src0, buf0, sem0)

        def pair_body(p, carry):
            carry = do_chunk(2 * p, 0, carry)
            carry = do_chunk(2 * p + 1, 1, carry)
            return carry

        carry = lax.fori_loop(0, _NJ // 2, pair_body, (zero,) * 24)
        src_last, _, _ = chunk_src(_NJ)
        pltpu.make_async_copy(src_last, buf0, sem0).wait()

        for kk in range(8):
            stv[pl.ds(16 * kk, 16)] = carry[kk]
            stv[pl.ds(128 + 16 * kk, 16)] = carry[8 + kk]
        pltpu.sync_copy(stv, sh.at[s])
        plsc.subcore_barrier()

        @pl.when(s == 0)
        def _():
            pltpu.sync_copy(sh, gv)
            lane = zero
            for kk in range(8):
                cs_tot = zero
                gm_tot = zero
                for w in range(16):
                    cs_tot = cs_tot + gv[w, pl.ds(16 * kk, 16)]
                    gm_tot = gm_tot + gv[w, pl.ds(128 + 16 * kk, 16)]
                val = (
                    jnp.float32(-_S) * cs_tot
                    + jnp.float32(_S - _CONF) * gm_tot
                    + jnp.float32(_S) * carry[16 + kk]
                )
                lane = lane + jnp.where(
                    t16[kk] != 0, val + jnp.float32(_C0), jnp.float32(0.0)
                )
            rv[...] = lane
            pltpu.sync_copy(rv, out_hbm.at[c])

    return k(xt, tgt)


def _tc_cols(xt, t1):
    nsteps = _VOCAB // _CB

    def body(x_ref, t_ref, out_ref, acc_ref):
        k = pl.program_id(0)
        x = x_ref[...]
        t = t_ref[...]
        rowid = lax.broadcasted_iota(jnp.int32, (_CB, _NTC), 0) + k * _CB
        part = jnp.float32(-_S) * jnp.sum(x, axis=0, keepdims=True) + jnp.float32(
            _S - _CONF
        ) * jnp.sum(jnp.where(rowid == t, x, jnp.float32(0.0)), axis=0, keepdims=True)

        @pl.when(k == 0)
        def _():
            acc_ref[...] = part + jnp.float32(_S) * x[0:1, :]

        @pl.when(k > 0)
        def _():
            acc_ref[...] += part

        @pl.when(k == nsteps - 1)
        def _():
            maskf = (t != 0).astype(jnp.float32)
            out_ref[0, 0] = jnp.sum(maskf * acc_ref[...]) + jnp.float32(
                _C0
            ) * jnp.sum(maskf)

    return pl.pallas_call(
        body,
        grid=(nsteps,),
        in_specs=[
            pl.BlockSpec((_CB, _NTC), lambda k: (k, 0)),
            pl.BlockSpec((1, _NTC), lambda k: (0, 0)),
        ],
        out_specs=pl.BlockSpec(
            (1, 1), lambda k: (0, 0), memory_space=pltpu.SMEM
        ),
        out_shape=jax.ShapeDtypeStruct((1, 1), jnp.float32),
        scratch_shapes=[pltpu.VMEM((1, _NTC), jnp.float32)],
    )(xt, t1)


def _combine(tc_out, sc_out):
    def body(a_ref, b_ref, out_ref):
        out_ref[0, 0] = a_ref[0, 0] + jnp.sum(b_ref[...])

    return pl.pallas_call(
        body,
        in_specs=[
            pl.BlockSpec(memory_space=pltpu.SMEM),
            pl.BlockSpec((2, 16), lambda: (0, 0)),
        ],
        out_specs=pl.BlockSpec(memory_space=pltpu.SMEM),
        out_shape=jax.ShapeDtypeStruct((1, 1), jnp.float32),
    )(tc_out, sc_out)


def kernel(pred_scores, target_ids):
    xt = pred_scores.T
    t = target_ids.astype(jnp.int32)
    sc_out = _sc_cols(xt, t)
    return jnp.sum(sc_out)

# --- scband reference (transcript-rebuilt; emitter-appended) ---
"""Pipeline reference for scband-label-smoothing-2551210574145 (READ-ONLY COPY).

The authoritative reference and input builder live on the scoring server;
editing this copy changes nothing except your own understanding.
"""

import jax, jax.numpy as jnp
import numpy as np

VOCAB_SIZE = 100000
PADDING_IDX = 0
SMOOTHING = 0.1
CONFIDENCE = 1.0 - SMOOTHING
N = 1024


def setup_inputs(seed: int = 0) -> dict:
    key = jax.random.key(seed)
    k1, k2 = jax.random.split(key)
    pred_scores = jax.random.normal(k1, (N, VOCAB_SIZE), dtype=jnp.float32)
    target_ids = jax.random.randint(k2, (N,), 0, VOCAB_SIZE, dtype=jnp.int64 if jax.config.read('jax_enable_x64') else jnp.int32)
    return {"pred_scores": pred_scores, "target_ids": target_ids}


def reference(pred_scores, target_ids):
    # Build smoothed target distribution (detached, as in the torch module)
    dist = jnp.full(pred_scores.shape, SMOOTHING / (VOCAB_SIZE - 2), dtype=pred_scores.dtype)
    rows = jnp.arange(pred_scores.shape[0])
    # scatter_(dim=1, index=target_ids.unsqueeze(1), value=confidence)
    dist = dist.at[rows, target_ids].set(CONFIDENCE)
    # zero out padding column
    dist = dist.at[:, PADDING_IDX].set(0.0)
    # zero out rows whose target is the padding index (index_fill_ on masked rows)
    pad_mask = (target_ids == PADDING_IDX)
    dist = jnp.where(pad_mask[:, None], 0.0, dist)
    target = jax.lax.stop_gradient(dist)
    # KLDivLoss(reduction='sum'): sum over target * (log(target) - input), with 0*log(0)=0 (xlogy semantics)
    pointwise = jnp.where(target > 0, target * (jnp.log(jnp.where(target > 0, target, 1.0)) - pred_scores), 0.0)
    loss = jnp.sum(pointwise)
    return loss

if __name__ == "__main__":
    import jax
    _d = setup_inputs()
    print(jax.jit(kernel)(*tuple(_d.values())))

</pallas_src>

<mosaic_0001>
#map = affine_map<(d0, d1) -> (0, 0)>
#map1 = affine_map<(d0, d1) -> (0)>
module attributes {stable_mosaic.version = 14 : i64} {
  func.func @k(%arg0: i32, %arg1: i32, %arg2: memref<100000x1024xf32, #tpu.memory_space<hbm>>, %arg3: memref<1024xi32, #tpu.memory_space<hbm>>, %arg4: memref<2x16xf32, #tpu.memory_space<hbm>>, %arg5: memref<200x128xf32, #tpu.memory_space<vmem>>, %arg6: memref<200x128xf32, #tpu.memory_space<vmem>>, %arg7: memref<128xi32, #tpu.memory_space<vmem>>, %arg8: memref<256xf32, #tpu.memory_space<vmem>>, %arg9: memref<16x256xf32, #tpu.memory_space<vmem>>, %arg10: memref<16xf32, #tpu.memory_space<vmem>>, %arg11: memref<16x256xf32, #tpu.memory_space<vmem_shared>>, %arg12: memref<!tpu.dma_semaphore, #tpu.memory_space<semaphore_mem>>, %arg13: memref<!tpu.dma_semaphore, #tpu.memory_space<semaphore_mem>>) attributes {dimension_semantics = [#tpu.dimension_semantics<core_parallel>, #tpu.dimension_semantics<subcore_parallel>], iteration_bounds = array<i64: 2, 16>, scalar_prefetch = 0 : i64, scratch_operands = 9 : i64, tpu.core_type = #tpu.core_type<sc_vector_subcore>, window_params = [{transform_indices = #map}, {transform_indices = #map1}, {transform_indices = #map}]} {
    %mul3A = arith.constant 128 : i32
    %mul3A_0 = arith.muli %mul3A, %arg0 : i32
    %add3A = arith.constant 768 : i32
    %add3A_1 = arith.addi %add3A, %mul3A_0 : i32
    "tpu.region"() ({
      %run_scoped3A = tpu.sem_alloc : memref<!tpu.dma_semaphore, #tpu.memory_space<semaphore_mem>>
      %dma_start3A_102 = tpu.memref_slice %arg3[%add3A_1] : memref<1024xi32, #tpu.memory_space<hbm>> -> memref<128xi32, #tpu.memory_space<hbm>>
      %dma_start3A_103 = tpu.memref_slice %arg3[%add3A_1] : memref<1024xi32, #tpu.memory_space<hbm>> -> memref<128xi32, #tpu.memory_space<hbm>>
      tpu.enqueue_dma source(%dma_start3A_103 : memref<128xi32, #tpu.memory_space<hbm>>) target(%arg7 : memref<128xi32, #tpu.memory_space<vmem>>) target_semaphore(%run_scoped3A : memref<!tpu.dma_semaphore, #tpu.memory_space<semaphore_mem>>)
      %dma_wait3A_104 = tpu.memref_slice %arg3[%add3A_1] : memref<1024xi32, #tpu.memory_space<hbm>> -> memref<128xi32, #tpu.memory_space<hbm>>
      %dma_wait3A_105 = tpu.memref_slice %arg3[%add3A_1] : memref<1024xi32, #tpu.memory_space<hbm>> -> memref<128xi32, #tpu.memory_space<hbm>>
      tpu.wait_dma2 semaphore(%run_scoped3A : memref<!tpu.dma_semaphore, #tpu.memory_space<semaphore_mem>>) src(%dma_wait3A_105 : memref<128xi32, #tpu.memory_space<hbm>>) dst(%arg7 : memref<128xi32, #tpu.memory_space<vmem>>)
      tpu.yield
    }) : () -> ()
    %get3A = arith.constant 0 : index
    %get3A_2 = tpu.vector_load %arg7[%get3A] {strides = array<i32>} : memref<128xi32, #tpu.memory_space<vmem>>, vector<16xi32>,
    %get3A_3 = arith.constant 16 : index
    %get3A_4 = tpu.vector_load %arg7[%get3A_3] {strides = array<i32>} : memref<128xi32, #tpu.memory_space<vmem>>, vector<16xi32>,
    %get3A_5 = arith.constant 32 : index
    %get3A_6 = tpu.vector_load %arg7[%get3A_5] {strides = array<i32>} : memref<128xi32, #tpu.memory_space<vmem>>, vector<16xi32>,
    %get3A_7 = arith.constant 48 : index
    %get3A_8 = tpu.vector_load %arg7[%get3A_7] {strides = array<i32>} : memref<128xi32, #tpu.memory_space<vmem>>, vector<16xi32>,
    %get3A_9 = arith.constant 64 : index
    %get3A_10 = tpu.vector_load %arg7[%get3A_9] {strides = array<i32>} : memref<128xi32, #tpu.memory_space<vmem>>, vector<16xi32>,
    %get3A_11 = arith.constant 80 : index
    %get3A_12 = tpu.vector_load %arg7[%get3A_11] {strides = array<i32>} : memref<128xi32, #tpu.memory_space<vmem>>, vector<16xi32>,
    %get3A_13 = arith.constant 96 : index
    %get3A_14 = tpu.vector_load %arg7[%get3A_13] {strides = array<i32>} : memref<128xi32, #tpu.memory_space<vmem>>, vector<16xi32>,
    %get3A_15 = arith.constant 112 : index
    %get3A_16 = tpu.vector_load %arg7[%get3A_15] {strides = array<i32>} : memref<128xi32, #tpu.memory_space<vmem>>, vector<16xi32>,
    %iota3A = tpu.iota {dimensions = array<i32: 0>} : vector<16xi32>
    %add3A_17 = arith.constant 0 : i32
    %add3A_18 = vector.broadcast %add3A_17 : i32 to vector<16xi32>
    %add3A_19 = arith.addi %iota3A, %add3A_18 : vector<16xi32>
    %iota3A_20 = tpu.iota {dimensions = array<i32: 0>} : vector<16xi32>
    %add3A_21 = arith.constant 16 : i32
    %add3A_22 = vector.broadcast %add3A_21 : i32 to vector<16xi32>
    %add3A_23 = arith.addi %iota3A_20, %add3A_22 : vector<16xi32>
    %iota3A_24 = tpu.iota {dimensions = array<i32: 0>} : vector<16xi32>
    %add3A_25 = arith.constant 32 : i32
    %add3A_26 = vector.broadcast %add3A_25 : i32 to vector<16xi32>
    %add3A_27 = arith.addi %iota3A_24, %add3A_26 : vector<16xi32>
    %iota3A_28 = tpu.iota {dimensions = array<i32: 0>} : vector<16xi32>
    %add3A_29 = arith.constant 48 : i32
    %add3A_30 = vector.broadcast %add3A_29 : i32 to vector<16xi32>
    %add3A_31 = arith.addi %iota3A_28, %add3A_30 : vector<16xi32>
    %iota3A_32 = tpu.iota {dimensions = array<i32: 0>} : vector<16xi32>
    %add3A_33 = arith.constant 64 : i32
    %add3A_34 = vector.broadcast %add3A_33 : i32 to vector<16xi32>
    %add3A_35 = arith.addi %iota3A_32, %add3A_34 : vector<16xi32>
    %iota3A_36 = tpu.iota {dimensions = array<i32: 0>} : vector<16xi32>
    %add3A_37 = arith.constant 80 : i32
    %add3A_38 = vector.broadcast %add3A_37 : i32 to vector<16xi32>
    %add3A_39 = arith.addi %iota3A_36, %add3A_38 : vector<16xi32>
    %iota3A_40 = tpu.iota {dimensions = array<i32: 0>} : vector<16xi32>
    %add3A_41 = arith.constant 96 : i32
    %add3A_42 = vector.broadcast %add3A_41 : i32 to vector<16xi32>
    %add3A_43 = arith.addi %iota3A_40, %add3A_42 : vector<16xi32>
    %iota3A_44 = tpu.iota {dimensions = array<i32: 0>} : vector<16xi32>
    %add3A_45 = arith.constant 112 : i32
    %add3A_46 = vector.broadcast %add3A_45 : i32 to vector<16xi32>
    %add3A_47 = arith.addi %iota3A_44, %add3A_46 : vector<16xi32>
    %broadcast_in_dim3A = arith.constant 0.000000e+00 : f32
    %broadcast_in_dim3A_48 = vector.broadcast %broadcast_in_dim3A : f32 to vector<16xf32>
    %add3A_49 = arith.constant 0 : i32
    %add3A_50 = arith.addi %arg1, %add3A_49 : i32
    %lt3A = arith.constant 500 : i32
    %lt3A_51 = arith.cmpi slt, %add3A_50, %lt3A : i32
    %jit3A = arith.constant 0 : i32
    %select_n3A = arith.select %lt3A_51, %add3A_50, %jit3A : i32
    %mul3A_52 = arith.constant 200 : i32
    %mul3A_53 = arith.muli %select_n3A, %mul3A_52 : i32
    %dma_start3A = tpu.memref_slice %arg2[%mul3A_53, %add3A_1] : memref<100000x1024xf32, #tpu.memory_space<hbm>> -> memref<200x128xf32, #tpu.memory_space<hbm>>
    %dma_start3A_54 = tpu.memref_slice %arg2[%mul3A_53, %add3A_1] : memref<100000x1024xf32, #tpu.memory_space<hbm>> -> memref<200x128xf32, #tpu.memory_space<hbm>>
    tpu.enqueue_dma source(%dma_start3A_54 : memref<200x128xf32, #tpu.memory_space<hbm>>) target(%arg5 : memref<200x128xf32, #tpu.memory_space<vmem>>) target_semaphore(%arg12 : memref<!tpu.dma_semaphore, #tpu.memory_space<semaphore_mem>>)
    %scan3A = arith.constant 0 : i32
    %scan3A_55 = arith.constant 16 : i32
    %scan3A_56 = arith.addi %scan3A, %scan3A_55 : i32
    %scan3A_57 = arith.constant 1 : i32
    %scan3A_58:24 = scf.for %scan3A_102 = %scan3A to %scan3A_56 step %scan3A_57 iter_args(%scan3A_103 = %broadcast_in_dim3A_48, %scan3A_104 = %broadcast_in_dim3A_48, %scan3A_105 = %broadcast_in_dim3A_48, %scan3A_106 = %broadcast_in_dim3A_48, %scan3A_107 = %broadcast_in_dim3A_48, %scan3A_108 = %broadcast_in_dim3A_48, %scan3A_109 = %broadcast_in_dim3A_48, %scan3A_110 = %broadcast_in_dim3A_48, %scan3A_111 = %broadcast_in_dim3A_48, %scan3A_112 = %broadcast_in_dim3A_48, %scan3A_113 = %broadcast_in_dim3A_48, %scan3A_114 = %broadcast_in_dim3A_48, %scan3A_115 = %broadcast_in_dim3A_48, %scan3A_116 = %broadcast_in_dim3A_48, %scan3A_117 = %broadcast_in_dim3A_48, %scan3A_118 = %broadcast_in_dim3A_48, %scan3A_119 = %broadcast_in_dim3A_48, %scan3A_120 = %broadcast_in_dim3A_48, %scan3A_121 = %broadcast_in_dim3A_48, %scan3A_122 = %broadcast_in_dim3A_48, %scan3A_123 = %broadcast_in_dim3A_48, %scan3A_124 = %broadcast_in_dim3A_48, %scan3A_125 = %broadcast_in_dim3A_48, %scan3A_126 = %broadcast_in_dim3A_48) -> (vector<16xf32>, vector<16xf32>, vector<16xf32>, vector<16xf32>, vector<16xf32>, vector<16xf32>, vector<16xf32>, vector<16xf32>, vector<16xf32>, vector<16xf32>, vector<16xf32>, vector<16xf32>, vector<16xf32>, vector<16xf32>, vector<16xf32>, vector<16xf32>, vector<16xf32>, vector<16xf32>, vector<16xf32>, vector<16xf32>, vector<16xf32>, vector<16xf32>, vector<16xf32>, vector<16xf32>)  : i32 {
      %mul3A_127 = arith.constant 2 : i32
      %mul3A_128 = arith.muli %mul3A_127, %scan3A_102 : i32
      %add3A_129 = arith.constant 1 : i32
      %add3A_130 = arith.addi %mul3A_128, %add3A_129 : i32
      %mul3A_131 = arith.constant 16 : i32
      %mul3A_132 = arith.muli %mul3A_131, %add3A_130 : i32
      %add3A_133 = arith.addi %arg1, %mul3A_132 : i32
      %lt3A_134 = arith.constant 500 : i32
      %lt3A_135 = arith.cmpi slt, %add3A_133, %lt3A_134 : i32
      %jit3A_136 = arith.constant 0 : i32
      %select_n3A_137 = arith.select %lt3A_135, %add3A_133, %jit3A_136 : i32
      %mul3A_138 = arith.constant 200 : i32
      %mul3A_139 = arith.muli %select_n3A_137, %mul3A_138 : i32
      %dma_start3A_140 = tpu.memref_slice %arg2[%mul3A_139, %add3A_1] : memref<100000x1024xf32, #tpu.memory_space<hbm>> -> memref<200x128xf32, #tpu.memory_space<hbm>>
      %dma_start3A_141 = tpu.memref_slice %arg2[%mul3A_139, %add3A_1] : memref<100000x1024xf32, #tpu.memory_space<hbm>> -> memref<200x128xf32, #tpu.memory_space<hbm>>
      tpu.enqueue_dma source(%dma_start3A_141 : memref<200x128xf32, #tpu.memory_space<hbm>>) target(%arg6 : memref<200x128xf32, #tpu.memory_space<vmem>>) target_semaphore(%arg13 : memref<!tpu.dma_semaphore, #tpu.memory_space<semaphore_mem>>)
      %mul3A_142 = arith.constant 16 : i32
      %mul3A_143 = arith.muli %mul3A_142, %mul3A_128 : i32
      %add3A_144 = arith.addi %arg1, %mul3A_143 : i32
      %lt3A_145 = arith.constant 500 : i32
      %lt3A_146 = arith.cmpi slt, %add3A_144, %lt3A_145 : i32
      %jit3A_147 = arith.constant 0 : i32
      %select_n3A_148 = arith.select %lt3A_146, %add3A_144, %jit3A_147 : i32
      %mul3A_149 = arith.constant 200 : i32
      %mul3A_150 = arith.muli %select_n3A_148, %mul3A_149 : i32
      %dma_wait3A_151 = tpu.memref_slice %arg2[%mul3A_150, %add3A_1] : memref<100000x1024xf32, #tpu.memory_space<hbm>> -> memref<200x128xf32, #tpu.memory_space<hbm>>
      %dma_wait3A_152 = tpu.memref_slice %arg2[%mul3A_150, %add3A_1] : memref<100000x1024xf32, #tpu.memory_space<hbm>> -> memref<200x128xf32, #tpu.memory_space<hbm>>
      tpu.wait_dma2 semaphore(%arg12 : memref<!tpu.dma_semaphore, #tpu.memory_space<semaphore_mem>>) src(%dma_wait3A_152 : memref<200x128xf32, #tpu.memory_space<hbm>>) dst(%arg5 : memref<200x128xf32, #tpu.memory_space<vmem>>)
      %jit3A_153 = arith.constant 0 : i32
      %select_n3A_154 = arith.select %lt3A_146, %add3A_144, %jit3A_153 : i32
      %mul3A_155 = arith.constant 200 : i32
      %mul3A_156 = arith.muli %select_n3A_154, %mul3A_155 : i32
      %scan3A_157 = arith.constant 0 : i32
      %scan3A_158 = arith.constant 200 : i32
      %scan3A_159 = arith.addi %scan3A_157, %scan3A_158 : i32
      %scan3A_160 = arith.constant 1 : i32
      %scan3A_161:8 = scf.for %scan3A_651 = %scan3A_157 to %scan3A_159 step %scan3A_160 iter_args(%scan3A_652 = %broadcast_in_dim3A_48, %scan3A_653 = %broadcast_in_dim3A_48, %scan3A_654 = %broadcast_in_dim3A_48, %scan3A_655 = %broadcast_in_dim3A_48, %scan3A_656 = %broadcast_in_dim3A_48, %scan3A_657 = %broadcast_in_dim3A_48, %scan3A_658 = %broadcast_in_dim3A_48, %scan3A_659 = %broadcast_in_dim3A_48) -> (vector<16xf32>, vector<16xf32>, vector<16xf32>, vector<16xf32>, vector<16xf32>, vector<16xf32>, vector<16xf32>, vector<16xf32>)  : i32 {
        %get3A_660 = arith.index_cast %scan3A_651 : i32 to index
        %get3A_661 = arith.constant 0 : index
        %get3A_662 = tpu.vector_load %arg5[%get3A_660, %get3A_661] {strides = array<i32>} : memref<200x128xf32, #tpu.memory_space<vmem>>, vector<16xf32>,
        %add3A_663 = arith.addf %scan3A_652, %get3A_662 : vector<16xf32>
        %get3A_664 = arith.index_cast %scan3A_651 : i32 to index
        %get3A_665 = arith.constant 16 : index
        %get3A_666 = tpu.vector_load %arg5[%get3A_664, %get3A_665] {strides = array<i32>} : memref<200x128xf32, #tpu.memory_space<vmem>>, vector<16xf32>,
        %add3A_667 = arith.addf %scan3A_653, %get3A_666 : vector<16xf32>
        %get3A_668 = arith.index_cast %scan3A_651 : i32 to index
        %get3A_669 = arith.constant 32 : index
        %get3A_670 = tpu.vector_load %arg5[%get3A_668, %get3A_669] {strides = array<i32>} : memref<200x128xf32, #tpu.memory_space<vmem>>, vector<16xf32>,
        %add3A_671 = arith.addf %scan3A_654, %get3A_670 : vector<16xf32>
        %get3A_672 = arith.index_cast %scan3A_651 : i32 to index
        %get3A_673 = arith.constant 48 : index
        %get3A_674 = tpu.vector_load %arg5[%get3A_672, %get3A_673] {strides = array<i32>} : memref<200x128xf32, #tpu.memory_space<vmem>>, vector<16xf32>,
        %add3A_675 = arith.addf %scan3A_655, %get3A_674 : vector<16xf32>
        %get3A_676 = arith.index_cast %scan3A_651 : i32 to index
        %get3A_677 = arith.constant 64 : index
        %get3A_678 = tpu.vector_load %arg5[%get3A_676, %get3A_677] {strides = array<i32>} : memref<200x128xf32, #tpu.memory_space<vmem>>, vector<16xf32>,
        %add3A_679 = arith.addf %scan3A_656, %get3A_678 : vector<16xf32>
        %get3A_680 = arith.index_cast %scan3A_651 : i32 to index
        %get3A_681 = arith.constant 80 : index
        %get3A_682 = tpu.vector_load %arg5[%get3A_680, %get3A_681] {strides = array<i32>} : memref<200x128xf32, #tpu.memory_space<vmem>>, vector<16xf32>,
        %add3A_683 = arith.addf %scan3A_657, %get3A_682 : vector<16xf32>
        %get3A_684 = arith.index_cast %scan3A_651 : i32 to index
        %get3A_685 = arith.constant 96 : index
        %get3A_686 = tpu.vector_load %arg5[%get3A_684, %get3A_685] {strides = array<i32>} : memref<200x128xf32, #tpu.memory_space<vmem>>, vector<16xf32>,
        %add3A_687 = arith.addf %scan3A_658, %get3A_686 : vector<16xf32>
        %get3A_688 = arith.index_cast %scan3A_651 : i32 to index
        %get3A_689 = arith.constant 112 : index
        %get3A_690 = tpu.vector_load %arg5[%get3A_688, %get3A_689] {strides = array<i32>} : memref<200x128xf32, #tpu.memory_space<vmem>>, vector<16xf32>,
        %add3A_691 = arith.addf %scan3A_659, %get3A_690 : vector<16xf32>
        scf.yield %add3A_663, %add3A_667, %add3A_671, %add3A_675, %add3A_679, %add3A_683, %add3A_687, %add3A_691 : vector<16xf32>, vector<16xf32>, vector<16xf32>, vector<16xf32>, vector<16xf32>, vector<16xf32>, vector<16xf32>, vector<16xf32>
      }
      %scan3A_162 = arith.constant 200 : i32
      %eq3A_163 = arith.constant 0 : i32
      %eq3A_164 = arith.cmpi eq, %add3A_144, %eq3A_163 : i32
      %and3A = arith.andi %eq3A_164, %lt3A_146 : i1
      %jit3A_165 = arith.constant 0.000000e+00 : f32
      %broadcast_in_dim3A_166 = vector.broadcast %jit3A_165 : f32 to vector<16xf32>
      %select_n3A_167 = arith.select %lt3A_146, %scan3A_161#0, %broadcast_in_dim3A_166 : vector<16xf32>
      %add3A_168 = arith.addf %scan3A_103, %select_n3A_167 : vector<16xf32>
      %sub3A = vector.broadcast %mul3A_156 : i32 to vector<16xi32>
      %sub3A_169 = arith.subi %get3A_2, %sub3A : vector<16xi32>
      %ge3A = arith.constant 0 : i32
      %ge3A_170 = vector.broadcast %ge3A : i32 to vector<16xi32>
      %ge3A_171 = arith.cmpi sge, %sub3A_169, %ge3A_170 : vector<16xi32>
      %lt3A_172 = arith.constant 200 : i32
      %lt3A_173 = vector.broadcast %lt3A_172 : i32 to vector<16xi32>
      %lt3A_174 = arith.cmpi slt, %sub3A_169, %lt3A_173 : vector<16xi32>
      %and3A_175 = arith.andi %ge3A_171, %lt3A_174 : vector<16xi1>
      %and3A_176 = vector.broadcast %lt3A_146 : i1 to vector<16xi1>
      %and3A_177 = arith.andi %and3A_175, %and3A_176 : vector<16xi1>
      %jit3A_178 = arith.constant 0 : i32
      %broadcast_in_dim3A_179 = vector.broadcast %jit3A_178 : i32 to vector<16xi32>
      %select_n3A_180 = arith.select %and3A_177, %sub3A_169, %broadcast_in_dim3A_179 : vector<16xi1>, vector<16xi32>
      %gather3A = tpu.vector_load_idx %arg5[%select_n3A_180, %add3A_19] masked %and3A_177 : memref<200x128xf32, #tpu.memory_space<vmem>>[vector<16xi32>, vector<16xi32>], vector<16xf32>, vector<16xi1>
      %jit3A_181 = arith.constant 0.000000e+00 : f32
      %broadcast_in_dim3A_182 = vector.broadcast %jit3A_181 : f32 to vector<16xf32>
      %select_n3A_183 = arith.select %and3A_177, %gather3A, %broadcast_in_dim3A_182 : vector<16xi1>, vector<16xf32>
      %add3A_184 = arith.addf %scan3A_111, %select_n3A_183 : vector<16xf32>
      %get3A_185 = arith.constant 0 : i32
      %get3A_186 = arith.index_cast %get3A_185 : i32 to index
      %get3A_187 = arith.constant 0 : index
      %get3A_188 = tpu.vector_load %arg5[%get3A_186, %get3A_187] {strides = array<i32>} : memref<200x128xf32, #tpu.memory_space<vmem>>, vector<16xf32>,
      %select_n3A_189 = arith.select %and3A, %get3A_188, %scan3A_119 : vector<16xf32>
      %jit3A_190 = arith.constant 0.000000e+00 : f32
      %broadcast_in_dim3A_191 = vector.broadcast %jit3A_190 : f32 to vector<16xf32>
      %select_n3A_192 = arith.select %lt3A_146, %scan3A_161#1, %broadcast_in_dim3A_191 : vector<16xf32>
      %add3A_193 = arith.addf %scan3A_104, %select_n3A_192 : vector<16xf32>
      %sub3A_194 = vector.broadcast %mul3A_156 : i32 to vector<16xi32>
      %sub3A_195 = arith.subi %get3A_4, %sub3A_194 : vector<16xi32>
      %ge3A_196 = arith.constant 0 : i32
      %ge3A_197 = vector.broadcast %ge3A_196 : i32 to vector<16xi32>
      %ge3A_198 = arith.cmpi sge, %sub3A_195, %ge3A_197 : vector<16xi32>
      %lt3A_199 = arith.constant 200 : i32
      %lt3A_200 = vector.broadcast %lt3A_199 : i32 to vector<16xi32>
      %lt3A_201 = arith.cmpi slt, %sub3A_195, %lt3A_200 : vector<16xi32>
      %and3A_202 = arith.andi %ge3A_198, %lt3A_201 : vector<16xi1>
      %and3A_203 = vector.broadcast %lt3A_146 : i1 to vector<16xi1>
      %and3A_204 = arith.andi %and3A_202, %and3A_203 : vector<16xi1>
      %jit3A_205 = arith.constant 0 : i32
      %broadcast_in_dim3A_206 = vector.broadcast %jit3A_205 : i32 to vector<16xi32>
      %select_n3A_207 = arith.select %and3A_204, %sub3A_195, %broadcast_in_dim3A_206 : vector<16xi1>, vector<16xi32>
      %gather3A_208 = tpu.vector_load_idx %arg5[%select_n3A_207, %add3A_23] masked %and3A_204 : memref<200x128xf32, #tpu.memory_space<vmem>>[vector<16xi32>, vector<16xi32>], vector<16xf32>, vector<16xi1>
      %jit3A_209 = arith.constant 0.000000e+00 : f32
      %broadcast_in_dim3A_210 = vector.broadcast %jit3A_209 : f32 to vector<16xf32>
      %select_n3A_211 = arith.select %and3A_204, %gather3A_208, %broadcast_in_dim3A_210 : vector<16xi1>, vector<16xf32>
      %add3A_212 = arith.addf %scan3A_112, %select_n3A_211 : vector<16xf32>
      %get3A_213 = arith.constant 0 : i32
      %get3A_214 = arith.index_cast %get3A_213 : i32 to index
      %get3A_215 = arith.constant 16 : index
      %get3A_216 = tpu.vector_load %arg5[%get3A_214, %get3A_215] {strides = array<i32>} : memref<200x128xf32, #tpu.memory_space<vmem>>, vector<16xf32>,
      %select_n3A_217 = arith.select %and3A, %get3A_216, %scan3A_120 : vector<16xf32>
      %jit3A_218 = arith.constant 0.000000e+00 : f32
      %broadcast_in_dim3A_219 = vector.broadcast %jit3A_218 : f32 to vector<16xf32>
      %select_n3A_220 = arith.select %lt3A_146, %scan3A_161#2, %broadcast_in_dim3A_219 : vector<16xf32>
      %add3A_221 = arith.addf %scan3A_105, %select_n3A_220 : vector<16xf32>
      %sub3A_222 = vector.broadcast %mul3A_156 : i32 to vector<16xi32>
      %sub3A_223 = arith.subi %get3A_6, %sub3A_222 : vector<16xi32>
      %ge3A_224 = arith.constant 0 : i32
      %ge3A_225 = vector.broadcast %ge3A_224 : i32 to vector<16xi32>
      %ge3A_226 = arith.cmpi sge, %sub3A_223, %ge3A_225 : vector<16xi32>
      %lt3A_227 = arith.constant 200 : i32
      %lt3A_228 = vector.broadcast %lt3A_227 : i32 to vector<16xi32>
      %lt3A_229 = arith.cmpi slt, %sub3A_223, %lt3A_228 : vector<16xi32>
      %and3A_230 = arith.andi %ge3A_226, %lt3A_229 : vector<16xi1>
      %and3A_231 = vector.broadcast %lt3A_146 : i1 to vector<16xi1>
      %and3A_232 = arith.andi %and3A_230, %and3A_231 : vector<16xi1>
      %jit3A_233 = arith.constant 0 : i32
      %broadcast_in_dim3A_234 = vector.broadcast %jit3A_233 : i32 to vector<16xi32>
      %select_n3A_235 = arith.select %and3A_232, %sub3A_223, %broadcast_in_dim3A_234 : vector<16xi1>, vector<16xi32>
      %gather3A_236 = tpu.vector_load_idx %arg5[%select_n3A_235, %add3A_27] masked %and3A_232 : memref<200x128xf32, #tpu.memory_space<vmem>>[vector<16xi32>, vector<16xi32>], vector<16xf32>, vector<16xi1>
      %jit3A_237 = arith.constant 0.000000e+00 : f32
      %broadcast_in_dim3A_238 = vector.broadcast %jit3A_237 : f32 to vector<16xf32>
      %select_n3A_239 = arith.select %and3A_232, %gather3A_236, %broadcast_in_dim3A_238 : vector<16xi1>, vector<16xf32>
      %add3A_240 = arith.addf %scan3A_113, %select_n3A_239 : vector<16xf32>
      %get3A_241 = arith.constant 0 : i32
      %get3A_242 = arith.index_cast %get3A_241 : i32 to index
      %get3A_243 = arith.constant 32 : index
      %get3A_244 = tpu.vector_load %arg5[%get3A_242, %get3A_243] {strides = array<i32>} : memref<200x128xf32, #tpu.memory_space<vmem>>, vector<16xf32>,
      %select_n3A_245 = arith.select %and3A, %get3A_244, %scan3A_121 : vector<16xf32>
      %jit3A_246 = arith.constant 0.000000e+00 : f32
      %broadcast_in_dim3A_247 = vector.broadcast %jit3A_246 : f32 to vector<16xf32>
      %select_n3A_248 = arith.select %lt3A_146, %scan3A_161#3, %broadcast_in_dim3A_247 : vector<16xf32>
      %add3A_249 = arith.addf %scan3A_106, %select_n3A_248 : vector<16xf32>
      %sub3A_250 = vector.broadcast %mul3A_156 : i32 to vector<16xi32>
      %sub3A_251 = arith.subi %get3A_8, %sub3A_250 : vector<16xi32>
      %ge3A_252 = arith.constant 0 : i32
      %ge3A_253 = vector.broadcast %ge3A_252 : i32 to vector<16xi32>
      %ge3A_254 = arith.cmpi sge, %sub3A_251, %ge3A_253 : vector<16xi32>
      %lt3A_255 = arith.constant 200 : i32
      %lt3A_256 = vector.broadcast %lt3A_255 : i32 to vector<16xi32>
      %lt3A_257 = arith.cmpi slt, %sub3A_251, %lt3A_256 : vector<16xi32>
      %and3A_258 = arith.andi %ge3A_254, %lt3A_257 : vector<16xi1>
      %and3A_259 = vector.broadcast %lt3A_146 : i1 to vector<16xi1>
      %and3A_260 = arith.andi %and3A_258, %and3A_259 : vector<16xi1>
      %jit3A_261 = arith.constant 0 : i32
      %broadcast_in_dim3A_262 = vector.broadcast %jit3A_261 : i32 to vector<16xi32>
      %select_n3A_263 = arith.select %and3A_260, %sub3A_251, %broadcast_in_dim3A_262 : vector<16xi1>, vector<16xi32>
      %gather3A_264 = tpu.vector_load_idx %arg5[%select_n3A_263, %add3A_31] masked %and3A_260 : memref<200x128xf32, #tpu.memory_space<vmem>>[vector<16xi32>, vector<16xi32>], vector<16xf32>, vector<16xi1>
      %jit3A_265 = arith.constant 0.000000e+00 : f32
      %broadcast_in_dim3A_266 = vector.broadcast %jit3A_265 : f32 to vector<16xf32>
      %select_n3A_267 = arith.select %and3A_260, %gather3A_264, %broadcast_in_dim3A_266 : vector<16xi1>, vector<16xf32>
      %add3A_268 = arith.addf %scan3A_114, %select_n3A_267 : vector<16xf32>
      %get3A_269 = arith.constant 0 : i32
      %get3A_270 = arith.index_cast %get3A_269 : i32 to index
      %get3A_271 = arith.constant 48 : index
      %get3A_272 = tpu.vector_load %arg5[%get3A_270, %get3A_271] {strides = array<i32>} : memref<200x128xf32, #tpu.memory_space<vmem>>, vector<16xf32>,
      %select_n3A_273 = arith.select %and3A, %get3A_272, %scan3A_122 : vector<16xf32>
      %jit3A_274 = arith.constant 0.000000e+00 : f32
      %broadcast_in_dim3A_275 = vector.broadcast %jit3A_274 : f32 to vector<16xf32>
      %select_n3A_276 = arith.select %lt3A_146, %scan3A_161#4, %broadcast_in_dim3A_275 : vector<16xf32>
      %add3A_277 = arith.addf %scan3A_107, %select_n3A_276 : vector<16xf32>
      %sub3A_278 = vector.broadcast %mul3A_156 : i32 to vector<16xi32>
      %sub3A_279 = arith.subi %get3A_10, %sub3A_278 : vector<16xi32>
      %ge3A_280 = arith.constant 0 : i32
      %ge3A_281 = vector.broadcast %ge3A_280 : i32 to vector<16xi32>
      %ge3A_282 = arith.cmpi sge, %sub3A_279, %ge3A_281 : vector<16xi32>
      %lt3A_283 = arith.constant 200 : i32
      %lt3A_284 = vector.broadcast %lt3A_283 : i32 to vector<16xi32>
      %lt3A_285 = arith.cmpi slt, %sub3A_279, %lt3A_284 : vector<16xi32>
      %and3A_286 = arith.andi %ge3A_282, %lt3A_285 : vector<16xi1>
      %and3A_287 = vector.broadcast %lt3A_146 : i1 to vector<16xi1>
      %and3A_288 = arith.andi %and3A_286, %and3A_287 : vector<16xi1>
      %jit3A_289 = arith.constant 0 : i32
      %broadcast_in_dim3A_290 = vector.broadcast %jit3A_289 : i32 to vector<16xi32>
      %select_n3A_291 = arith.select %and3A_288, %sub3A_279, %broadcast_in_dim3A_290 : vector<16xi1>, vector<16xi32>
      %gather3A_292 = tpu.vector_load_idx %arg5[%select_n3A_291, %add3A_35] masked %and3A_288 : memref<200x128xf32, #tpu.memory_space<vmem>>[vector<16xi32>, vector<16xi32>], vector<16xf32>, vector<16xi1>
      %jit3A_293 = arith.constant 0.000000e+00 : f32
      %broadcast_in_dim3A_294 = vector.broadcast %jit3A_293 : f32 to vector<16xf32>
      %select_n3A_295 = arith.select %and3A_288, %gather3A_292, %broadcast_in_dim3A_294 : vector<16xi1>, vector<16xf32>
      %add3A_296 = arith.addf %scan3A_115, %select_n3A_295 : vector<16xf32>
      %get3A_297 = arith.constant 0 : i32
      %get3A_298 = arith.index_cast %get3A_297 : i32 to index
      %get3A_299 = arith.constant 64 : index
      %get3A_300 = tpu.vector_load %arg5[%get3A_298, %get3A_299] {strides = array<i32>} : memref<200x128xf32, #tpu.memory_space<vmem>>, vector<16xf32>,
      %select_n3A_301 = arith.select %and3A, %get3A_300, %scan3A_123 : vector<16xf32>
      %jit3A_302 = arith.constant 0.000000e+00 : f32
      %broadcast_in_dim3A_303 = vector.broadcast %jit3A_302 : f32 to vector<16xf32>
      %select_n3A_304 = arith.select %lt3A_146, %scan3A_161#5, %broadcast_in_dim3A_303 : vector<16xf32>
      %add3A_305 = arith.addf %scan3A_108, %select_n3A_304 : vector<16xf32>
      %sub3A_306 = vector.broadcast %mul3A_156 : i32 to vector<16xi32>
      %sub3A_307 = arith.subi %get3A_12, %sub3A_306 : vector<16xi32>
      %ge3A_308 = arith.constant 0 : i32
      %ge3A_309 = vector.broadcast %ge3A_308 : i32 to vector<16xi32>
      %ge3A_310 = arith.cmpi sge, %sub3A_307, %ge3A_309 : vector<16xi32>
      %lt3A_311 = arith.constant 200 : i32
      %lt3A_312 = vector.broadcast %lt3A_311 : i32 to vector<16xi32>
      %lt3A_313 = arith.cmpi slt, %sub3A_307, %lt3A_312 : vector<16xi32>
      %and3A_314 = arith.andi %ge3A_310, %lt3A_313 : vector<16xi1>
      %and3A_315 = vector.broadcast %lt3A_146 : i1 to vector<16xi1>
      %and3A_316 = arith.andi %and3A_314, %and3A_315 : vector<16xi1>
      %jit3A_317 = arith.constant 0 : i32
      %broadcast_in_dim3A_318 = vector.broadcast %jit3A_317 : i32 to vector<16xi32>
      %select_n3A_319 = arith.select %and3A_316, %sub3A_307, %broadcast_in_dim3A_318 : vector<16xi1>, vector<16xi32>
      %gather3A_320 = tpu.vector_load_idx %arg5[%select_n3A_319, %add3A_39] masked %and3A_316 : memref<200x128xf32, #tpu.memory_space<vmem>>[vector<16xi32>, vector<16xi32>], vector<16xf32>, vector<16xi1>
      %jit3A_321 = arith.constant 0.000000e+00 : f32
      %broadcast_in_dim3A_322 = vector.broadcast %jit3A_321 : f32 to vector<16xf32>
      %select_n3A_323 = arith.select %and3A_316, %gather3A_320, %broadcast_in_dim3A_322 : vector<16xi1>, vector<16xf32>
      %add3A_324 = arith.addf %scan3A_116, %select_n3A_323 : vector<16xf32>
      %get3A_325 = arith.constant 0 : i32
      %get3A_326 = arith.index_cast %get3A_325 : i32 to index
      %get3A_327 = arith.constant 80 : index
      %get3A_328 = tpu.vector_load %arg5[%get3A_326, %get3A_327] {strides = array<i32>} : memref<200x128xf32, #tpu.memory_space<vmem>>, vector<16xf32>,
      %select_n3A_329 = arith.select %and3A, %get3A_328, %scan3A_124 : vector<16xf32>
      %jit3A_330 = arith.constant 0.000000e+00 : f32
      %broadcast_in_dim3A_331 = vector.broadcast %jit3A_330 : f32 to vector<16xf32>
      %select_n3A_332 = arith.select %lt3A_146, %scan3A_161#6, %broadcast_in_dim3A_331 : vector<16xf32>
      %add3A_333 = arith.addf %scan3A_109, %select_n3A_332 : vector<16xf32>
      %sub3A_334 = vector.broadcast %mul3A_156 : i32 to vector<16xi32>
      %sub3A_335 = arith.subi %get3A_14, %sub3A_334 : vector<16xi32>
      %ge3A_336 = arith.constant 0 : i32
      %ge3A_337 = vector.broadcast %ge3A_336 : i32 to vector<16xi32>
      %ge3A_338 = arith.cmpi sge, %sub3A_335, %ge3A_337 : vector<16xi32>
      %lt3A_339 = arith.constant 200 : i32
      %lt3A_340 = vector.broadcast %lt3A_339 : i32 to vector<16xi32>
      %lt3A_341 = arith.cmpi slt, %sub3A_335, %lt3A_340 : vector<16xi32>
      %and3A_342 = arith.andi %ge3A_338, %lt3A_341 : vector<16xi1>
      %and3A_343 = vector.broadcast %lt3A_146 : i1 to vector<16xi1>
      %and3A_344 = arith.andi %and3A_342, %and3A_343 : vector<16xi1>
      %jit3A_345 = arith.constant 0 : i32
      %broadcast_in_dim3A_346 = vector.broadcast %jit3A_345 : i32 to vector<16xi32>
      %select_n3A_347 = arith.select %and3A_344, %sub3A_335, %broadcast_in_dim3A_346 : vector<16xi1>, vector<16xi32>
      %gather3A_348 = tpu.vector_load_idx %arg5[%select_n3A_347, %add3A_43] masked %and3A_344 : memref<200x128xf32, #tpu.memory_space<vmem>>[vector<16xi32>, vector<16xi32>], vector<16xf32>, vector<16xi1>
      %jit3A_349 = arith.constant 0.000000e+00 : f32
      %broadcast_in_dim3A_350 = vector.broadcast %jit3A_349 : f32 to vector<16xf32>
      %select_n3A_351 = arith.select %and3A_344, %gather3A_348, %broadcast_in_dim3A_350 : vector<16xi1>, vector<16xf32>
      %add3A_352 = arith.addf %scan3A_117, %select_n3A_351 : vector<16xf32>
      %get3A_353 = arith.constant 0 : i32
      %get3A_354 = arith.index_cast %get3A_353 : i32 to index
      %get3A_355 = arith.constant 96 : index
      %get3A_356 = tpu.vector_load %arg5[%get3A_354, %get3A_355] {strides = array<i32>} : memref<200x128xf32, #tpu.memory_space<vmem>>, vector<16xf32>,
      %select_n3A_357 = arith.select %and3A, %get3A_356, %scan3A_125 : vector<16xf32>
      %jit3A_358 = arith.constant 0.000000e+00 : f32
      %broadcast_in_dim3A_359 = vector.broadcast %jit3A_358 : f32 to vector<16xf32>
      %select_n3A_360 = arith.select %lt3A_146, %scan3A_161#7, %broadcast_in_dim3A_359 : vector<16xf32>
      %add3A_361 = arith.addf %scan3A_110, %select_n3A_360 : vector<16xf32>
      %sub3A_362 = vector.broadcast %mul3A_156 : i32 to vector<16xi32>
      %sub3A_363 = arith.subi %get3A_16, %sub3A_362 : vector<16xi32>
      %ge3A_364 = arith.constant 0 : i32
      %ge3A_365 = vector.broadcast %ge3A_364 : i32 to vector<16xi32>
      %ge3A_366 = arith.cmpi sge, %sub3A_363, %ge3A_365 : vector<16xi32>
      %lt3A_367 = arith.constant 200 : i32
      %lt3A_368 = vector.broadcast %lt3A_367 : i32 to vector<16xi32>
      %lt3A_369 = arith.cmpi slt, %sub3A_363, %lt3A_368 : vector<16xi32>
      %and3A_370 = arith.andi %ge3A_366, %lt3A_369 : vector<16xi1>
      %and3A_371 = vector.broadcast %lt3A_146 : i1 to vector<16xi1>
      %and3A_372 = arith.andi %and3A_370, %and3A_371 : vector<16xi1>
      %jit3A_373 = arith.constant 0 : i32
      %broadcast_in_dim3A_374 = vector.broadcast %jit3A_373 : i32 to vector<16xi32>
      %select_n3A_375 = arith.select %and3A_372, %sub3A_363, %broadcast_in_dim3A_374 : vector<16xi1>, vector<16xi32>
      %gather3A_376 = tpu.vector_load_idx %arg5[%select_n3A_375, %add3A_47] masked %and3A_372 : memref<200x128xf32, #tpu.memory_space<vmem>>[vector<16xi32>, vector<16xi32>], vector<16xf32>, vector<16xi1>
      %jit3A_377 = arith.constant 0.000000e+00 : f32
      %broadcast_in_dim3A_378 = vector.broadcast %jit3A_377 : f32 to vector<16xf32>
      %select_n3A_379 = arith.select %and3A_372, %gather3A_376, %broadcast_in_dim3A_378 : vector<16xi1>, vector<16xf32>
      %add3A_380 = arith.addf %scan3A_118, %select_n3A_379 : vector<16xf32>
      %get3A_381 = arith.constant 0 : i32
      %get3A_382 = arith.index_cast %get3A_381 : i32 to index
      %get3A_383 = arith.constant 112 : index
      %get3A_384 = tpu.vector_load %arg5[%get3A_382, %get3A_383] {strides = array<i32>} : memref<200x128xf32, #tpu.memory_space<vmem>>, vector<16xf32>,
      %select_n3A_385 = arith.select %and3A, %get3A_384, %scan3A_126 : vector<16xf32>
      %mul3A_386 = arith.constant 2 : i32
      %mul3A_387 = arith.muli %mul3A_386, %scan3A_102 : i32
      %add3A_388 = arith.constant 1 : i32
      %add3A_389 = arith.addi %mul3A_387, %add3A_388 : i32
      %add3A_390 = arith.constant 1 : i32
      %add3A_391 = arith.addi %add3A_389, %add3A_390 : i32
      %mul3A_392 = arith.constant 16 : i32
      %mul3A_393 = arith.muli %mul3A_392, %add3A_391 : i32
      %add3A_394 = arith.addi %arg1, %mul3A_393 : i32
      %lt3A_395 = arith.constant 500 : i32
      %lt3A_396 = arith.cmpi slt, %add3A_394, %lt3A_395 : i32
      %jit3A_397 = arith.constant 0 : i32
      %select_n3A_398 = arith.select %lt3A_396, %add3A_394, %jit3A_397 : i32
      %mul3A_399 = arith.constant 200 : i32
      %mul3A_400 = arith.muli %select_n3A_398, %mul3A_399 : i32
      %dma_start3A_401 = tpu.memref_slice %arg2[%mul3A_400, %add3A_1] : memref<100000x1024xf32, #tpu.memory_space<hbm>> -> memref<200x128xf32, #tpu.memory_space<hbm>>
      %dma_start3A_402 = tpu.memref_slice %arg2[%mul3A_400, %add3A_1] : memref<100000x1024xf32, #tpu.memory_space<hbm>> -> memref<200x128xf32, #tpu.memory_space<hbm>>
      tpu.enqueue_dma source(%dma_start3A_402 : memref<200x128xf32, #tpu.memory_space<hbm>>) target(%arg5 : memref<200x128xf32, #tpu.memory_space<vmem>>) target_semaphore(%arg12 : memref<!tpu.dma_semaphore, #tpu.memory_space<semaphore_mem>>)
      %mul3A_403 = arith.constant 16 : i32
      %mul3A_404 = arith.muli %mul3A_403, %add3A_389 : i32
      %add3A_405 = arith.addi %arg1, %mul3A_404 : i32
      %lt3A_406 = arith.constant 500 : i32
      %lt3A_407 = arith.cmpi slt, %add3A_405, %lt3A_406 : i32
      %jit3A_408 = arith.constant 0 : i32
      %select_n3A_409 = arith.select %lt3A_407, %add3A_405, %jit3A_408 : i32
      %mul3A_410 = arith.constant 200 : i32
      %mul3A_411 = arith.muli %select_n3A_409, %mul3A_410 : i32
      %dma_wait3A_412 = tpu.memref_slice %arg2[%mul3A_411, %add3A_1] : memref<100000x1024xf32, #tpu.memory_space<hbm>> -> memref<200x128xf32, #tpu.memory_space<hbm>>
      %dma_wait3A_413 = tpu.memref_slice %arg2[%mul3A_411, %add3A_1] : memref<100000x1024xf32, #tpu.memory_space<hbm>> -> memref<200x128xf32, #tpu.memory_space<hbm>>
      tpu.wait_dma2 semaphore(%arg13 : memref<!tpu.dma_semaphore, #tpu.memory_space<semaphore_mem>>) src(%dma_wait3A_413 : memref<200x128xf32, #tpu.memory_space<hbm>>) dst(%arg6 : memref<200x128xf32, #tpu.memory_space<vmem>>)
      %jit3A_414 = arith.constant 0 : i32
      %select_n3A_415 = arith.select %lt3A_407, %add3A_405, %jit3A_414 : i32
      %mul3A_416 = arith.constant 200 : i32
      %mul3A_417 = arith.muli %select_n3A_415, %mul3A_416 : i32
      %scan3A_418 = arith.constant 0 : i32
      %scan3A_419 = arith.constant 200 : i32
      %scan3A_420 = arith.addi %scan3A_418, %scan3A_419 : i32
      %scan3A_421 = arith.constant 1 : i32
      %scan3A_422:8 = scf.for %scan3A_651 = %scan3A_418 to %scan3A_420 step %scan3A_421 iter_args(%scan3A_652 = %broadcast_in_dim3A_48, %scan3A_653 = %broadcast_in_dim3A_48, %scan3A_654 = %broadcast_in_dim3A_48, %scan3A_655 = %broadcast_in_dim3A_48, %scan3A_656 = %broadcast_in_dim3A_48, %scan3A_657 = %broadcast_in_dim3A_48, %scan3A_658 = %broadcast_in_dim3A_48, %scan3A_659 = %broadcast_in_dim3A_48) -> (vector<16xf32>, vector<16xf32>, vector<16xf32>, vector<16xf32>, vector<16xf32>, vector<16xf32>, vector<16xf32>, vector<16xf32>)  : i32 {
        %get3A_660 = arith.index_cast %scan3A_651 : i32 to index
        %get3A_661 = arith.constant 0 : index
        %get3A_662 = tpu.vector_load %arg6[%get3A_660, %get3A_661] {strides = array<i32>} : memref<200x128xf32, #tpu.memory_space<vmem>>, vector<16xf32>,
        %add3A_663 = arith.addf %scan3A_652, %get3A_662 : vector<16xf32>
        %get3A_664 = arith.index_cast %scan3A_651 : i32 to index
        %get3A_665 = arith.constant 16 : index
        %get3A_666 = tpu.vector_load %arg6[%get3A_664, %get3A_665] {strides = array<i32>} : memref<200x128xf32, #tpu.memory_space<vmem>>, vector<16xf32>,
        %add3A_667 = arith.addf %scan3A_653, %get3A_666 : vector<16xf32>
        %get3A_668 = arith.index_cast %scan3A_651 : i32 to index
        %get3A_669 = arith.constant 32 : index
        %get3A_670 = tpu.vector_load %arg6[%get3A_668, %get3A_669] {strides = array<i32>} : memref<200x128xf32, #tpu.memory_space<vmem>>, vector<16xf32>,
        %add3A_671 = arith.addf %scan3A_654, %get3A_670 : vector<16xf32>
        %get3A_672 = arith.index_cast %scan3A_651 : i32 to index
        %get3A_673 = arith.constant 48 : index
        %get3A_674 = tpu.vector_load %arg6[%get3A_672, %get3A_673] {strides = array<i32>} : memref<200x128xf32, #tpu.memory_space<vmem>>, vector<16xf32>,
        %add3A_675 = arith.addf %scan3A_655, %get3A_674 : vector<16xf32>
        %get3A_676 = arith.index_cast %scan3A_651 : i32 to index
        %get3A_677 = arith.constant 64 : index
        %get3A_678 = tpu.vector_load %arg6[%get3A_676, %get3A_677] {strides = array<i32>} : memref<200x128xf32, #tpu.memory_space<vmem>>, vector<16xf32>,
        %add3A_679 = arith.addf %scan3A_656, %get3A_678 : vector<16xf32>
        %get3A_680 = arith.index_cast %scan3A_651 : i32 to index
        %get3A_681 = arith.constant 80 : index
        %get3A_682 = tpu.vector_load %arg6[%get3A_680, %get3A_681] {strides = array<i32>} : memref<200x128xf32, #tpu.memory_space<vmem>>, vector<16xf32>,
        %add3A_683 = arith.addf %scan3A_657, %get3A_682 : vector<16xf32>
        %get3A_684 = arith.index_cast %scan3A_651 : i32 to index
        %get3A_685 = arith.constant 96 : index
        %get3A_686 = tpu.vector_load %arg6[%get3A_684, %get3A_685] {strides = array<i32>} : memref<200x128xf32, #tpu.memory_space<vmem>>, vector<16xf32>,
        %add3A_687 = arith.addf %scan3A_658, %get3A_686 : vector<16xf32>
        %get3A_688 = arith.index_cast %scan3A_651 : i32 to index
        %get3A_689 = arith.constant 112 : index
        %get3A_690 = tpu.vector_load %arg6[%get3A_688, %get3A_689] {strides = array<i32>} : memref<200x128xf32, #tpu.memory_space<vmem>>, vector<16xf32>,
        %add3A_691 = arith.addf %scan3A_659, %get3A_690 : vector<16xf32>
        scf.yield %add3A_663, %add3A_667, %add3A_671, %add3A_675, %add3A_679, %add3A_683, %add3A_687, %add3A_691 : vector<16xf32>, vector<16xf32>, vector<16xf32>, vector<16xf32>, vector<16xf32>, vector<16xf32>, vector<16xf32>, vector<16xf32>
      }
      %scan3A_423 = arith.constant 200 : i32
      %eq3A_424 = arith.constant 0 : i32
      %eq3A_425 = arith.cmpi eq, %add3A_405, %eq3A_424 : i32
      %and3A_426 = arith.andi %eq3A_425, %lt3A_407 : i1
      %jit3A_427 = arith.constant 0.000000e+00 : f32
      %broadcast_in_dim3A_428 = vector.broadcast %jit3A_427 : f32 to vector<16xf32>
      %select_n3A_429 = arith.select %lt3A_407, %scan3A_422#0, %broadcast_in_dim3A_428 : vector<16xf32>
      %add3A_430 = arith.addf %add3A_168, %select_n3A_429 : vector<16xf32>
      %sub3A_431 = vector.broadcast %mul3A_417 : i32 to vector<16xi32>
      %sub3A_432 = arith.subi %get3A_2, %sub3A_431 : vector<16xi32>
      %ge3A_433 = arith.constant 0 : i32
      %ge3A_434 = vector.broadcast %ge3A_433 : i32 to vector<16xi32>
      %ge3A_435 = arith.cmpi sge, %sub3A_432, %ge3A_434 : vector<16xi32>
      %lt3A_436 = arith.constant 200 : i32
      %lt3A_437 = vector.broadcast %lt3A_436 : i32 to vector<16xi32>
      %lt3A_438 = arith.cmpi slt, %sub3A_432, %lt3A_437 : vector<16xi32>
      %and3A_439 = arith.andi %ge3A_435, %lt3A_438 : vector<16xi1>
      %and3A_440 = vector.broadcast %lt3A_407 : i1 to vector<16xi1>
      %and3A_441 = arith.andi %and3A_439, %and3A_440 : vector<16xi1>
      %jit3A_442 = arith.constant 0 : i32
      %broadcast_in_dim3A_443 = vector.broadcast %jit3A_442 : i32 to vector<16xi32>
      %select_n3A_444 = arith.select %and3A_441, %sub3A_432, %broadcast_in_dim3A_443 : vector<16xi1>, vector<16xi32>
      %gather3A_445 = tpu.vector_load_idx %arg6[%select_n3A_444, %add3A_19] masked %and3A_441 : memref<200x128xf32, #tpu.memory_space<vmem>>[vector<16xi32>, vector<16xi32>], vector<16xf32>, vector<16xi1>
      %jit3A_446 = arith.constant 0.000000e+00 : f32
      %broadcast_in_dim3A_447 = vector.broadcast %jit3A_446 : f32 to vector<16xf32>
      %select_n3A_448 = arith.select %and3A_441, %gather3A_445, %broadcast_in_dim3A_447 : vector<16xi1>, vector<16xf32>
      %add3A_449 = arith.addf %add3A_184, %select_n3A_448 : vector<16xf32>
      %get3A_450 = arith.constant 0 : i32
      %get3A_451 = arith.index_cast %get3A_450 : i32 to index
      %get3A_452 = arith.constant 0 : index
      %get3A_453 = tpu.vector_load %arg6[%get3A_451, %get3A_452] {strides = array<i32>} : memref<200x128xf32, #tpu.memory_space<vmem>>, vector<16xf32>,
      %select_n3A_454 = arith.select %and3A_426, %get3A_453, %select_n3A_189 : vector<16xf32>
      %jit3A_455 = arith.constant 0.000000e+00 : f32
      %broadcast_in_dim3A_456 = vector.broadcast %jit3A_455 : f32 to vector<16xf32>
      %select_n3A_457 = arith.select %lt3A_407, %scan3A_422#1, %broadcast_in_dim3A_456 : vector<16xf32>
      %add3A_458 = arith.addf %add3A_193, %select_n3A_457 : vector<16xf32>
      %sub3A_459 = vector.broadcast %mul3A_417 : i32 to vector<16xi32>
      %sub3A_460 = arith.subi %get3A_4, %sub3A_459 : vector<16xi32>
      %ge3A_461 = arith.constant 0 : i32
      %ge3A_462 = vector.broadcast %ge3A_461 : i32 to vector<16xi32>
      %ge3A_463 = arith.cmpi sge, %sub3A_460, %ge3A_462 : vector<16xi32>
      %lt3A_464 = arith.constant 200 : i32
      %lt3A_465 = vector.broadcast %lt3A_464 : i32 to vector<16xi32>
      %lt3A_466 = arith.cmpi slt, %sub3A_460, %lt3A_465 : vector<16xi32>
      %and3A_467 = arith.andi %ge3A_463, %lt3A_466 : vector<16xi1>
      %and3A_468 = vector.broadcast %lt3A_407 : i1 to vector<16xi1>
      %and3A_469 = arith.andi %and3A_467, %and3A_468 : vector<16xi1>
      %jit3A_470 = arith.constant 0 : i32
      %broadcast_in_dim3A_471 = vector.broadcast %jit3A_470 : i32 to vector<16xi32>
      %select_n3A_472 = arith.select %and3A_469, %sub3A_460, %broadcast_in_dim3A_471 : vector<16xi1>, vector<16xi32>
      %gather3A_473 = tpu.vector_load_idx %arg6[%select_n3A_472, %add3A_23] masked %and3A_469 : memref<200x128xf32, #tpu.memory_space<vmem>>[vector<16xi32>, vector<16xi32>], vector<16xf32>, vector<16xi1>
      %jit3A_474 = arith.constant 0.000000e+00 : f32
      %broadcast_in_dim3A_475 = vector.broadcast %jit3A_474 : f32 to vector<16xf32>
      %select_n3A_476 = arith.select %and3A_469, %gather3A_473, %broadcast_in_dim3A_475 : vector<16xi1>, vector<16xf32>
      %add3A_477 = arith.addf %add3A_212, %select_n3A_476 : vector<16xf32>
      %get3A_478 = arith.constant 0 : i32
      %get3A_479 = arith.index_cast %get3A_478 : i32 to index
      %get3A_480 = arith.constant 16 : index
      %get3A_481 = tpu.vector_load %arg6[%get3A_479, %get3A_480] {strides = array<i32>} : memref<200x128xf32, #tpu.memory_space<vmem>>, vector<16xf32>,
      %select_n3A_482 = arith.select %and3A_426, %get3A_481, %select_n3A_217 : vector<16xf32>
      %jit3A_483 = arith.constant 0.000000e+00 : f32
      %broadcast_in_dim3A_484 = vector.broadcast %jit3A_483 : f32 to vector<16xf32>
      %select_n3A_485 = arith.select %lt3A_407, %scan3A_422#2, %broadcast_in_dim3A_484 : vector<16xf32>
      %add3A_486 = arith.addf %add3A_221, %select_n3A_485 : vector<16xf32>
      %sub3A_487 = vector.broadcast %mul3A_417 : i32 to vector<16xi32>
      %sub3A_488 = arith.subi %get3A_6, %sub3A_487 : vector<16xi32>
      %ge3A_489 = arith.constant 0 : i32
      %ge3A_490 = vector.broadcast %ge3A_489 : i32 to vector<16xi32>
      %ge3A_491 = arith.cmpi sge, %sub3A_488, %ge3A_490 : vector<16xi32>
      %lt3A_492 = arith.constant 200 : i32
      %lt3A_493 = vector.broadcast %lt3A_492 : i32 to vector<16xi32>
      %lt3A_494 = arith.cmpi slt, %sub3A_488, %lt3A_493 : vector<16xi32>
      %and3A_495 = arith.andi %ge3A_491, %lt3A_494 : vector<16xi1>
      %and3A_496 = vector.broadcast %lt3A_407 : i1 to vector<16xi1>
      %and3A_497 = arith.andi %and3A_495, %and3A_496 : vector<16xi1>
      %jit3A_498 = arith.constant 0 : i32
      %broadcast_in_dim3A_499 = vector.broadcast %jit3A_498 : i32 to vector<16xi32>
      %select_n3A_500 = arith.select %and3A_497, %sub3A_488, %broadcast_in_dim3A_499 : vector<16xi1>, vector<16xi32>
      %gather3A_501 = tpu.vector_load_idx %arg6[%select_n3A_500, %add3A_27] masked %and3A_497 : memref<200x128xf32, #tpu.memory_space<vmem>>[vector<16xi32>, vector<16xi32>], vector<16xf32>, vector<16xi1>
      %jit3A_502 = arith.constant 0.000000e+00 : f32
      %broadcast_in_dim3A_503 = vector.broadcast %jit3A_502 : f32 to vector<16xf32>
      %select_n3A_504 = arith.select %and3A_497, %gather3A_501, %broadcast_in_dim3A_503 : vector<16xi1>, vector<16xf32>
      %add3A_505 = arith.addf %add3A_240, %select_n3A_504 : vector<16xf32>
      %get3A_506 = arith.constant 0 : i32
      %get3A_507 = arith.index_cast %get3A_506 : i32 to index
      %get3A_508 = arith.constant 32 : index
      %get3A_509 = tpu.vector_load %arg6[%get3A_507, %get3A_508] {strides = array<i32>} : memref<200x128xf32, #tpu.memory_space<vmem>>, vector<16xf32>,
      %select_n3A_510 = arith.select %and3A_426, %get3A_509, %select_n3A_245 : vector<16xf32>
      %jit3A_511 = arith.constant 0.000000e+00 : f32
      %broadcast_in_dim3A_512 = vector.broadcast %jit3A_511 : f32 to vector<16xf32>
      %select_n3A_513 = arith.select %lt3A_407, %scan3A_422#3, %broadcast_in_dim3A_512 : vector<16xf32>
      %add3A_514 = arith.addf %add3A_249, %select_n3A_513 : vector<16xf32>
      %sub3A_515 = vector.broadcast %mul3A_417 : i32 to vector<16xi32>
      %sub3A_516 = arith.subi %get3A_8, %sub3A_515 : vector<16xi32>
      %ge3A_517 = arith.constant 0 : i32
      %ge3A_518 = vector.broadcast %ge3A_517 : i32 to vector<16xi32>
      %ge3A_519 = arith.cmpi sge, %sub3A_516, %ge3A_518 : vector<16xi32>
      %lt3A_520 = arith.constant 200 : i32
      %lt3A_521 = vector.broadcast %lt3A_520 : i32 to vector<16xi32>
      %lt3A_522 = arith.cmpi slt, %sub3A_516, %lt3A_521 : vector<16xi32>
      %and3A_523 = arith.andi %ge3A_519, %lt3A_522 : vector<16xi1>
      %and3A_524 = vector.broadcast %lt3A_407 : i1 to vector<16xi1>
      %and3A_525 = arith.andi %and3A_523, %and3A_524 : vector<16xi1>
      %jit3A_526 = arith.constant 0 : i32
      %broadcast_in_dim3A_527 = vector.broadcast %jit3A_526 : i32 to vector<16xi32>
      %select_n3A_528 = arith.select %and3A_525, %sub3A_516, %broadcast_in_dim3A_527 : vector<16xi1>, vector<16xi32>
      %gather3A_529 = tpu.vector_load_idx %arg6[%select_n3A_528, %add3A_31] masked %and3A_525 : memref<200x128xf32, #tpu.memory_space<vmem>>[vector<16xi32>, vector<16xi32>], vector<16xf32>, vector<16xi1>
      %jit3A_530 = arith.constant 0.000000e+00 : f32
      %broadcast_in_dim3A_531 = vector.broadcast %jit3A_530 : f32 to vector<16xf32>
      %select_n3A_532 = arith.select %and3A_525, %gather3A_529, %broadcast_in_dim3A_531 : vector<16xi1>, vector<16xf32>
      %add3A_533 = arith.addf %add3A_268, %select_n3A_532 : vector<16xf32>
      %get3A_534 = arith.constant 0 : i32
      %get3A_535 = arith.index_cast %get3A_534 : i32 to index
      %get3A_536 = arith.constant 48 : index
      %get3A_537 = tpu.vector_load %arg6[%get3A_535, %get3A_536] {strides = array<i32>} : memref<200x128xf32, #tpu.memory_space<vmem>>, vector<16xf32>,
      %select_n3A_538 = arith.select %and3A_426, %get3A_537, %select_n3A_273 : vector<16xf32>
      %jit3A_539 = arith.constant 0.000000e+00 : f32
      %broadcast_in_dim3A_540 = vector.broadcast %jit3A_539 : f32 to vector<16xf32>
      %select_n3A_541 = arith.select %lt3A_407, %scan3A_422#4, %broadcast_in_dim3A_540 : vector<16xf32>
      %add3A_542 = arith.addf %add3A_277, %select_n3A_541 : vector<16xf32>
      %sub3A_543 = vector.broadcast %mul3A_417 : i32 to vector<16xi32>
      %sub3A_544 = arith.subi %get3A_10, %sub3A_543 : vector<16xi32>
      %ge3A_545 = arith.constant 0 : i32
      %ge3A_546 = vector.broadcast %ge3A_545 : i32 to vector<16xi32>
      %ge3A_547 = arith.cmpi sge, %sub3A_544, %ge3A_546 : vector<16xi32>
      %lt3A_548 = arith.constant 200 : i32
      %lt3A_549 = vector.broadcast %lt3A_548 : i32 to vector<16xi32>
      %lt3A_550 = arith.cmpi slt, %sub3A_544, %lt3A_549 : vector<16xi32>
      %and3A_551 = arith.andi %ge3A_547, %lt3A_550 : vector<16xi1>
      %and3A_552 = vector.broadcast %lt3A_407 : i1 to vector<16xi1>
      %and3A_553 = arith.andi %and3A_551, %and3A_552 : vector<16xi1>
      %jit3A_554 = arith.constant 0 : i32
      %broadcast_in_dim3A_555 = vector.broadcast %jit3A_554 : i32 to vector<16xi32>
      %select_n3A_556 = arith.select %and3A_553, %sub3A_544, %broadcast_in_dim3A_555 : vector<16xi1>, vector<16xi32>
      %gather3A_557 = tpu.vector_load_idx %arg6[%select_n3A_556, %add3A_35] masked %and3A_553 : memref<200x128xf32, #tpu.memory_space<vmem>>[vector<16xi32>, vector<16xi32>], vector<16xf32>, vector<16xi1>
      %jit3A_558 = arith.constant 0.000000e+00 : f32
      %broadcast_in_dim3A_559 = vector.broadcast %jit3A_558 : f32 to vector<16xf32>
      %select_n3A_560 = arith.select %and3A_553, %gather3A_557, %broadcast_in_dim3A_559 : vector<16xi1>, vector<16xf32>
      %add3A_561 = arith.addf %add3A_296, %select_n3A_560 : vector<16xf32>
      %get3A_562 = arith.constant 0 : i32
      %get3A_563 = arith.index_cast %get3A_562 : i32 to index
      %get3A_564 = arith.constant 64 : index
      %get3A_565 = tpu.vector_load %arg6[%get3A_563, %get3A_564] {strides = array<i32>} : memref<200x128xf32, #tpu.memory_space<vmem>>, vector<16xf32>,
      %select_n3A_566 = arith.select %and3A_426, %get3A_565, %select_n3A_301 : vector<16xf32>
      %jit3A_567 = arith.constant 0.000000e+00 : f32
      %broadcast_in_dim3A_568 = vector.broadcast %jit3A_567 : f32 to vector<16xf32>
      %select_n3A_569 = arith.select %lt3A_407, %scan3A_422#5, %broadcast_in_dim3A_568 : vector<16xf32>
      %add3A_570 = arith.addf %add3A_305, %select_n3A_569 : vector<16xf32>
      %sub3A_571 = vector.broadcast %mul3A_417 : i32 to vector<16xi32>
      %sub3A_572 = arith.subi %get3A_12, %sub3A_571 : vector<16xi32>
      %ge3A_573 = arith.constant 0 : i32
      %ge3A_574 = vector.broadcast %ge3A_573 : i32 to vector<16xi32>
      %ge3A_575 = arith.cmpi sge, %sub3A_572, %ge3A_574 : vector<16xi32>
      %lt3A_576 = arith.constant 200 : i32
      %lt3A_577 = vector.broadcast %lt3A_576 : i32 to vector<16xi32>
      %lt3A_578 = arith.cmpi slt, %sub3A_572, %lt3A_577 : vector<16xi32>
      %and3A_579 = arith.andi %ge3A_575, %lt3A_578 : vector<16xi1>
      %and3A_580 = vector.broadcast %lt3A_407 : i1 to vector<16xi1>
      %and3A_581 = arith.andi %and3A_579, %and3A_580 : vector<16xi1>
      %jit3A_582 = arith.constant 0 : i32
      %broadcast_in_dim3A_583 = vector.broadcast %jit3A_582 : i32 to vector<16xi32>
      %select_n3A_584 = arith.select %and3A_581, %sub3A_572, %broadcast_in_dim3A_583 : vector<16xi1>, vector<16xi32>
      %gather3A_585 = tpu.vector_load_idx %arg6[%select_n3A_584, %add3A_39] masked %and3A_581 : memref<200x128xf32, #tpu.memory_space<vmem>>[vector<16xi32>, vector<16xi32>], vector<16xf32>, vector<16xi1>
      %jit3A_586 = arith.constant 0.000000e+00 : f32
      %broadcast_in_dim3A_587 = vector.broadcast %jit3A_586 : f32 to vector<16xf32>
      %select_n3A_588 = arith.select %and3A_581, %gather3A_585, %broadcast_in_dim3A_587 : vector<16xi1>, vector<16xf32>
      %add3A_589 = arith.addf %add3A_324, %select_n3A_588 : vector<16xf32>
      %get3A_590 = arith.constant 0 : i32
      %get3A_591 = arith.index_cast %get3A_590 : i32 to index
      %get3A_592 = arith.constant 80 : index
      %get3A_593 = tpu.vector_load %arg6[%get3A_591, %get3A_592] {strides = array<i32>} : memref<200x128xf32, #tpu.memory_space<vmem>>, vector<16xf32>,
      %select_n3A_594 = arith.select %and3A_426, %get3A_593, %select_n3A_329 : vector<16xf32>
      %jit3A_595 = arith.constant 0.000000e+00 : f32
      %broadcast_in_dim3A_596 = vector.broadcast %jit3A_595 : f32 to vector<16xf32>
      %select_n3A_597 = arith.select %lt3A_407, %scan3A_422#6, %broadcast_in_dim3A_596 : vector<16xf32>
      %add3A_598 = arith.addf %add3A_333, %select_n3A_597 : vector<16xf32>
      %sub3A_599 = vector.broadcast %mul3A_417 : i32 to vector<16xi32>
      %sub3A_600 = arith.subi %get3A_14, %sub3A_599 : vector<16xi32>
      %ge3A_601 = arith.constant 0 : i32
      %ge3A_602 = vector.broadcast %ge3A_601 : i32 to vector<16xi32>
      %ge3A_603 = arith.cmpi sge, %sub3A_600, %ge3A_602 : vector<16xi32>
      %lt3A_604 = arith.constant 200 : i32
      %lt3A_605 = vector.broadcast %lt3A_604 : i32 to vector<16xi32>
      %lt3A_606 = arith.cmpi slt, %sub3A_600, %lt3A_605 : vector<16xi32>
      %and3A_607 = arith.andi %ge3A_603, %lt3A_606 : vector<16xi1>
      %and3A_608 = vector.broadcast %lt3A_407 : i1 to vector<16xi1>
      %and3A_609 = arith.andi %and3A_607, %and3A_608 : vector<16xi1>
      %jit3A_610 = arith.constant 0 : i32
      %broadcast_in_dim3A_611 = vector.broadcast %jit3A_610 : i32 to vector<16xi32>
      %select_n3A_612 = arith.select %and3A_609, %sub3A_600, %broadcast_in_dim3A_611 : vector<16xi1>, vector<16xi32>
      %gather3A_613 = tpu.vector_load_idx %arg6[%select_n3A_612, %add3A_43] masked %and3A_609 : memref<200x128xf32, #tpu.memory_space<vmem>>[vector<16xi32>, vector<16xi32>], vector<16xf32>, vector<16xi1>
      %jit3A_614 = arith.constant 0.000000e+00 : f32
      %broadcast_in_dim3A_615 = vector.broadcast %jit3A_614 : f32 to vector<16xf32>
      %select_n3A_616 = arith.select %and3A_609, %gather3A_613, %broadcast_in_dim3A_615 : vector<16xi1>, vector<16xf32>
      %add3A_617 = arith.addf %add3A_352, %select_n3A_616 : vector<16xf32>
      %get3A_618 = arith.constant 0 : i32
      %get3A_619 = arith.index_cast %get3A_618 : i32 to index
      %get3A_620 = arith.constant 96 : index
      %get3A_621 = tpu.vector_load %arg6[%get3A_619, %get3A_620] {strides = array<i32>} : memref<200x128xf32, #tpu.memory_space<vmem>>, vector<16xf32>,
      %select_n3A_622 = arith.select %and3A_426, %get3A_621, %select_n3A_357 : vector<16xf32>
      %jit3A_623 = arith.constant 0.000000e+00 : f32
      %broadcast_in_dim3A_624 = vector.broadcast %jit3A_623 : f32 to vector<16xf32>
      %select_n3A_625 = arith.select %lt3A_407, %scan3A_422#7, %broadcast_in_dim3A_624 : vector<16xf32>
      %add3A_626 = arith.addf %add3A_361, %select_n3A_625 : vector<16xf32>
      %sub3A_627 = vector.broadcast %mul3A_417 : i32 to vector<16xi32>
      %sub3A_628 = arith.subi %get3A_16, %sub3A_627 : vector<16xi32>
      %ge3A_629 = arith.constant 0 : i32
      %ge3A_630 = vector.broadcast %ge3A_629 : i32 to vector<16xi32>
      %ge3A_631 = arith.cmpi sge, %sub3A_628, %ge3A_630 : vector<16xi32>
      %lt3A_632 = arith.constant 200 : i32
      %lt3A_633 = vector.broadcast %lt3A_632 : i32 to vector<16xi32>
      %lt3A_634 = arith.cmpi slt, %sub3A_628, %lt3A_633 : vector<16xi32>
      %and3A_635 = arith.andi %ge3A_631, %lt3A_634 : vector<16xi1>
      %and3A_636 = vector.broadcast %lt3A_407 : i1 to vector<16xi1>
      %and3A_637 = arith.andi %and3A_635, %and3A_636 : vector<16xi1>
      %jit3A_638 = arith.constant 0 : i32
      %broadcast_in_dim3A_639 = vector.broadcast %jit3A_638 : i32 to vector<16xi32>
      %select_n3A_640 = arith.select %and3A_637, %sub3A_628, %broadcast_in_dim3A_639 : vector<16xi1>, vector<16xi32>
      %gather3A_641 = tpu.vector_load_idx %arg6[%select_n3A_640, %add3A_47] masked %and3A_637 : memref<200x128xf32, #tpu.memory_space<vmem>>[vector<16xi32>, vector<16xi32>], vector<16xf32>, vector<16xi1>
      %jit3A_642 = arith.constant 0.000000e+00 : f32
      %broadcast_in_dim3A_643 = vector.broadcast %jit3A_642 : f32 to vector<16xf32>
      %select_n3A_644 = arith.select %and3A_637, %gather3A_641, %broadcast_in_dim3A_643 : vector<16xi1>, vector<16xf32>
      %add3A_645 = arith.addf %add3A_380, %select_n3A_644 : vector<16xf32>
      %get3A_646 = arith.constant 0 : i32
      %get3A_647 = arith.index_cast %get3A_646 : i32 to index
      %get3A_648 = arith.constant 112 : index
      %get3A_649 = tpu.vector_load %arg6[%get3A_647, %get3A_648] {strides = array<i32>} : memref<200x128xf32, #tpu.memory_space<vmem>>, vector<16xf32>,
      %select_n3A_650 = arith.select %and3A_426, %get3A_649, %select_n3A_385 : vector<16xf32>
      scf.yield %add3A_430, %add3A_458, %add3A_486, %add3A_514, %add3A_542, %add3A_570, %add3A_598, %add3A_626, %add3A_449, %add3A_477, %add3A_505, %add3A_533, %add3A_561, %add3A_589, %add3A_617, %add3A_645, %select_n3A_454, %select_n3A_482, %select_n3A_510, %select_n3A_538, %select_n3A_566, %select_n3A_594, %select_n3A_622, %select_n3A_650 : vector<16xf32>, vector<16xf32>, vector<16xf32>, vector<16xf32>, vector<16xf32>, vector<16xf32>, vector<16xf32>, vector<16xf32>, vector<16xf32>, vector<16xf32>, vector<16xf32>, vector<16xf32>, vector<16xf32>, vector<16xf32>, vector<16xf32>, vector<16xf32>, vector<16xf32>, vector<16xf32>, vector<16xf32>, vector<16xf32>, vector<16xf32>, vector<16xf32>, vector<16xf32>, vector<16xf32>
    }
    %scan3A_59 = arith.constant 16 : i32
    %add3A_60 = arith.constant 512 : i32
    %add3A_61 = arith.addi %arg1, %add3A_60 : i32
    %lt3A_62 = arith.constant 500 : i32
    %lt3A_63 = arith.cmpi slt, %add3A_61, %lt3A_62 : i32
    %jit3A_64 = arith.constant 0 : i32
    %select_n3A_65 = arith.select %lt3A_63, %add3A_61, %jit3A_64 : i32
    %mul3A_66 = arith.constant 200 : i32
    %mul3A_67 = arith.muli %select_n3A_65, %mul3A_66 : i32
    %dma_wait3A = tpu.memref_slice %arg2[%mul3A_67, %add3A_1] : memref<100000x1024xf32, #tpu.memory_space<hbm>> -> memref<200x128xf32, #tpu.memory_space<hbm>>
    %dma_wait3A_68 = tpu.memref_slice %arg2[%mul3A_67, %add3A_1] : memref<100000x1024xf32, #tpu.memory_space<hbm>> -> memref<200x128xf32, #tpu.memory_space<hbm>>
    tpu.wait_dma2 semaphore(%arg12 : memref<!tpu.dma_semaphore, #tpu.memory_space<semaphore_mem>>) src(%dma_wait3A_68 : memref<200x128xf32, #tpu.memory_space<hbm>>) dst(%arg5 : memref<200x128xf32, #tpu.memory_space<vmem>>)
    %swap3A = arith.constant 0 : index
    %swap3A_69 = tpu.vector_load %arg8[%swap3A] {strides = array<i32>} : memref<256xf32, #tpu.memory_space<vmem>>, vector<16xf32>,
    tpu.vector_store %arg8[%swap3A], %scan3A_58#0 {strides = array<i32>} : memref<256xf32, #tpu.memory_space<vmem>>, vector<16xf32>,
    %swap3A_70 = arith.constant 128 : index
    %swap3A_71 = tpu.vector_load %arg8[%swap3A_70] {strides = array<i32>} : memref<256xf32, #tpu.memory_space<vmem>>, vector<16xf32>,
    tpu.vector_store %arg8[%swap3A_70], %scan3A_58#8 {strides = array<i32>} : memref<256xf32, #tpu.memory_space<vmem>>, vector<16xf32>,
    %swap3A_72 = arith.constant 16 : index
    %swap3A_73 = tpu.vector_load %arg8[%swap3A_72] {strides = array<i32>} : memref<256xf32, #tpu.memory_space<vmem>>, vector<16xf32>,
    tpu.vector_store %arg8[%swap3A_72], %scan3A_58#1 {strides = array<i32>} : memref<256xf32, #tpu.memory_space<vmem>>, vector<16xf32>,
    %swap3A_74 = arith.constant 144 : index
    %swap3A_75 = tpu.vector_load %arg8[%swap3A_74] {strides = array<i32>} : memref<256xf32, #tpu.memory_space<vmem>>, vector<16xf32>,
    tpu.vector_store %arg8[%swap3A_74], %scan3A_58#9 {strides = array<i32>} : memref<256xf32, #tpu.memory_space<vmem>>, vector<16xf32>,
    %swap3A_76 = arith.constant 32 : index
    %swap3A_77 = tpu.vector_load %arg8[%swap3A_76] {strides = array<i32>} : memref<256xf32, #tpu.memory_space<vmem>>, vector<16xf32>,
    tpu.vector_store %arg8[%swap3A_76], %scan3A_58#2 {strides = array<i32>} : memref<256xf32, #tpu.memory_space<vmem>>, vector<16xf32>,
    %swap3A_78 = arith.constant 160 : index
    %swap3A_79 = tpu.vector_load %arg8[%swap3A_78] {strides = array<i32>} : memref<256xf32, #tpu.memory_space<vmem>>, vector<16xf32>,
    tpu.vector_store %arg8[%swap3A_78], %scan3A_58#10 {strides = array<i32>} : memref<256xf32, #tpu.memory_space<vmem>>, vector<16xf32>,
    %swap3A_80 = arith.constant 48 : index
    %swap3A_81 = tpu.vector_load %arg8[%swap3A_80] {strides = array<i32>} : memref<256xf32, #tpu.memory_space<vmem>>, vector<16xf32>,
    tpu.vector_store %arg8[%swap3A_80], %scan3A_58#3 {strides = array<i32>} : memref<256xf32, #tpu.memory_space<vmem>>, vector<16xf32>,
    %swap3A_82 = arith.constant 176 : index
    %swap3A_83 = tpu.vector_load %arg8[%swap3A_82] {strides = array<i32>} : memref<256xf32, #tpu.memory_space<vmem>>, vector<16xf32>,
    tpu.vector_store %arg8[%swap3A_82], %scan3A_58#11 {strides = array<i32>} : memref<256xf32, #tpu.memory_space<vmem>>, vector<16xf32>,
    %swap3A_84 = arith.constant 64 : index
    %swap3A_85 = tpu.vector_load %arg8[%swap3A_84] {strides = array<i32>} : memref<256xf32, #tpu.memory_space<vmem>>, vector<16xf32>,
    tpu.vector_store %arg8[%swap3A_84], %scan3A_58#4 {strides = array<i32>} : memref<256xf32, #tpu.memory_space<vmem>>, vector<16xf32>,
    %swap3A_86 = arith.constant 192 : index
    %swap3A_87 = tpu.vector_load %arg8[%swap3A_86] {strides = array<i32>} : memref<256xf32, #tpu.memory_space<vmem>>, vector<16xf32>,
    tpu.vector_store %arg8[%swap3A_86], %scan3A_58#12 {strides = array<i32>} : memref<256xf32, #tpu.memory_space<vmem>>, vector<16xf32>,
    %swap3A_88 = arith.constant 80 : index
    %swap3A_89 = tpu.vector_load %arg8[%swap3A_88] {strides = array<i32>} : memref<256xf32, #tpu.memory_space<vmem>>, vector<16xf32>,
    tpu.vector_store %arg8[%swap3A_88], %scan3A_58#5 {strides = array<i32>} : memref<256xf32, #tpu.memory_space<vmem>>, vector<16xf32>,
    %swap3A_90 = arith.constant 208 : index
    %swap3A_91 = tpu.vector_load %arg8[%swap3A_90] {strides = array<i32>} : memref<256xf32, #tpu.memory_space<vmem>>, vector<16xf32>,
    tpu.vector_store %arg8[%swap3A_90], %scan3A_58#13 {strides = array<i32>} : memref<256xf32, #tpu.memory_space<vmem>>, vector<16xf32>,
    %swap3A_92 = arith.constant 96 : index
    %swap3A_93 = tpu.vector_load %arg8[%swap3A_92] {strides = array<i32>} : memref<256xf32, #tpu.memory_space<vmem>>, vector<16xf32>,
    tpu.vector_store %arg8[%swap3A_92], %scan3A_58#6 {strides = array<i32>} : memref<256xf32, #tpu.memory_space<vmem>>, vector<16xf32>,
    %swap3A_94 = arith.constant 224 : index
    %swap3A_95 = tpu.vector_load %arg8[%swap3A_94] {strides = array<i32>} : memref<256xf32, #tpu.memory_space<vmem>>, vector<16xf32>,
    tpu.vector_store %arg8[%swap3A_94], %scan3A_58#14 {strides = array<i32>} : memref<256xf32, #tpu.memory_space<vmem>>, vector<16xf32>,
    %swap3A_96 = arith.constant 112 : index
    %swap3A_97 = tpu.vector_load %arg8[%swap3A_96] {strides = array<i32>} : memref<256xf32, #tpu.memory_space<vmem>>, vector<16xf32>,
    tpu.vector_store %arg8[%swap3A_96], %scan3A_58#7 {strides = array<i32>} : memref<256xf32, #tpu.memory_space<vmem>>, vector<16xf32>,
    %swap3A_98 = arith.constant 240 : index
    %swap3A_99 = tpu.vector_load %arg8[%swap3A_98] {strides = array<i32>} : memref<256xf32, #tpu.memory_space<vmem>>, vector<16xf32>,
    tpu.vector_store %arg8[%swap3A_98], %scan3A_58#15 {strides = array<i32>} : memref<256xf32, #tpu.memory_space<vmem>>, vector<16xf32>,
    "tpu.region"() ({
      %run_scoped3A = tpu.sem_alloc : memref<!tpu.dma_semaphore, #tpu.memory_space<semaphore_mem>>
      %dma_start3A_102 = arith.constant 0 : i32
      %dma_start3A_103 = tpu.memref_slice %arg11[%arg1, %dma_start3A_102] : memref<16x256xf32, #tpu.memory_space<vmem_shared>> -> memref<1x256xf32, #tpu.memory_space<vmem_shared>>
      %dma_start3A_104 = tpu.memref_squeeze %dma_start3A_103 : memref<1x256xf32, #tpu.memory_space<vmem_shared>> -> memref<256xf32, #tpu.memory_space<vmem_shared>>
      %dma_start3A_105 = arith.constant 0 : i32
      %dma_start3A_106 = tpu.memref_slice %arg11[%arg1, %dma_start3A_105] : memref<16x256xf32, #tpu.memory_space<vmem_shared>> -> memref<1x256xf32, #tpu.memory_space<vmem_shared>>
      %dma_start3A_107 = tpu.memref_squeeze %dma_start3A_106 : memref<1x256xf32, #tpu.memory_space<vmem_shared>> -> memref<256xf32, #tpu.memory_space<vmem_shared>>
      tpu.enqueue_dma source(%arg8 : memref<256xf32, #tpu.memory_space<vmem>>) target(%dma_start3A_107 : memref<256xf32, #tpu.memory_space<vmem_shared>>) target_semaphore(%run_scoped3A : memref<!tpu.dma_semaphore, #tpu.memory_space<semaphore_mem>>)
      %dma_wait3A_108 = arith.constant 0 : i32
      %dma_wait3A_109 = tpu.memref_slice %arg11[%arg1, %dma_wait3A_108] : memref<16x256xf32, #tpu.memory_space<vmem_shared>> -> memref<1x256xf32, #tpu.memory_space<vmem_shared>>
      %dma_wait3A_110 = tpu.memref_squeeze %dma_wait3A_109 : memref<1x256xf32, #tpu.memory_space<vmem_shared>> -> memref<256xf32, #tpu.memory_space<vmem_shared>>
      %dma_wait3A_111 = arith.constant 0 : i32
      %dma_wait3A_112 = tpu.memref_slice %arg11[%arg1, %dma_wait3A_111] : memref<16x256xf32, #tpu.memory_space<vmem_shared>> -> memref<1x256xf32, #tpu.memory_space<vmem_shared>>
      %dma_wait3A_113 = tpu.memref_squeeze %dma_wait3A_112 : memref<1x256xf32, #tpu.memory_space<vmem_shared>> -> memref<256xf32, #tpu.memory_space<vmem_shared>>
      tpu.wait_dma2 semaphore(%run_scoped3A : memref<!tpu.dma_semaphore, #tpu.memory_space<semaphore_mem>>) src(%arg8 : memref<256xf32, #tpu.memory_space<vmem>>) dst(%dma_wait3A_113 : memref<256xf32, #tpu.memory_space<vmem_shared>>)
      tpu.yield
    }) : () -> ()
    %barrier3A = arith.constant 0 : index
    tpu.barrier barrier_id(%barrier3A)
    %eq3A = arith.constant 0 : i32
    %eq3A_100 = arith.cmpi eq, %arg1, %eq3A : i32
    %convert_element_type3A = arith.extui %eq3A_100 : i1 to i32
    %cond3A = arith.constant 0 : i32
    %cond3A_101 = arith.cmpi ne, %convert_element_type3A, %cond3A : i32
    scf.if %cond3A_101 {
      "tpu.region"() ({
        %run_scoped3A = tpu.sem_alloc : memref<!tpu.dma_semaphore, #tpu.memory_space<semaphore_mem>>
        tpu.enqueue_dma source(%arg11 : memref<16x256xf32, #tpu.memory_space<vmem_shared>>) target(%arg9 : memref<16x256xf32, #tpu.memory_space<vmem>>) target_semaphore(%run_scoped3A : memref<!tpu.dma_semaphore, #tpu.memory_space<semaphore_mem>>)
        tpu.wait_dma2 semaphore(%run_scoped3A : memref<!tpu.dma_semaphore, #tpu.memory_space<semaphore_mem>>) src(%arg11 : memref<16x256xf32, #tpu.memory_space<vmem_shared>>) dst(%arg9 : memref<16x256xf32, #tpu.memory_space<vmem>>)
        tpu.yield
      }) : () -> ()
      %get3A_102 = arith.constant 0 : i32
      %get3A_103 = arith.index_cast %get3A_102 : i32 to index
      %get3A_104 = arith.constant 0 : index
      %get3A_105 = tpu.vector_load %arg9[%get3A_103, %get3A_104] {strides = array<i32>} : memref<16x256xf32, #tpu.memory_space<vmem>>, vector<16xf32>,
      %add3A_106 = arith.addf %broadcast_in_dim3A_48, %get3A_105 : vector<16xf32>
      %get3A_107 = arith.constant 0 : i32
      %get3A_108 = arith.index_cast %get3A_107 : i32 to index
      %get3A_109 = arith.constant 128 : index
      %get3A_110 = tpu.vector_load %arg9[%get3A_108, %get3A_109] {strides = array<i32>} : memref<16x256xf32, #tpu.memory_space<vmem>>, vector<16xf32>,
      %add3A_111 = arith.addf %broadcast_in_dim3A_48, %get3A_110 : vector<16xf32>
      %get3A_112 = arith.constant 1 : i32
      %get3A_113 = arith.index_cast %get3A_112 : i32 to index
      %get3A_114 = arith.constant 0 : index
      %get3A_115 = tpu.vector_load %arg9[%get3A_113, %get3A_114] {strides = array<i32>} : memref<16x256xf32, #tpu.memory_space<vmem>>, vector<16xf32>,
      %add3A_116 = arith.addf %add3A_106, %get3A_115 : vector<16xf32>
      %get3A_117 = arith.constant 1 : i32
      %get3A_118 = arith.index_cast %get3A_117 : i32 to index
      %get3A_119 = arith.constant 128 : index
      %get3A_120 = tpu.vector_load %arg9[%get3A_118, %get3A_119] {strides = array<i32>} : memref<16x256xf32, #tpu.memory_space<vmem>>, vector<16xf32>,
      %add3A_121 = arith.addf %add3A_111, %get3A_120 : vector<16xf32>
      %get3A_122 = arith.constant 2 : i32
      %get3A_123 = arith.index_cast %get3A_122 : i32 to index
      %get3A_124 = arith.constant 0 : index
      %get3A_125 = tpu.vector_load %arg9[%get3A_123, %get3A_124] {strides = array<i32>} : memref<16x256xf32, #tpu.memory_space<vmem>>, vector<16xf32>,
      %add3A_126 = arith.addf %add3A_116, %get3A_125 : vector<16xf32>
      %get3A_127 = arith.constant 2 : i32
      %get3A_128 = arith.index_cast %get3A_127 : i32 to index
      %get3A_129 = arith.constant 128 : index
      %get3A_130 = tpu.vector_load %arg9[%get3A_128, %get3A_129] {strides = array<i32>} : memref<16x256xf32, #tpu.memory_space<vmem>>, vector<16xf32>,
      %add3A_131 = arith.addf %add3A_121, %get3A_130 : vector<16xf32>
      %get3A_132 = arith.constant 3 : i32
      %get3A_133 = arith.index_cast %get3A_132 : i32 to index
      %get3A_134 = arith.constant 0 : index
      %get3A_135 = tpu.vector_load %arg9[%get3A_133, %get3A_134] {strides = array<i32>} : memref<16x256xf32, #tpu.memory_space<vmem>>, vector<16xf32>,
      %add3A_136 = arith.addf %add3A_126, %get3A_135 : vector<16xf32>
      %get3A_137 = arith.constant 3 : i32
      %get3A_138 = arith.index_cast %get3A_137 : i32 to index
      %get3A_139 = arith.constant 128 : index
      %get3A_140 = tpu.vector_load %arg9[%get3A_138, %get3A_139] {strides = array<i32>} : memref<16x256xf32, #tpu.memory_space<vmem>>, vector<16xf32>,
      %add3A_141 = arith.addf %add3A_131, %get3A_140 : vector<16xf32>
      %get3A_142 = arith.constant 4 : i32
      %get3A_143 = arith.index_cast %get3A_142 : i32 to index
      %get3A_144 = arith.constant 0 : index
      %get3A_145 = tpu.vector_load %arg9[%get3A_143, %get3A_144] {strides = array<i32>} : memref<16x256xf32, #tpu.memory_space<vmem>>, vector<16xf32>,
      %add3A_146 = arith.addf %add3A_136, %get3A_145 : vector<16xf32>
      %get3A_147 = arith.constant 4 : i32
      %get3A_148 = arith.index_cast %get3A_147 : i32 to index
      %get3A_149 = arith.constant 128 : index
      %get3A_150 = tpu.vector_load %arg9[%get3A_148, %get3A_149] {strides = array<i32>} : memref<16x256xf32, #tpu.memory_space<vmem>>, vector<16xf32>,
      %add3A_151 = arith.addf %add3A_141, %get3A_150 : vector<16xf32>
      %get3A_152 = arith.constant 5 : i32
      %get3A_153 = arith.index_cast %get3A_152 : i32 to index
      %get3A_154 = arith.constant 0 : index
      %get3A_155 = tpu.vector_load %arg9[%get3A_153, %get3A_154] {strides = array<i32>} : memref<16x256xf32, #tpu.memory_space<vmem>>, vector<16xf32>,
      %add3A_156 = arith.addf %add3A_146, %get3A_155 : vector<16xf32>
      %get3A_157 = arith.constant 5 : i32
      %get3A_158 = arith.index_cast %get3A_157 : i32 to index
      %get3A_159 = arith.constant 128 : index
      %get3A_160 = tpu.vector_load %arg9[%get3A_158, %get3A_159] {strides = array<i32>} : memref<16x256xf32, #tpu.memory_space<vmem>>, vector<16xf32>,
      %add3A_161 = arith.addf %add3A_151, %get3A_160 : vector<16xf32>
      %get3A_162 = arith.constant 6 : i32
      %get3A_163 = arith.index_cast %get3A_162 : i32 to index
      %get3A_164 = arith.constant 0 : index
      %get3A_165 = tpu.vector_load %arg9[%get3A_163, %get3A_164] {strides = array<i32>} : memref<16x256xf32, #tpu.memory_space<vmem>>, vector<16xf32>,
      %add3A_166 = arith.addf %add3A_156, %get3A_165 : vector<16xf32>
      %get3A_167 = arith.constant 6 : i32
      %get3A_168 = arith.index_cast %get3A_167 : i32 to index
      %get3A_169 = arith.constant 128 : index
      %get3A_170 = tpu.vector_load %arg9[%get3A_168, %get3A_169] {strides = array<i32>} : memref<16x256xf32, #tpu.memory_space<vmem>>, vector<16xf32>,
      %add3A_171 = arith.addf %add3A_161, %get3A_170 : vector<16xf32>
      %get3A_172 = arith.constant 7 : i32
      %get3A_173 = arith.index_cast %get3A_172 : i32 to index
      %get3A_174 = arith.constant 0 : index
      %get3A_175 = tpu.vector_load %arg9[%get3A_173, %get3A_174] {strides = array<i32>} : memref<16x256xf32, #tpu.memory_space<vmem>>, vector<16xf32>,
      %add3A_176 = arith.addf %add3A_166, %get3A_175 : vector<16xf32>
      %get3A_177 = arith.constant 7 : i32
      %get3A_178 = arith.index_cast %get3A_177 : i32 to index
      %get3A_179 = arith.constant 128 : index
      %get3A_180 = tpu.vector_load %arg9[%get3A_178, %get3A_179] {strides = array<i32>} : memref<16x256xf32, #tpu.memory_space<vmem>>, vector<16xf32>,
      %add3A_181 = arith.addf %add3A_171, %get3A_180 : vector<16xf32>
      %get3A_182 = arith.constant 8 : i32
      %get3A_183 = arith.index_cast %get3A_182 : i32 to index
      %get3A_184 = arith.constant 0 : index
      %get3A_185 = tpu.vector_load %arg9[%get3A_183, %get3A_184] {strides = array<i32>} : memref<16x256xf32, #tpu.memory_space<vmem>>, vector<16xf32>,
      %add3A_186 = arith.addf %add3A_176, %get3A_185 : vector<16xf32>
      %get3A_187 = arith.constant 8 : i32
      %get3A_188 = arith.index_cast %get3A_187 : i32 to index
      %get3A_189 = arith.constant 128 : index
      %get3A_190 = tpu.vector_load %arg9[%get3A_188, %get3A_189] {strides = array<i32>} : memref<16x256xf32, #tpu.memory_space<vmem>>, vector<16xf32>,
      %add3A_191 = arith.addf %add3A_181, %get3A_190 : vector<16xf32>
      %get3A_192 = arith.constant 9 : i32
      %get3A_193 = arith.index_cast %get3A_192 : i32 to index
      %get3A_194 = arith.constant 0 : index
      %get3A_195 = tpu.vector_load %arg9[%get3A_193, %get3A_194] {strides = array<i32>} : memref<16x256xf32, #tpu.memory_space<vmem>>, vector<16xf32>,
      %add3A_196 = arith.addf %add3A_186, %get3A_195 : vector<16xf32>
      %get3A_197 = arith.constant 9 : i32
      %get3A_198 = arith.index_cast %get3A_197 : i32 to index
      %get3A_199 = arith.constant 128 : index
      %get3A_200 = tpu.vector_load %arg9[%get3A_198, %get3A_199] {strides = array<i32>} : memref<16x256xf32, #tpu.memory_space<vmem>>, vector<16xf32>,
      %add3A_201 = arith.addf %add3A_191, %get3A_200 : vector<16xf32>
      %get3A_202 = arith.constant 10 : i32
      %get3A_203 = arith.index_cast %get3A_202 : i32 to index
      %get3A_204 = arith.constant 0 : index
      %get3A_205 = tpu.vector_load %arg9[%get3A_203, %get3A_204] {strides = array<i32>} : memref<16x256xf32, #tpu.memory_space<vmem>>, vector<16xf32>,
      %add3A_206 = arith.addf %add3A_196, %get3A_205 : vector<16xf32>
      %get3A_207 = arith.constant 10 : i32
      %get3A_208 = arith.index_cast %get3A_207 : i32 to index
      %get3A_209 = arith.constant 128 : index
      %get3A_210 = tpu.vector_load %arg9[%get3A_208, %get3A_209] {strides = array<i32>} : memref<16x256xf32, #tpu.memory_space<vmem>>, vector<16xf32>,
      %add3A_211 = arith.addf %add3A_201, %get3A_210 : vector<16xf32>
      %get3A_212 = arith.constant 11 : i32
      %get3A_213 = arith.index_cast %get3A_212 : i32 to index
      %get3A_214 = arith.constant 0 : index
      %get3A_215 = tpu.vector_load %arg9[%get3A_213, %get3A_214] {strides = array<i32>} : memref<16x256xf32, #tpu.memory_space<vmem>>, vector<16xf32>,
      %add3A_216 = arith.addf %add3A_206, %get3A_215 : vector<16xf32>
      %get3A_217 = arith.constant 11 : i32
      %get3A_218 = arith.index_cast %get3A_217 : i32 to index
      %get3A_219 = arith.constant 128 : index
      %get3A_220 = tpu.vector_load %arg9[%get3A_218, %get3A_219] {strides = array<i32>} : memref<16x256xf32, #tpu.memory_space<vmem>>, vector<16xf32>,
      %add3A_221 = arith.addf %add3A_211, %get3A_220 : vector<16xf32>
      %get3A_222 = arith.constant 12 : i32
      %get3A_223 = arith.index_cast %get3A_222 : i32 to index
      %get3A_224 = arith.constant 0 : index
      %get3A_225 = tpu.vector_load %arg9[%get3A_223, %get3A_224] {strides = array<i32>} : memref<16x256xf32, #tpu.memory_space<vmem>>, vector<16xf32>,
      %add3A_226 = arith.addf %add3A_216, %get3A_225 : vector<16xf32>
      %get3A_227 = arith.constant 12 : i32
      %get3A_228 = arith.index_cast %get3A_227 : i32 to index
      %get3A_229 = arith.constant 128 : index
      %get3A_230 = tpu.vector_load %arg9[%get3A_228, %get3A_229] {strides = array<i32>} : memref<16x256xf32, #tpu.memory_space<vmem>>, vector<16xf32>,
      %add3A_231 = arith.addf %add3A_221, %get3A_230 : vector<16xf32>
      %get3A_232 = arith.constant 13 : i32
      %get3A_233 = arith.index_cast %get3A_232 : i32 to index
      %get3A_234 = arith.constant 0 : index
      %get3A_235 = tpu.vector_load %arg9[%get3A_233, %get3A_234] {strides = array<i32>} : memref<16x256xf32, #tpu.memory_space<vmem>>, vector<16xf32>,
      %add3A_236 = arith.addf %add3A_226, %get3A_235 : vector<16xf32>
      %get3A_237 = arith.constant 13 : i32
      %get3A_238 = arith.index_cast %get3A_237 : i32 to index
      %get3A_239 = arith.constant 128 : index
      %get3A_240 = tpu.vector_load %arg9[%get3A_238, %get3A_239] {strides = array<i32>} : memref<16x256xf32, #tpu.memory_space<vmem>>, vector<16xf32>,
      %add3A_241 = arith.addf %add3A_231, %get3A_240 : vector<16xf32>
      %get3A_242 = arith.constant 14 : i32
      %get3A_243 = arith.index_cast %get3A_242 : i32 to index
      %get3A_244 = arith.constant 0 : index
      %get3A_245 = tpu.vector_load %arg9[%get3A_243, %get3A_244] {strides = array<i32>} : memref<16x256xf32, #tpu.memory_space<vmem>>, vector<16xf32>,
      %add3A_246 = arith.addf %add3A_236, %get3A_245 : vector<16xf32>
      %get3A_247 = arith.constant 14 : i32
      %get3A_248 = arith.index_cast %get3A_247 : i32 to index
      %get3A_249 = arith.constant 128 : index
      %get3A_250 = tpu.vector_load %arg9[%get3A_248, %get3A_249] {strides = array<i32>} : memref<16x256xf32, #tpu.memory_space<vmem>>, vector<16xf32>,
      %add3A_251 = arith.addf %add3A_241, %get3A_250 : vector<16xf32>
      %get3A_252 = arith.constant 15 : i32
      %get3A_253 = arith.index_cast %get3A_252 : i32 to index
      %get3A_254 = arith.constant 0 : index
      %get3A_255 = tpu.vector_load %arg9[%get3A_253, %get3A_254] {strides = array<i32>} : memref<16x256xf32, #tpu.memory_space<vmem>>, vector<16xf32>,
      %add3A_256 = arith.addf %add3A_246, %get3A_255 : vector<16xf32>
      %get3A_257 = arith.constant 15 : i32
      %get3A_258 = arith.index_cast %get3A_257 : i32 to index
      %get3A_259 = arith.constant 128 : index
      %get3A_260 = tpu.vector_load %arg9[%get3A_258, %get3A_259] {strides = array<i32>} : memref<16x256xf32, #tpu.memory_space<vmem>>, vector<16xf32>,
      %add3A_261 = arith.addf %add3A_251, %get3A_260 : vector<16xf32>
      %mul3A_262 = arith.constant -1.000020e-06 : f32
      %mul3A_263 = vector.broadcast %mul3A_262 : f32 to vector<16xf32>
      %mul3A_264 = arith.mulf %mul3A_263, %add3A_256 : vector<16xf32>
      %mul3A_265 = arith.constant -8.999990e-01 : f32
      %mul3A_266 = vector.broadcast %mul3A_265 : f32 to vector<16xf32>
      %mul3A_267 = arith.mulf %mul3A_266, %add3A_261 : vector<16xf32>
      %add3A_268 = arith.addf %mul3A_264, %mul3A_267 : vector<16xf32>
      %mul3A_269 = arith.constant 1.000020e-06 : f32
      %mul3A_270 = vector.broadcast %mul3A_269 : f32 to vector<16xf32>
      %mul3A_271 = arith.mulf %mul3A_270, %scan3A_58#16 : vector<16xf32>
      %add3A_272 = arith.addf %add3A_268, %mul3A_271 : vector<16xf32>
      %ne3A = arith.constant 0 : i32
      %ne3A_273 = vector.broadcast %ne3A : i32 to vector<16xi32>
      %ne3A_274 = arith.cmpi ne, %get3A_2, %ne3A_273 : vector<16xi32>
      %add3A_275 = arith.constant -1.47637355 : f32
      %add3A_276 = vector.broadcast %add3A_275 : f32 to vector<16xf32>
      %add3A_277 = arith.addf %add3A_272, %add3A_276 : vector<16xf32>
      %jit3A_278 = arith.constant 0.000000e+00 : f32
      %broadcast_in_dim3A_279 = vector.broadcast %jit3A_278 : f32 to vector<16xf32>
      %select_n3A_280 = arith.select %ne3A_274, %add3A_277, %broadcast_in_dim3A_279 : vector<16xi1>, vector<16xf32>
      %add3A_281 = arith.addf %broadcast_in_dim3A_48, %select_n3A_280 : vector<16xf32>
      %get3A_282 = arith.constant 0 : i32
      %get3A_283 = arith.index_cast %get3A_282 : i32 to index
      %get3A_284 = arith.constant 16 : index
      %get3A_285 = tpu.vector_load %arg9[%get3A_283, %get3A_284] {strides = array<i32>} : memref<16x256xf32, #tpu.memory_space<vmem>>, vector<16xf32>,
      %add3A_286 = arith.addf %broadcast_in_dim3A_48, %get3A_285 : vector<16xf32>
      %get3A_287 = arith.constant 0 : i32
      %get3A_288 = arith.index_cast %get3A_287 : i32 to index
      %get3A_289 = arith.constant 144 : index
      %get3A_290 = tpu.vector_load %arg9[%get3A_288, %get3A_289] {strides = array<i32>} : memref<16x256xf32, #tpu.memory_space<vmem>>, vector<16xf32>,
      %add3A_291 = arith.addf %broadcast_in_dim3A_48, %get3A_290 : vector<16xf32>
      %get3A_292 = arith.constant 1 : i32
      %get3A_293 = arith.index_cast %get3A_292 : i32 to index
      %get3A_294 = arith.constant 16 : index
      %get3A_295 = tpu.vector_load %arg9[%get3A_293, %get3A_294] {strides = array<i32>} : memref<16x256xf32, #tpu.memory_space<vmem>>, vector<16xf32>,
      %add3A_296 = arith.addf %add3A_286, %get3A_295 : vector<16xf32>
      %get3A_297 = arith.constant 1 : i32
      %get3A_298 = arith.index_cast %get3A_297 : i32 to index
      %get3A_299 = arith.constant 144 : index
      %get3A_300 = tpu.vector_load %arg9[%get3A_298, %get3A_299] {strides = array<i32>} : memref<16x256xf32, #tpu.memory_space<vmem>>, vector<16xf32>,
      %add3A_301 = arith.addf %add3A_291, %get3A_300 : vector<16xf32>
      %get3A_302 = arith.constant 2 : i32
      %get3A_303 = arith.index_cast %get3A_302 : i32 to index
      %get3A_304 = arith.constant 16 : index
      %get3A_305 = tpu.vector_load %arg9[%get3A_303, %get3A_304] {strides = array<i32>} : memref<16x256xf32, #tpu.memory_space<vmem>>, vector<16xf32>,
      %add3A_306 = arith.addf %add3A_296, %get3A_305 : vector<16xf32>
      %get3A_307 = arith.constant 2 : i32
      %get3A_308 = arith.index_cast %get3A_307 : i32 to index
      %get3A_309 = arith.constant 144 : index
      %get3A_310 = tpu.vector_load %arg9[%get3A_308, %get3A_309] {strides = array<i32>} : memref<16x256xf32, #tpu.memory_space<vmem>>, vector<16xf32>,
      %add3A_311 = arith.addf %add3A_301, %get3A_310 : vector<16xf32>
      %get3A_312 = arith.constant 3 : i32
      %get3A_313 = arith.index_cast %get3A_312 : i32 to index
      %get3A_314 = arith.constant 16 : index
      %get3A_315 = tpu.vector_load %arg9[%get3A_313, %get3A_314] {strides = array<i32>} : memref<16x256xf32, #tpu.memory_space<vmem>>, vector<16xf32>,
      %add3A_316 = arith.addf %add3A_306, %get3A_315 : vector<16xf32>
      %get3A_317 = arith.constant 3 : i32
      %get3A_318 = arith.index_cast %get3A_317 : i32 to index
      %get3A_319 = arith.constant 144 : index
      %get3A_320 = tpu.vector_load %arg9[%get3A_318, %get3A_319] {strides = array<i32>} : memref<16x256xf32, #tpu.memory_space<vmem>>, vector<16xf32>,
      %add3A_321 = arith.addf %add3A_311, %get3A_320 : vector<16xf32>
      %get3A_322 = arith.constant 4 : i32
      %get3A_323 = arith.index_cast %get3A_322 : i32 to index
      %get3A_324 = arith.constant 16 : index
      %get3A_325 = tpu.vector_load %arg9[%get3A_323, %get3A_324] {strides = array<i32>} : memref<16x256xf32, #tpu.memory_space<vmem>>, vector<16xf32>,
      %add3A_326 = arith.addf %add3A_316, %get3A_325 : vector<16xf32>
      %get3A_327 = arith.constant 4 : i32
      %get3A_328 = arith.index_cast %get3A_327 : i32 to index
      %get3A_329 = arith.constant 144 : index
      %get3A_330 = tpu.vector_load %arg9[%get3A_328, %get3A_329] {strides = array<i32>} : memref<16x256xf32, #tpu.memory_space<vmem>>, vector<16xf32>,
      %add3A_331 = arith.addf %add3A_321, %get3A_330 : vector<16xf32>
      %get3A_332 = arith.constant 5 : i32
      %get3A_333 = arith.index_cast %get3A_332 : i32 to index
      %get3A_334 = arith.constant 16 : index
      %get3A_335 = tpu.vector_load %arg9[%get3A_333, %get3A_334] {strides = array<i32>} : memref<16x256xf32, #tpu.memory_space<vmem>>, vector<16xf32>,
      %add3A_336 = arith.addf %add3A_326, %get3A_335 : vector<16xf32>
      %get3A_337 = arith.constant 5 : i32
      %get3A_338 = arith.index_cast %get3A_337 : i32 to index
      %get3A_339 = arith.constant 144 : index
      %get3A_340 = tpu.vector_load %arg9[%get3A_338, %get3A_339] {strides = array<i32>} : memref<16x256xf32, #tpu.memory_space<vmem>>, vector<16xf32>,
      %add3A_341 = arith.addf %add3A_331, %get3A_340 : vector<16xf32>
      %get3A_342 = arith.constant 6 : i32
      %get3A_343 = arith.index_cast %get3A_342 : i32 to index
      %get3A_344 = arith.constant 16 : index
      %get3A_345 = tpu.vector_load %arg9[%get3A_343, %get3A_344] {strides = array<i32>} : memref<16x256xf32, #tpu.memory_space<vmem>>, vector<16xf32>,
      %add3A_346 = arith.addf %add3A_336, %get3A_345 : vector<16xf32>
      %get3A_347 = arith.constant 6 : i32
      %get3A_348 = arith.index_cast %get3A_347 : i32 to index
      %get3A_349 = arith.constant 144 : index
      %get3A_350 = tpu.vector_load %arg9[%get3A_348, %get3A_349] {strides = array<i32>} : memref<16x256xf32, #tpu.memory_space<vmem>>, vector<16xf32>,
      %add3A_351 = arith.addf %add3A_341, %get3A_350 : vector<16xf32>
      %get3A_352 = arith.constant 7 : i32
      %get3A_353 = arith.index_cast %get3A_352 : i32 to index
      %get3A_354 = arith.constant 16 : index
      %get3A_355 = tpu.vector_load %arg9[%get3A_353, %get3A_354] {strides = array<i32>} : memref<16x256xf32, #tpu.memory_space<vmem>>, vector<16xf32>,
      %add3A_356 = arith.addf %add3A_346, %get3A_355 : vector<16xf32>
      %get3A_357 = arith.constant 7 : i32
      %get3A_358 = arith.index_cast %get3A_357 : i32 to index
      %get3A_359 = arith.constant 144 : index
      %get3A_360 = tpu.vector_load %arg9[%get3A_358, %get3A_359] {strides = array<i32>} : memref<16x256xf32, #tpu.memory_space<vmem>>, vector<16xf32>,
      %add3A_361 = arith.addf %add3A_351, %get3A_360 : vector<16xf32>
      %get3A_362 = arith.constant 8 : i32
      %get3A_363 = arith.index_cast %get3A_362 : i32 to index
      %get3A_364 = arith.constant 16 : index
      %get3A_365 = tpu.vector_load %arg9[%get3A_363, %get3A_364] {strides = array<i32>} : memref<16x256xf32, #tpu.memory_space<vmem>>, vector<16xf32>,
      %add3A_366 = arith.addf %add3A_356, %get3A_365 : vector<16xf32>
      %get3A_367 = arith.constant 8 : i32
      %get3A_368 = arith.index_cast %get3A_367 : i32 to index
      %get3A_369 = arith.constant 144 : index
      %get3A_370 = tpu.vector_load %arg9[%get3A_368, %get3A_369] {strides = array<i32>} : memref<16x256xf32, #tpu.memory_space<vmem>>, vector<16xf32>,
      %add3A_371 = arith.addf %add3A_361, %get3A_370 : vector<16xf32>
      %get3A_372 = arith.constant 9 : i32
      %get3A_373 = arith.index_cast %get3A_372 : i32 to index
      %get3A_374 = arith.constant 16 : index
      %get3A_375 = tpu.vector_load %arg9[%get3A_373, %get3A_374] {strides = array<i32>} : memref<16x256xf32, #tpu.memory_space<vmem>>, vector<16xf32>,
      %add3A_376 = arith.addf %add3A_366, %get3A_375 : vector<16xf32>
      %get3A_377 = arith.constant 9 : i32
      %get3A_378 = arith.index_cast %get3A_377 : i32 to index
      %get3A_379 = arith.constant 144 : index
      %get3A_380 = tpu.vector_load %arg9[%get3A_378, %get3A_379] {strides = array<i32>} : memref<16x256xf32, #tpu.memory_space<vmem>>, vector<16xf32>,
      %add3A_381 = arith.addf %add3A_371, %get3A_380 : vector<16xf32>
      %get3A_382 = arith.constant 10 : i32
      %get3A_383 = arith.index_cast %get3A_382 : i32 to index
      %get3A_384 = arith.constant 16 : index
      %get3A_385 = tpu.vector_load %arg9[%get3A_383, %get3A_384] {strides = array<i32>} : memref<16x256xf32, #tpu.memory_space<vmem>>, vector<16xf32>,
      %add3A_386 = arith.addf %add3A_376, %get3A_385 : vector<16xf32>
      %get3A_387 = arith.constant 10 : i32
      %get3A_388 = arith.index_cast %get3A_387 : i32 to index
      %get3A_389 = arith.constant 144 : index
      %get3A_390 = tpu.vector_load %arg9[%get3A_388, %get3A_389] {strides = array<i32>} : memref<16x256xf32, #tpu.memory_space<vmem>>, vector<16xf32>,
      %add3A_391 = arith.addf %add3A_381, %get3A_390 : vector<16xf32>
      %get3A_392 = arith.constant 11 : i32
      %get3A_393 = arith.index_cast %get3A_392 : i32 to index
      %get3A_394 = arith.constant 16 : index
      %get3A_395 = tpu.vector_load %arg9[%get3A_393, %get3A_394] {strides = array<i32>} : memref<16x256xf32, #tpu.memory_space<vmem>>, vector<16xf32>,
      %add3A_396 = arith.addf %add3A_386, %get3A_395 : vector<16xf32>
      %get3A_397 = arith.constant 11 : i32
      %get3A_398 = arith.index_cast %get3A_397 : i32 to index
      %get3A_399 = arith.constant 144 : index
      %get3A_400 = tpu.vector_load %arg9[%get3A_398, %get3A_399] {strides = array<i32>} : memref<16x256xf32, #tpu.memory_space<vmem>>, vector<16xf32>,
      %add3A_401 = arith.addf %add3A_391, %get3A_400 : vector<16xf32>
      %get3A_402 = arith.constant 12 : i32
      %get3A_403 = arith.index_cast %get3A_402 : i32 to index
      %get3A_404 = arith.constant 16 : index
      %get3A_405 = tpu.vector_load %arg9[%get3A_403, %get3A_404] {strides = array<i32>} : memref<16x256xf32, #tpu.memory_space<vmem>>, vector<16xf32>,
      %add3A_406 = arith.addf %add3A_396, %get3A_405 : vector<16xf32>
      %get3A_407 = arith.constant 12 : i32
      %get3A_408 = arith.index_cast %get3A_407 : i32 to index
      %get3A_409 = arith.constant 144 : index
      %get3A_410 = tpu.vector_load %arg9[%get3A_408, %get3A_409] {strides = array<i32>} : memref<16x256xf32, #tpu.memory_space<vmem>>, vector<16xf32>,
      %add3A_411 = arith.addf %add3A_401, %get3A_410 : vector<16xf32>
      %get3A_412 = arith.constant 13 : i32
      %get3A_413 = arith.index_cast %get3A_412 : i32 to index
      %get3A_414 = arith.constant 16 : index
      %get3A_415 = tpu.vector_load %arg9[%get3A_413, %get3A_414] {strides = array<i32>} : memref<16x256xf32, #tpu.memory_space<vmem>>, vector<16xf32>,
      %add3A_416 = arith.addf %add3A_406, %get3A_415 : vector<16xf32>
      %get3A_417 = arith.constant 13 : i32
      %get3A_418 = arith.index_cast %get3A_417 : i32 to index
      %get3A_419 = arith.constant 144 : index
      %get3A_420 = tpu.vector_load %arg9[%get3A_418, %get3A_419] {strides = array<i32>} : memref<16x256xf32, #tpu.memory_space<vmem>>, vector<16xf32>,
      %add3A_421 = arith.addf %add3A_411, %get3A_420 : vector<16xf32>
      %get3A_422 = arith.constant 14 : i32
      %get3A_423 = arith.index_cast %get3A_422 : i32 to index
      %get3A_424 = arith.constant 16 : index
      %get3A_425 = tpu.vector_load %arg9[%get3A_423, %get3A_424] {strides = array<i32>} : memref<16x256xf32, #tpu.memory_space<vmem>>, vector<16xf32>,
      %add3A_426 = arith.addf %add3A_416, %get3A_425 : vector<16xf32>
      %get3A_427 = arith.constant 14 : i32
      %get3A_428 = arith.index_cast %get3A_427 : i32 to index
      %get3A_429 = arith.constant 144 : index
      %get3A_430 = tpu.vector_load %arg9[%get3A_428, %get3A_429] {strides = array<i32>} : memref<16x256xf32, #tpu.memory_space<vmem>>, vector<16xf32>,
      %add3A_431 = arith.addf %add3A_421, %get3A_430 : vector<16xf32>
      %get3A_432 = arith.constant 15 : i32
      %get3A_433 = arith.index_cast %get3A_432 : i32 to index
      %get3A_434 = arith.constant 16 : index
      %get3A_435 = tpu.vector_load %arg9[%get3A_433, %get3A_434] {strides = array<i32>} : memref<16x256xf32, #tpu.memory_space<vmem>>, vector<16xf32>,
      %add3A_436 = arith.addf %add3A_426, %get3A_435 : vector<16xf32>
      %get3A_437 = arith.constant 15 : i32
      %get3A_438 = arith.index_cast %get3A_437 : i32 to index
      %get3A_439 = arith.constant 144 : index
      %get3A_440 = tpu.vector_load %arg9[%get3A_438, %get3A_439] {strides = array<i32>} : memref<16x256xf32, #tpu.memory_space<vmem>>, vector<16xf32>,
      %add3A_441 = arith.addf %add3A_431, %get3A_440 : vector<16xf32>
      %mul3A_442 = arith.constant -1.000020e-06 : f32
      %mul3A_443 = vector.broadcast %mul3A_442 : f32 to vector<16xf32>
      %mul3A_444 = arith.mulf %mul3A_443, %add3A_436 : vector<16xf32>
      %mul3A_445 = arith.constant -8.999990e-01 : f32
      %mul3A_446 = vector.broadcast %mul3A_445 : f32 to vector<16xf32>
      %mul3A_447 = arith.mulf %mul3A_446, %add3A_441 : vector<16xf32>
      %add3A_448 = arith.addf %mul3A_444, %mul3A_447 : vector<16xf32>
      %mul3A_449 = arith.constant 1.000020e-06 : f32
      %mul3A_450 = vector.broadcast %mul3A_449 : f32 to vector<16xf32>
      %mul3A_451 = arith.mulf %mul3A_450, %scan3A_58#17 : vector<16xf32>
      %add3A_452 = arith.addf %add3A_448, %mul3A_451 : vector<16xf32>
      %ne3A_453 = arith.constant 0 : i32
      %ne3A_454 = vector.broadcast %ne3A_453 : i32 to vector<16xi32>
      %ne3A_455 = arith.cmpi ne, %get3A_4, %ne3A_454 : vector<16xi32>
      %add3A_456 = arith.constant -1.47637355 : f32
      %add3A_457 = vector.broadcast %add3A_456 : f32 to vector<16xf32>
      %add3A_458 = arith.addf %add3A_452, %add3A_457 : vector<16xf32>
      %jit3A_459 = arith.constant 0.000000e+00 : f32
      %broadcast_in_dim3A_460 = vector.broadcast %jit3A_459 : f32 to vector<16xf32>
      %select_n3A_461 = arith.select %ne3A_455, %add3A_458, %broadcast_in_dim3A_460 : vector<16xi1>, vector<16xf32>
      %add3A_462 = arith.addf %add3A_281, %select_n3A_461 : vector<16xf32>
      %get3A_463 = arith.constant 0 : i32
      %get3A_464 = arith.index_cast %get3A_463 : i32 to index
      %get3A_465 = arith.constant 32 : index
      %get3A_466 = tpu.vector_load %arg9[%get3A_464, %get3A_465] {strides = array<i32>} : memref<16x256xf32, #tpu.memory_space<vmem>>, vector<16xf32>,
      %add3A_467 = arith.addf %broadcast_in_dim3A_48, %get3A_466 : vector<16xf32>
      %get3A_468 = arith.constant 0 : i32
      %get3A_469 = arith.index_cast %get3A_468 : i32 to index
      %get3A_470 = arith.constant 160 : index
      %get3A_471 = tpu.vector_load %arg9[%get3A_469, %get3A_470] {strides = array<i32>} : memref<16x256xf32, #tpu.memory_space<vmem>>, vector<16xf32>,
      %add3A_472 = arith.addf %broadcast_in_dim3A_48, %get3A_471 : vector<16xf32>
      %get3A_473 = arith.constant 1 : i32
      %get3A_474 = arith.index_cast %get3A_473 : i32 to index
      %get3A_475 = arith.constant 32 : index
      %get3A_476 = tpu.vector_load %arg9[%get3A_474, %get3A_475] {strides = array<i32>} : memref<16x256xf32, #tpu.memory_space<vmem>>, vector<16xf32>,
      %add3A_477 = arith.addf %add3A_467, %get3A_476 : vector<16xf32>
      %get3A_478 = arith.constant 1 : i32
      %get3A_479 = arith.index_cast %get3A_478 : i32 to index
      %get3A_480 = arith.constant 160 : index
      %get3A_481 = tpu.vector_load %arg9[%get3A_479, %get3A_480] {strides = array<i32>} : memref<16x256xf32, #tpu.memory_space<vmem>>, vector<16xf32>,
      %add3A_482 = arith.addf %add3A_472, %get3A_481 : vector<16xf32>
      %get3A_483 = arith.constant 2 : i32
      %get3A_484 = arith.index_cast %get3A_483 : i32 to index
      %get3A_485 = arith.constant 32 : index
      %get3A_486 = tpu.vector_load %arg9[%get3A_484, %get3A_485] {strides = array<i32>} : memref<16x256xf32, #tpu.memory_space<vmem>>, vector<16xf32>,
      %add3A_487 = arith.addf %add3A_477, %get3A_486 : vector<16xf32>
      %get3A_488 = arith.constant 2 : i32
      %get3A_489 = arith.index_cast %get3A_488 : i32 to index
      %get3A_490 = arith.constant 160 : index
      %get3A_491 = tpu.vector_load %arg9[%get3A_489, %get3A_490] {strides = array<i32>} : memref<16x256xf32, #tpu.memory_space<vmem>>, vector<16xf32>,
      %add3A_492 = arith.addf %add3A_482, %get3A_491 : vector<16xf32>
      %get3A_493 = arith.constant 3 : i32
      %get3A_494 = arith.index_cast %get3A_493 : i32 to index
      %get3A_495 = arith.constant 32 : index
      %get3A_496 = tpu.vector_load %arg9[%get3A_494, %get3A_495] {strides = array<i32>} : memref<16x256xf32, #tpu.memory_space<vmem>>, vector<16xf32>,
      %add3A_497 = arith.addf %add3A_487, %get3A_496 : vector<16xf32>
      %get3A_498 = arith.constant 3 : i32
      %get3A_499 = arith.index_cast %get3A_498 : i32 to index
      %get3A_500 = arith.constant 160 : index
      %get3A_501 = tpu.vector_load %arg9[%get3A_499, %get3A_500] {strides = array<i32>} : memref<16x256xf32, #tpu.memory_space<vmem>>, vector<16xf32>,
      %add3A_502 = arith.addf %add3A_492, %get3A_501 : vector<16xf32>
      %get3A_503 = arith.constant 4 : i32
      %get3A_504 = arith.index_cast %get3A_503 : i32 to index
      %get3A_505 = arith.constant 32 : index
      %get3A_506 = tpu.vector_load %arg9[%get3A_504, %get3A_505] {strides = array<i32>} : memref<16x256xf32, #tpu.memory_space<vmem>>, vector<16xf32>,
      %add3A_507 = arith.addf %add3A_497, %get3A_506 : vector<16xf32>
      %get3A_508 = arith.constant 4 : i32
      %get3A_509 = arith.index_cast %get3A_508 : i32 to index
      %get3A_510 = arith.constant 160 : index
      %get3A_511 = tpu.vector_load %arg9[%get3A_509, %get3A_510] {strides = array<i32>} : memref<16x256xf32, #tpu.memory_space<vmem>>, vector<16xf32>,
      %add3A_512 = arith.addf %add3A_502, %get3A_511 : vector<16xf32>
      %get3A_513 = arith.constant 5 : i32
      %get3A_514 = arith.index_cast %get3A_513 : i32 to index
      %get3A_515 = arith.constant 32 : index
      %get3A_516 = tpu.vector_load %arg9[%get3A_514, %get3A_515] {strides = array<i32>} : memref<16x256xf32, #tpu.memory_space<vmem>>, vector<16xf32>,
      %add3A_517 = arith.addf %add3A_507, %get3A_516 : vector<16xf32>
      %get3A_518 = arith.constant 5 : i32
      %get3A_519 = arith.index_cast %get3A_518 : i32 to index
      %get3A_520 = arith.constant 160 : index
      %get3A_521 = tpu.vector_load %arg9[%get3A_519, %get3A_520] {strides = array<i32>} : memref<16x256xf32, #tpu.memory_space<vmem>>, vector<16xf32>,
      %add3A_522 = arith.addf %add3A_512, %get3A_521 : vector<16xf32>
      %get3A_523 = arith.constant 6 : i32
      %get3A_524 = arith.index_cast %get3A_523 : i32 to index
      %get3A_525 = arith.constant 32 : index
      %get3A_526 = tpu.vector_load %arg9[%get3A_524, %get3A_525] {strides = array<i32>} : memref<16x256xf32, #tpu.memory_space<vmem>>, vector<16xf32>,
      %add3A_527 = arith.addf %add3A_517, %get3A_526 : vector<16xf32>
      %get3A_528 = arith.constant 6 : i32
      %get3A_529 = arith.index_cast %get3A_528 : i32 to index
      %get3A_530 = arith.constant 160 : index
      %get3A_531 = tpu.vector_load %arg9[%get3A_529, %get3A_530] {strides = array<i32>} : memref<16x256xf32, #tpu.memory_space<vmem>>, vector<16xf32>,
      %add3A_532 = arith.addf %add3A_522, %get3A_531 : vector<16xf32>
      %get3A_533 = arith.constant 7 : i32
      %get3A_534 = arith.index_cast %get3A_533 : i32 to index
      %get3A_535 = arith.constant 32 : index
      %get3A_536 = tpu.vector_load %arg9[%get3A_534, %get3A_535] {strides = array<i32>} : memref<16x256xf32, #tpu.memory_space<vmem>>, vector<16xf32>,
      %add3A_537 = arith.addf %add3A_527, %get3A_536 : vector<16xf32>
      %get3A_538 = arith.constant 7 : i32
      %get3A_539 = arith.index_cast %get3A_538 : i32 to index
      %get3A_540 = arith.constant 160 : index
      %get3A_541 = tpu.vector_load %arg9[%get3A_539, %get3A_540] {strides = array<i32>} : memref<16x256xf32, #tpu.memory_space<vmem>>, vector<16xf32>,
      %add3A_542 = arith.addf %add3A_532, %get3A_541 : vector<16xf32>
      %get3A_543 = arith.constant 8 : i32
      %get3A_544 = arith.index_cast %get3A_543 : i32 to index
      %get3A_545 = arith.constant 32 : index
      %get3A_546 = tpu.vector_load %arg9[%get3A_544, %get3A_545] {strides = array<i32>} : memref<16x256xf32, #tpu.memory_space<vmem>>, vector<16xf32>,
      %add3A_547 = arith.addf %add3A_537, %get3A_546 : vector<16xf32>
      %get3A_548 = arith.constant 8 : i32
      %get3A_549 = arith.index_cast %get3A_548 : i32 to index
      %get3A_550 = arith.constant 160 : index
      %get3A_551 = tpu.vector_load %arg9[%get3A_549, %get3A_550] {strides = array<i32>} : memref<16x256xf32, #tpu.memory_space<vmem>>, vector<16xf32>,
      %add3A_552 = arith.addf %add3A_542, %get3A_551 : vector<16xf32>
      %get3A_553 = arith.constant 9 : i32
      %get3A_554 = arith.index_cast %get3A_553 : i32 to index
      %get3A_555 = arith.constant 32 : index
      %get3A_556 = tpu.vector_load %arg9[%get3A_554, %get3A_555] {strides = array<i32>} : memref<16x256xf32, #tpu.memory_space<vmem>>, vector<16xf32>,
      %add3A_557 = arith.addf %add3A_547, %get3A_556 : vector<16xf32>
      %get3A_558 = arith.constant 9 : i32
      %get3A_559 = arith.index_cast %get3A_558 : i32 to index
      %get3A_560 = arith.constant 160 : index
      %get3A_561 = tpu.vector_load %arg9[%get3A_559, %get3A_560] {strides = array<i32>} : memref<16x256xf32, #tpu.memory_space<vmem>>, vector<16xf32>,
      %add3A_562 = arith.addf %add3A_552, %get3A_561 : vector<16xf32>
      %get3A_563 = arith.constant 10 : i32
      %get3A_564 = arith.index_cast %get3A_563 : i32 to index
      %get3A_565 = arith.constant 32 : index
      %get3A_566 = tpu.vector_load %arg9[%get3A_564, %get3A_565] {strides = array<i32>} : memref<16x256xf32, #tpu.memory_space<vmem>>, vector<16xf32>,
      %add3A_567 = arith.addf %add3A_557, %get3A_566 : vector<16xf32>
      %get3A_568 = arith.constant 10 : i32
      %get3A_569 = arith.index_cast %get3A_568 : i32 to index
      %get3A_570 = arith.constant 160 : index
      %get3A_571 = tpu.vector_load %arg9[%get3A_569, %get3A_570] {strides = array<i32>} : memref<16x256xf32, #tpu.memory_space<vmem>>, vector<16xf32>,
      %add3A_572 = arith.addf %add3A_562, %get3A_571 : vector<16xf32>
      %get3A_573 = arith.constant 11 : i32
      %get3A_574 = arith.index_cast %get3A_573 : i32 to index
      %get3A_575 = arith.constant 32 : index
      %get3A_576 = tpu.vector_load %arg9[%get3A_574, %get3A_575] {strides = array<i32>} : memref<16x256xf32, #tpu.memory_space<vmem>>, vector<16xf32>,
      %add3A_577 = arith.addf %add3A_567, %get3A_576 : vector<16xf32>
      %get3A_578 = arith.constant 11 : i32
      %get3A_579 = arith.index_cast %get3A_578 : i32 to index
      %get3A_580 = arith.constant 160 : index
      %get3A_581 = tpu.vector_load %arg9[%get3A_579, %get3A_580] {strides = array<i32>} : memref<16x256xf32, #tpu.memory_space<vmem>>, vector<16xf32>,
      %add3A_582 = arith.addf %add3A_572, %get3A_581 : vector<16xf32>
      %get3A_583 = arith.constant 12 : i32
      %get3A_584 = arith.index_cast %get3A_583 : i32 to index
      %get3A_585 = arith.constant 32 : index
      %get3A_586 = tpu.vector_load %arg9[%get3A_584, %get3A_585] {strides = array<i32>} : memref<16x256xf32, #tpu.memory_space<vmem>>, vector<16xf32>,
      %add3A_587 = arith.addf %add3A_577, %get3A_586 : vector<16xf32>
      %get3A_588 = arith.constant 12 : i32
      %get3A_589 = arith.index_cast %get3A_588 : i32 to index
      %get3A_590 = arith.constant 160 : index
      %get3A_591 = tpu.vector_load %arg9[%get3A_589, %get3A_590] {strides = array<i32>} : memref<16x256xf32, #tpu.memory_space<vmem>>, vector<16xf32>,
      %add3A_592 = arith.addf %add3A_582, %get3A_591 : vector<16xf32>
      %get3A_593 = arith.constant 13 : i32
      %get3A_594 = arith.index_cast %get3A_593 : i32 to index
      %get3A_595 = arith.constant 32 : index
      %get3A_596 = tpu.vector_load %arg9[%get3A_594, %get3A_595] {strides = array<i32>} : memref<16x256xf32, #tpu.memory_space<vmem>>, vector<16xf32>,
      %add3A_597 = arith.addf %add3A_587, %get3A_596 : vector<16xf32>
      %get3A_598 = arith.constant 13 : i32
      %get3A_599 = arith.index_cast %get3A_598 : i32 to index
      %get3A_600 = arith.constant 160 : index
      %get3A_601 = tpu.vector_load %arg9[%get3A_599, %get3A_600] {strides = array<i32>} : memref<16x256xf32, #tpu.memory_space<vmem>>, vector<16xf32>,
      %add3A_602 = arith.addf %add3A_592, %get3A_601 : vector<16xf32>
      %get3A_603 = arith.constant 14 : i32
      %get3A_604 = arith.index_cast %get3A_603 : i32 to index
      %get3A_605 = arith.constant 32 : index
      %get3A_606 = tpu.vector_load %arg9[%get3A_604, %get3A_605] {strides = array<i32>} : memref<16x256xf32, #tpu.memory_space<vmem>>, vector<16xf32>,
      %add3A_607 = arith.addf %add3A_597, %get3A_606 : vector<16xf32>
      %get3A_608 = arith.constant 14 : i32
      %get3A_609 = arith.index_cast %get3A_608 : i32 to index
      %get3A_610 = arith.constant 160 : index
      %get3A_611 = tpu.vector_load %arg9[%get3A_609, %get3A_610] {strides = array<i32>} : memref<16x256xf32, #tpu.memory_space<vmem>>, vector<16xf32>,
      %add3A_612 = arith.addf %add3A_602, %get3A_611 : vector<16xf32>
      %get3A_613 = arith.constant 15 : i32
      %get3A_614 = arith.index_cast %get3A_613 : i32 to index
      %get3A_615 = arith.constant 32 : index
      %get3A_616 = tpu.vector_load %arg9[%get3A_614, %get3A_615] {strides = array<i32>} : memref<16x256xf32, #tpu.memory_space<vmem>>, vector<16xf32>,
      %add3A_617 = arith.addf %add3A_607, %get3A_616 : vector<16xf32>
      %get3A_618 = arith.constant 15 : i32
      %get3A_619 = arith.index_cast %get3A_618 : i32 to index
      %get3A_620 = arith.constant 160 : index
      %get3A_621 = tpu.vector_load %arg9[%get3A_619, %get3A_620] {strides = array<i32>} : memref<16x256xf32, #tpu.memory_space<vmem>>, vector<16xf32>,
      %add3A_622 = arith.addf %add3A_612, %get3A_621 : vector<16xf32>
      %mul3A_623 = arith.constant -1.000020e-06 : f32
      %mul3A_624 = vector.broadcast %mul3A_623 : f32 to vector<16xf32>
      %mul3A_625 = arith.mulf %mul3A_624, %add3A_617 : vector<16xf32>
      %mul3A_626 = arith.constant -8.999990e-01 : f32
      %mul3A_627 = vector.broadcast %mul3A_626 : f32 to vector<16xf32>
      %mul3A_628 = arith.mulf %mul3A_627, %add3A_622 : vector<16xf32>
      %add3A_629 = arith.addf %mul3A_625, %mul3A_628 : vector<16xf32>
      %mul3A_630 = arith.constant 1.000020e-06 : f32
      %mul3A_631 = vector.broadcast %mul3A_630 : f32 to vector<16xf32>
      %mul3A_632 = arith.mulf %mul3A_631, %scan3A_58#18 : vector<16xf32>
      %add3A_633 = arith.addf %add3A_629, %mul3A_632 : vector<16xf32>
      %ne3A_634 = arith.constant 0 : i32
      %ne3A_635 = vector.broadcast %ne3A_634 : i32 to vector<16xi32>
      %ne3A_636 = arith.cmpi ne, %get3A_6, %ne3A_635 : vector<16xi32>
      %add3A_637 = arith.constant -1.47637355 : f32
      %add3A_638 = vector.broadcast %add3A_637 : f32 to vector<16xf32>
      %add3A_639 = arith.addf %add3A_633, %add3A_638 : vector<16xf32>
      %jit3A_640 = arith.constant 0.000000e+00 : f32
      %broadcast_in_dim3A_641 = vector.broadcast %jit3A_640 : f32 to vector<16xf32>
      %select_n3A_642 = arith.select %ne3A_636, %add3A_639, %broadcast_in_dim3A_641 : vector<16xi1>, vector<16xf32>
      %add3A_643 = arith.addf %add3A_462, %select_n3A_642 : vector<16xf32>
      %get3A_644 = arith.constant 0 : i32
      %get3A_645 = arith.index_cast %get3A_644 : i32 to index
      %get3A_646 = arith.constant 48 : index
      %get3A_647 = tpu.vector_load %arg9[%get3A_645, %get3A_646] {strides = array<i32>} : memref<16x256xf32, #tpu.memory_space<vmem>>, vector<16xf32>,
      %add3A_648 = arith.addf %broadcast_in_dim3A_48, %get3A_647 : vector<16xf32>
      %get3A_649 = arith.constant 0 : i32
      %get3A_650 = arith.index_cast %get3A_649 : i32 to index
      %get3A_651 = arith.constant 176 : index
      %get3A_652 = tpu.vector_load %arg9[%get3A_650, %get3A_651] {strides = array<i32>} : memref<16x256xf32, #tpu.memory_space<vmem>>, vector<16xf32>,
      %add3A_653 = arith.addf %broadcast_in_dim3A_48, %get3A_652 : vector<16xf32>
      %get3A_654 = arith.constant 1 : i32
      %get3A_655 = arith.index_cast %get3A_654 : i32 to index
      %get3A_656 = arith.constant 48 : index
      %get3A_657 = tpu.vector_load %arg9[%get3A_655, %get3A_656] {strides = array<i32>} : memref<16x256xf32, #tpu.memory_space<vmem>>, vector<16xf32>,
      %add3A_658 = arith.addf %add3A_648, %get3A_657 : vector<16xf32>
      %get3A_659 = arith.constant 1 : i32
      %get3A_660 = arith.index_cast %get3A_659 : i32 to index
      %get3A_661 = arith.constant 176 : index
      %get3A_662 = tpu.vector_load %arg9[%get3A_660, %get3A_661] {strides = array<i32>} : memref<16x256xf32, #tpu.memory_space<vmem>>, vector<16xf32>,
      %add3A_663 = arith.addf %add3A_653, %get3A_662 : vector<16xf32>
      %get3A_664 = arith.constant 2 : i32
      %get3A_665 = arith.index_cast %get3A_664 : i32 to index
      %get3A_666 = arith.constant 48 : index
      %get3A_667 = tpu.vector_load %arg9[%get3A_665, %get3A_666] {strides = array<i32>} : memref<16x256xf32, #tpu.memory_space<vmem>>, vector<16xf32>,
      %add3A_668 = arith.addf %add3A_658, %get3A_667 : vector<16xf32>
      %get3A_669 = arith.constant 2 : i32
      %get3A_670 = arith.index_cast %get3A_669 : i32 to index
      %get3A_671 = arith.constant 176 : index
      %get3A_672 = tpu.vector_load %arg9[%get3A_670, %get3A_671] {strides = array<i32>} : memref<16x256xf32, #tpu.memory_space<vmem>>, vector<16xf32>,
      %add3A_673 = arith.addf %add3A_663, %get3A_672 : vector<16xf32>
      %get3A_674 = arith.constant 3 : i32
      %get3A_675 = arith.index_cast %get3A_674 : i32 to index
      %get3A_676 = arith.constant 48 : index
      %get3A_677 = tpu.vector_load %arg9[%get3A_675, %get3A_676] {strides = array<i32>} : memref<16x256xf32, #tpu.memory_space<vmem>>, vector<16xf32>,
      %add3A_678 = arith.addf %add3A_668, %get3A_677 : vector<16xf32>
      %get3A_679 = arith.constant 3 : i32
      %get3A_680 = arith.index_cast %get3A_679 : i32 to index
      %get3A_681 = arith.constant 176 : index
      %get3A_682 = tpu.vector_load %arg9[%get3A_680, %get3A_681] {strides = array<i32>} : memref<16x256xf32, #tpu.memory_space<vmem>>, vector<16xf32>,
      %add3A_683 = arith.addf %add3A_673, %get3A_682 : vector<16xf32>
      %get3A_684 = arith.constant 4 : i32
      %get3A_685 = arith.index_cast %get3A_684 : i32 to index
      %get3A_686 = arith.constant 48 : index
      %get3A_687 = tpu.vector_load %arg9[%get3A_685, %get3A_686] {strides = array<i32>} : memref<16x256xf32, #tpu.memory_space<vmem>>, vector<16xf32>,
      %add3A_688 = arith.addf %add3A_678, %get3A_687 : vector<16xf32>
      %get3A_689 = arith.constant 4 : i32
      %get3A_690 = arith.index_cast %get3A_689 : i32 to index
      %get3A_691 = arith.constant 176 : index
      %get3A_692 = tpu.vector_load %arg9[%get3A_690, %get3A_691] {strides = array<i32>} : memref<16x256xf32, #tpu.memory_space<vmem>>, vector<16xf32>,
      %add3A_693 = arith.addf %add3A_683, %get3A_692 : vector<16xf32>
      %get3A_694 = arith.constant 5 : i32
      %get3A_695 = arith.index_cast %get3A_694 : i32 to index
      %get3A_696 = arith.constant 48 : index
      %get3A_697 = tpu.vector_load %arg9[%get3A_695, %get3A_696] {strides = array<i32>} : memref<16x256xf32, #tpu.memory_space<vmem>>, vector<16xf32>,
      %add3A_698 = arith.addf %add3A_688, %get3A_697 : vector<16xf32>
      %get3A_699 = arith.constant 5 : i32
      %get3A_700 = arith.index_cast %get3A_699 : i32 to index
      %get3A_701 = arith.constant 176 : index
      %get3A_702 = tpu.vector_load %arg9[%get3A_700, %get3A_701] {strides = array<i32>} : memref<16x256xf32, #tpu.memory_space<vmem>>, vector<16xf32>,
      %add3A_703 = arith.addf %add3A_693, %get3A_702 : vector<16xf32>
      %get3A_704 = arith.constant 6 : i32
      %get3A_705 = arith.index_cast %get3A_704 : i32 to index
      %get3A_706 = arith.constant 48 : index
      %get3A_707 = tpu.vector_load %arg9[%get3A_705, %get3A_706] {strides = array<i32>} : memref<16x256xf32, #tpu.memory_space<vmem>>, vector<16xf32>,
      %add3A_708 = arith.addf %add3A_698, %get3A_707 : vector<16xf32>
      %get3A_709 = arith.constant 6 : i32
      %get3A_710 = arith.index_cast %get3A_709 : i32 to index
      %get3A_711 = arith.constant 176 : index
      %get3A_712 = tpu.vector_load %arg9[%get3A_710, %get3A_711] {strides = array<i32>} : memref<16x256xf32, #tpu.memory_space<vmem>>, vector<16xf32>,
      %add3A_713 = arith.addf %add3A_703, %get3A_712 : vector<16xf32>
      %get3A_714 = arith.constant 7 : i32
      %get3A_715 = arith.index_cast %get3A_714 : i32 to index
      %get3A_716 = arith.constant 48 : index
      %get3A_717 = tpu.vector_load %arg9[%get3A_715, %get3A_716] {strides = array<i32>} : memref<16x256xf32, #tpu.memory_space<vmem>>, vector<16xf32>,
      %add3A_718 = arith.addf %add3A_708, %get3A_717 : vector<16xf32>
      %get3A_719 = arith.constant 7 : i32
      %get3A_720 = arith.index_cast %get3A_719 : i32 to index
      %get3A_721 = arith.constant 176 : index
      %get3A_722 = tpu.vector_load %arg9[%get3A_720, %get3A_721] {strides = array<i32>} : memref<16x256xf32, #tpu.memory_space<vmem>>, vector<16xf32>,
      %add3A_723 = arith.addf %add3A_713, %get3A_722 : vector<16xf32>
      %get3A_724 = arith.constant 8 : i32
      %get3A_725 = arith.index_cast %get3A_724 : i32 to index
      %get3A_726 = arith.constant 48 : index
      %get3A_727 = tpu.vector_load %arg9[%get3A_725, %get3A_726] {strides = array<i32>} : memref<16x256xf32, #tpu.memory_space<vmem>>, vector<16xf32>,
      %add3A_728 = arith.addf %add3A_718, %get3A_727 : vector<16xf32>
      %get3A_729 = arith.constant 8 : i32
      %get3A_730 = arith.index_cast %get3A_729 : i32 to index
      %get3A_731 = arith.constant 176 : index
      %get3A_732 = tpu.vector_load %arg9[%get3A_730, %get3A_731] {strides = array<i32>} : memref<16x256xf32, #tpu.memory_space<vmem>>, vector<16xf32>,
      %add3A_733 = arith.addf %add3A_723, %get3A_732 : vector<16xf32>
      %get3A_734 = arith.constant 9 : i32
      %get3A_735 = arith.index_cast %get3A_734 : i32 to index
      %get3A_736 = arith.constant 48 : index
      %get3A_737 = tpu.vector_load %arg9[%get3A_735, %get3A_736] {strides = array<i32>} : memref<16x256xf32, #tpu.memory_space<vmem>>, vector<16xf32>,
      %add3A_738 = arith.addf %add3A_728, %get3A_737 : vector<16xf32>
      %get3A_739 = arith.constant 9 : i32
      %get3A_740 = arith.index_cast %get3A_739 : i32 to index
      %get3A_741 = arith.constant 176 : index
      %get3A_742 = tpu.vector_load %arg9[%get3A_740, %get3A_741] {strides = array<i32>} : memref<16x256xf32, #tpu.memory_space<vmem>>, vector<16xf32>,
      %add3A_743 = arith.addf %add3A_733, %get3A_742 : vector<16xf32>
      %get3A_744 = arith.constant 10 : i32
      %get3A_745 = arith.index_cast %get3A_744 : i32 to index
      %get3A_746 = arith.constant 48 : index
      %get3A_747 = tpu.vector_load %arg9[%get3A_745, %get3A_746] {strides = array<i32>} : memref<16x256xf32, #tpu.memory_space<vmem>>, vector<16xf32>,
      %add3A_748 = arith.addf %add3A_738, %get3A_747 : vector<16xf32>
      %get3A_749 = arith.constant 10 : i32
      %get3A_750 = arith.index_cast %get3A_749 : i32 to index
      %get3A_751 = arith.constant 176 : index
      %get3A_752 = tpu.vector_load %arg9[%get3A_750, %get3A_751] {strides = array<i32>} : memref<16x256xf32, #tpu.memory_space<vmem>>, vector<16xf32>,
      %add3A_753 = arith.addf %add3A_743, %get3A_752 : vector<16xf32>
      %get3A_754 = arith.constant 11 : i32
      %get3A_755 = arith.index_cast %get3A_754 : i32 to index
      %get3A_756 = arith.constant 48 : index
      %get3A_757 = tpu.vector_load %arg9[%get3A_755, %get3A_756] {strides = array<i32>} : memref<16x256xf32, #tpu.memory_space<vmem>>, vector<16xf32>,
      %add3A_758 = arith.addf %add3A_748, %get3A_757 : vector<16xf32>
      %get3A_759 = arith.constant 11 : i32
      %get3A_760 = arith.index_cast %get3A_759 : i32 to index
      %get3A_761 = arith.constant 176 : index
      %get3A_762 = tpu.vector_load %arg9[%get3A_760, %get3A_761] {strides = array<i32>} : memref<16x256xf32, #tpu.memory_space<vmem>>, vector<16xf32>,
      %add3A_763 = arith.addf %add3A_753, %get3A_762 : vector<16xf32>
      %get3A_764 = arith.constant 12 : i32
      %get3A_765 = arith.index_cast %get3A_764 : i32 to index
      %get3A_766 = arith.constant 48 : index
      %get3A_767 = tpu.vector_load %arg9[%get3A_765, %get3A_766] {strides = array<i32>} : memref<16x256xf32, #tpu.memory_space<vmem>>, vector<16xf32>,
      %add3A_768 = arith.addf %add3A_758, %get3A_767 : vector<16xf32>
      %get3A_769 = arith.constant 12 : i32
      %get3A_770 = arith.index_cast %get3A_769 : i32 to index
      %get3A_771 = arith.constant 176 : index
      %get3A_772 = tpu.vector_load %arg9[%get3A_770, %get3A_771] {strides = array<i32>} : memref<16x256xf32, #tpu.memory_space<vmem>>, vector<16xf32>,
      %add3A_773 = arith.addf %add3A_763, %get3A_772 : vector<16xf32>
      %get3A_774 = arith.constant 13 : i32
      %get3A_775 = arith.index_cast %get3A_774 : i32 to index
      %get3A_776 = arith.constant 48 : index
      %get3A_777 = tpu.vector_load %arg9[%get3A_775, %get3A_776] {strides = array<i32>} : memref<16x256xf32, #tpu.memory_space<vmem>>, vector<16xf32>,
      %add3A_778 = arith.addf %add3A_768, %get3A_777 : vector<16xf32>
      %get3A_779 = arith.constant 13 : i32
      %get3A_780 = arith.index_cast %get3A_779 : i32 to index
      %get3A_781 = arith.constant 176 : index
      %get3A_782 = tpu.vector_load %arg9[%get3A_780, %get3A_781] {strides = array<i32>} : memref<16x256xf32, #tpu.memory_space<vmem>>, vector<16xf32>,
      %add3A_783 = arith.addf %add3A_773, %get3A_782 : vector<16xf32>
      %get3A_784 = arith.constant 14 : i32
      %get3A_785 = arith.index_cast %get3A_784 : i32 to index
      %get3A_786 = arith.constant 48 : index
      %get3A_787 = tpu.vector_load %arg9[%get3A_785, %get3A_786] {strides = array<i32>} : memref<16x256xf32, #tpu.memory_space<vmem>>, vector<16xf32>,
      %add3A_788 = arith.addf %add3A_778, %get3A_787 : vector<16xf32>
      %get3A_789 = arith.constant 14 : i32
      %get3A_790 = arith.index_cast %get3A_789 : i32 to index
      %get3A_791 = arith.constant 176 : index
      %get3A_792 = tpu.vector_load %arg9[%get3A_790, %get3A_791] {strides = array<i32>} : memref<16x256xf32, #tpu.memory_space<vmem>>, vector<16xf32>,
      %add3A_793 = arith.addf %add3A_783, %get3A_792 : vector<16xf32>
      %get3A_794 = arith.constant 15 : i32
      %get3A_795 = arith.index_cast %get3A_794 : i32 to index
      %get3A_796 = arith.constant 48 : index
      %get3A_797 = tpu.vector_load %arg9[%get3A_795, %get3A_796] {strides = array<i32>} : memref<16x256xf32, #tpu.memory_space<vmem>>, vector<16xf32>,
      %add3A_798 = arith.addf %add3A_788, %get3A_797 : vector<16xf32>
      %get3A_799 = arith.constant 15 : i32
      %get3A_800 = arith.index_cast %get3A_799 : i32 to index
      %get3A_801 = arith.constant 176 : index
      %get3A_802 = tpu.vector_load %arg9[%get3A_800, %get3A_801] {strides = array<i32>} : memref<16x256xf32, #tpu.memory_space<vmem>>, vector<16xf32>,
      %add3A_803 = arith.addf %add3A_793, %get3A_802 : vector<16xf32>
      %mul3A_804 = arith.constant -1.000020e-06 : f32
      %mul3A_805 = vector.broadcast %mul3A_804 : f32 to vector<16xf32>
      %mul3A_806 = arith.mulf %mul3A_805, %add3A_798 : vector<16xf32>
      %mul3A_807 = arith.constant -8.999990e-01 : f32
      %mul3A_808 = vector.broadcast %mul3A_807 : f32 to vector<16xf32>
      %mul3A_809 = arith.mulf %mul3A_808, %add3A_803 : vector<16xf32>
      %add3A_810 = arith.addf %mul3A_806, %mul3A_809 : vector<16xf32>
      %mul3A_811 = arith.constant 1.000020e-06 : f32
      %mul3A_812 = vector.broadcast %mul3A_811 : f32 to vector<16xf32>
      %mul3A_813 = arith.mulf %mul3A_812, %scan3A_58#19 : vector<16xf32>
      %add3A_814 = arith.addf %add3A_810, %mul3A_813 : vector<16xf32>
      %ne3A_815 = arith.constant 0 : i32
      %ne3A_816 = vector.broadcast %ne3A_815 : i32 to vector<16xi32>
      %ne3A_817 = arith.cmpi ne, %get3A_8, %ne3A_816 : vector<16xi32>
      %add3A_818 = arith.constant -1.47637355 : f32
      %add3A_819 = vector.broadcast %add3A_818 : f32 to vector<16xf32>
      %add3A_820 = arith.addf %add3A_814, %add3A_819 : vector<16xf32>
      %jit3A_821 = arith.constant 0.000000e+00 : f32
      %broadcast_in_dim3A_822 = vector.broadcast %jit3A_821 : f32 to vector<16xf32>
      %select_n3A_823 = arith.select %ne3A_817, %add3A_820, %broadcast_in_dim3A_822 : vector<16xi1>, vector<16xf32>
      %add3A_824 = arith.addf %add3A_643, %select_n3A_823 : vector<16xf32>
      %get3A_825 = arith.constant 0 : i32
      %get3A_826 = arith.index_cast %get3A_825 : i32 to index
      %get3A_827 = arith.constant 64 : index
      %get3A_828 = tpu.vector_load %arg9[%get3A_826, %get3A_827] {strides = array<i32>} : memref<16x256xf32, #tpu.memory_space<vmem>>, vector<16xf32>,
      %add3A_829 = arith.addf %broadcast_in_dim3A_48, %get3A_828 : vector<16xf32>
      %get3A_830 = arith.constant 0 : i32
      %get3A_831 = arith.index_cast %get3A_830 : i32 to index
      %get3A_832 = arith.constant 192 : index
      %get3A_833 = tpu.vector_load %arg9[%get3A_831, %get3A_832] {strides = array<i32>} : memref<16x256xf32, #tpu.memory_space<vmem>>, vector<16xf32>,
      %add3A_834 = arith.addf %broadcast_in_dim3A_48, %get3A_833 : vector<16xf32>
      %get3A_835 = arith.constant 1 : i32
      %get3A_836 = arith.index_cast %get3A_835 : i32 to index
      %get3A_837 = arith.constant 64 : index
      %get3A_838 = tpu.vector_load %arg9[%get3A_836, %get3A_837] {strides = array<i32>} : memref<16x256xf32, #tpu.memory_space<vmem>>, vector<16xf32>,
      %add3A_839 = arith.addf %add3A_829, %get3A_838 : vector<16xf32>
      %get3A_840 = arith.constant 1 : i32
      %get3A_841 = arith.index_cast %get3A_840 : i32 to index
      %get3A_842 = arith.constant 192 : index
      %get3A_843 = tpu.vector_load %arg9[%get3A_841, %get3A_842] {strides = array<i32>} : memref<16x256xf32, #tpu.memory_space<vmem>>, vector<16xf32>,
      %add3A_844 = arith.addf %add3A_834, %get3A_843 : vector<16xf32>
      %get3A_845 = arith.constant 2 : i32
      %get3A_846 = arith.index_cast %get3A_845 : i32 to index
      %get3A_847 = arith.constant 64 : index
      %get3A_848 = tpu.vector_load %arg9[%get3A_846, %get3A_847] {strides = array<i32>} : memref<16x256xf32, #tpu.memory_space<vmem>>, vector<16xf32>,
      %add3A_849 = arith.addf %add3A_839, %get3A_848 : vector<16xf32>
      %get3A_850 = arith.constant 2 : i32
      %get3A_851 = arith.index_cast %get3A_850 : i32 to index
      %get3A_852 = arith.constant 192 : index
      %get3A_853 = tpu.vector_load %arg9[%get3A_851, %get3A_852] {strides = array<i32>} : memref<16x256xf32, #tpu.memory_space<vmem>>, vector<16xf32>,
      %add3A_854 = arith.addf %add3A_844, %get3A_853 : vector<16xf32>
      %get3A_855 = arith.constant 3 : i32
      %get3A_856 = arith.index_cast %get3A_855 : i32 to index
      %get3A_857 = arith.constant 64 : index
      %get3A_858 = tpu.vector_load %arg9[%get3A_856, %get3A_857] {strides = array<i32>} : memref<16x256xf32, #tpu.memory_space<vmem>>, vector<16xf32>,
      %add3A_859 = arith.addf %add3A_849, %get3A_858 : vector<16xf32>
      %get3A_860 = arith.constant 3 : i32
      %get3A_861 = arith.index_cast %get3A_860 : i32 to index
      %get3A_862 = arith.constant 192 : index
      %get3A_863 = tpu.vector_load %arg9[%get3A_861, %get3A_862] {strides = array<i32>} : memref<16x256xf32, #tpu.memory_space<vmem>>, vector<16xf32>,
      %add3A_864 = arith.addf %add3A_854, %get3A_863 : vector<16xf32>
      %get3A_865 = arith.constant 4 : i32
      %get3A_866 = arith.index_cast %get3A_865 : i32 to index
      %get3A_867 = arith.constant 64 : index
      %get3A_868 = tpu.vector_load %arg9[%get3A_866, %get3A_867] {strides = array<i32>} : memref<16x256xf32, #tpu.memory_space<vmem>>, vector<16xf32>,
      %add3A_869 = arith.addf %add3A_859, %get3A_868 : vector<16xf32>
      %get3A_870 = arith.constant 4 : i32
      %get3A_871 = arith.index_cast %get3A_870 : i32 to index
      %get3A_872 = arith.constant 192 : index
      %get3A_873 = tpu.vector_load %arg9[%get3A_871, %get3A_872] {strides = array<i32>} : memref<16x256xf32, #tpu.memory_space<vmem>>, vector<16xf32>,
      %add3A_874 = arith.addf %add3A_864, %get3A_873 : vector<16xf32>
      %get3A_875 = arith.constant 5 : i32
      %get3A_876 = arith.index_cast %get3A_875 : i32 to index
      %get3A_877 = arith.constant 64 : index
      %get3A_878 = tpu.vector_load %arg9[%get3A_876, %get3A_877] {strides = array<i32>} : memref<16x256xf32, #tpu.memory_space<vmem>>, vector<16xf32>,
      %add3A_879 = arith.addf %add3A_869, %get3A_878 : vector<16xf32>
      %get3A_880 = arith.constant 5 : i32
      %get3A_881 = arith.index_cast %get3A_880 : i32 to index
      %get3A_882 = arith.constant 192 : index
      %get3A_883 = tpu.vector_load %arg9[%get3A_881, %get3A_882] {strides = array<i32>} : memref<16x256xf32, #tpu.memory_space<vmem>>, vector<16xf32>,
      %add3A_884 = arith.addf %add3A_874, %get3A_883 : vector<16xf32>
      %get3A_885 = arith.constant 6 : i32
      %get3A_886 = arith.index_cast %get3A_885 : i32 to index
      %get3A_887 = arith.constant 64 : index
      %get3A_888 = tpu.vector_load %arg9[%get3A_886, %get3A_887] {strides = array<i32>} : memref<16x256xf32, #tpu.memory_space<vmem>>, vector<16xf32>,
      %add3A_889 = arith.addf %add3A_879, %get3A_888 : vector<16xf32>
      %get3A_890 = arith.constant 6 : i32
      %get3A_891 = arith.index_cast %get3A_890 : i32 to index
      %get3A_892 = arith.constant 192 : index
      %get3A_893 = tpu.vector_load %arg9[%get3A_891, %get3A_892] {strides = array<i32>} : memref<16x256xf32, #tpu.memory_space<vmem>>, vector<16xf32>,
      %add3A_894 = arith.addf %add3A_884, %get3A_893 : vector<16xf32>
      %get3A_895 = arith.constant 7 : i32
      %get3A_896 = arith.index_cast %get3A_895 : i32 to index
      %get3A_897 = arith.constant 64 : index
      %get3A_898 = tpu.vector_load %arg9[%get3A_896, %get3A_897] {strides = array<i32>} : memref<16x256xf32, #tpu.memory_space<vmem>>, vector<16xf32>,
      %add3A_899 = arith.addf %add3A_889, %get3A_898 : vector<16xf32>
      %get3A_900 = arith.constant 7 : i32
      %get3A_901 = arith.index_cast %get3A_900 : i32 to index
      %get3A_902 = arith.constant 192 : index
      %get3A_903 = tpu.vector_load %arg9[%get3A_901, %get3A_902] {strides = array<i32>} : memref<16x256xf32, #tpu.memory_space<vmem>>, vector<16xf32>,
      %add3A_904 = arith.addf %add3A_894, %get3A_903 : vector<16xf32>
      %get3A_905 = arith.constant 8 : i32
      %get3A_906 = arith.index_cast %get3A_905 : i32 to index
      %get3A_907 = arith.constant 64 : index
      %get3A_908 = tpu.vector_load %arg9[%get3A_906, %get3A_907] {strides = array<i32>} : memref<16x256xf32, #tpu.memory_space<vmem>>, vector<16xf32>,
      %add3A_909 = arith.addf %add3A_899, %get3A_908 : vector<16xf32>
      %get3A_910 = arith.constant 8 : i32
      %get3A_911 = arith.index_cast %get3A_910 : i32 to index
      %get3A_912 = arith.constant 192 : index
      %get3A_913 = tpu.vector_load %arg9[%get3A_911, %get3A_912] {strides = array<i32>} : memref<16x256xf32, #tpu.memory_space<vmem>>, vector<16xf32>,
      %add3A_914 = arith.addf %add3A_904, %get3A_913 : vector<16xf32>
      %get3A_915 = arith.constant 9 : i32
      %get3A_916 = arith.index_cast %get3A_915 : i32 to index
      %get3A_917 = arith.constant 64 : index
      %get3A_918 = tpu.vector_load %arg9[%get3A_916, %get3A_917] {strides = array<i32>} : memref<16x256xf32, #tpu.memory_space<vmem>>, vector<16xf32>,
      %add3A_919 = arith.addf %add3A_909, %get3A_918 : vector<16xf32>
      %get3A_920 = arith.constant 9 : i32
      %get3A_921 = arith.index_cast %get3A_920 : i32 to index
      %get3A_922 = arith.constant 192 : index
      %get3A_923 = tpu.vector_load %arg9[%get3A_921, %get3A_922] {strides = array<i32>} : memref<16x256xf32, #tpu.memory_space<vmem>>, vector<16xf32>,
      %add3A_924 = arith.addf %add3A_914, %get3A_923 : vector<16xf32>
      %get3A_925 = arith.constant 10 : i32
      %get3A_926 = arith.index_cast %get3A_925 : i32 to index
      %get3A_927 = arith.constant 64 : index
      %get3A_928 = tpu.vector_load %arg9[%get3A_926, %get3A_927] {strides = array<i32>} : memref<16x256xf32, #tpu.memory_space<vmem>>, vector<16xf32>,
      %add3A_929 = arith.addf %add3A_919, %get3A_928 : vector<16xf32>
      %get3A_930 = arith.constant 10 : i32
      %get3A_931 = arith.index_cast %get3A_930 : i32 to index
      %get3A_932 = arith.constant 192 : index
      %get3A_933 = tpu.vector_load %arg9[%get3A_931, %get3A_932] {strides = array<i32>} : memref<16x256xf32, #tpu.memory_space<vmem>>, vector<16xf32>,
      %add3A_934 = arith.addf %add3A_924, %get3A_933 : vector<16xf32>
      %get3A_935 = arith.constant 11 : i32
      %get3A_936 = arith.index_cast %get3A_935 : i32 to index
      %get3A_937 = arith.constant 64 : index
      %get3A_938 = tpu.vector_load %arg9[%get3A_936, %get3A_937] {strides = array<i32>} : memref<16x256xf32, #tpu.memory_space<vmem>>, vector<16xf32>,
      %add3A_939 = arith.addf %add3A_929, %get3A_938 : vector<16xf32>
      %get3A_940 = arith.constant 11 : i32
      %get3A_941 = arith.index_cast %get3A_940 : i32 to index
      %get3A_942 = arith.constant 192 : index
      %get3A_943 = tpu.vector_load %arg9[%get3A_941, %get3A_942] {strides = array<i32>} : memref<16x256xf32, #tpu.memory_space<vmem>>, vector<16xf32>,
      %add3A_944 = arith.addf %add3A_934, %get3A_943 : vector<16xf32>
      %get3A_945 = arith.constant 12 : i32
      %get3A_946 = arith.index_cast %get3A_945 : i32 to index
      %get3A_947 = arith.constant 64 : index
      %get3A_948 = tpu.vector_load %arg9[%get3A_946, %get3A_947] {strides = array<i32>} : memref<16x256xf32, #tpu.memory_space<vmem>>, vector<16xf32>,
      %add3A_949 = arith.addf %add3A_939, %get3A_948 : vector<16xf32>
      %get3A_950 = arith.constant 12 : i32
      %get3A_951 = arith.index_cast %get3A_950 : i32 to index
      %get3A_952 = arith.constant 192 : index
      %get3A_953 = tpu.vector_load %arg9[%get3A_951, %get3A_952] {strides = array<i32>} : memref<16x256xf32, #tpu.memory_space<vmem>>, vector<16xf32>,
      %add3A_954 = arith.addf %add3A_944, %get3A_953 : vector<16xf32>
      %get3A_955 = arith.constant 13 : i32
      %get3A_956 = arith.index_cast %get3A_955 : i32 to index
      %get3A_957 = arith.constant 64 : index
      %get3A_958 = tpu.vector_load %arg9[%get3A_956, %get3A_957] {strides = array<i32>} : memref<16x256xf32, #tpu.memory_space<vmem>>, vector<16xf32>,
      %add3A_959 = arith.addf %add3A_949, %get3A_958 : vector<16xf32>
      %get3A_960 = arith.constant 13 : i32
      %get3A_961 = arith.index_cast %get3A_960 : i32 to index
      %get3A_962 = arith.constant 192 : index
      %get3A_963 = tpu.vector_load %arg9[%get3A_961, %get3A_962] {strides = array<i32>} : memref<16x256xf32, #tpu.memory_space<vmem>>, vector<16xf32>,
      %add3A_964 = arith.addf %add3A_954, %get3A_963 : vector<16xf32>
      %get3A_965 = arith.constant 14 : i32
      %get3A_966 = arith.index_cast %get3A_965 : i32 to index
      %get3A_967 = arith.constant 64 : index
      %get3A_968 = tpu.vector_load %arg9[%get3A_966, %get3A_967] {strides = array<i32>} : memref<16x256xf32, #tpu.memory_space<vmem>>, vector<16xf32>,
      %add3A_969 = arith.addf %add3A_959, %get3A_968 : vector<16xf32>
      %get3A_970 = arith.constant 14 : i32
      %get3A_971 = arith.index_cast %get3A_970 : i32 to index
      %get3A_972 = arith.constant 192 : index
      %get3A_973 = tpu.vector_load %arg9[%get3A_971, %get3A_972] {strides = array<i32>} : memref<16x256xf32, #tpu.memory_space<vmem>>, vector<16xf32>,
      %add3A_974 = arith.addf %add3A_964, %get3A_973 : vector<16xf32>
      %get3A_975 = arith.constant 15 : i32
      %get3A_976 = arith.index_cast %get3A_975 : i32 to index
      %get3A_977 = arith.constant 64 : index
      %get3A_978 = tpu.vector_load %arg9[%get3A_976, %get3A_977] {strides = array<i32>} : memref<16x256xf32, #tpu.memory_space<vmem>>, vector<16xf32>,
      %add3A_979 = arith.addf %add3A_969, %get3A_978 : vector<16xf32>
      %get3A_980 = arith.constant 15 : i32
      %get3A_981 = arith.index_cast %get3A_980 : i32 to index
      %get3A_982 = arith.constant 192 : index
      %get3A_983 = tpu.vector_load %arg9[%get3A_981, %get3A_982] {strides = array<i32>} : memref<16x256xf32, #tpu.memory_space<vmem>>, vector<16xf32>,
      %add3A_984 = arith.addf %add3A_974, %get3A_983 : vector<16xf32>
      %mul3A_985 = arith.constant -1.000020e-06 : f32
      %mul3A_986 = vector.broadcast %mul3A_985 : f32 to vector<16xf32>
      %mul3A_987 = arith.mulf %mul3A_986, %add3A_979 : vector<16xf32>
      %mul3A_988 = arith.constant -8.999990e-01 : f32
      %mul3A_989 = vector.broadcast %mul3A_988 : f32 to vector<16xf32>
      %mul3A_990 = arith.mulf %mul3A_989, %add3A_984 : vector<16xf32>
      %add3A_991 = arith.addf %mul3A_987, %mul3A_990 : vector<16xf32>
      %mul3A_992 = arith.constant 1.000020e-06 : f32
      %mul3A_993 = vector.broadcast %mul3A_992 : f32 to vector<16xf32>
      %mul3A_994 = arith.mulf %mul3A_993, %scan3A_58#20 : vector<16xf32>
      %add3A_995 = arith.addf %add3A_991, %mul3A_994 : vector<16xf32>
      %ne3A_996 = arith.constant 0 : i32
      %ne3A_997 = vector.broadcast %ne3A_996 : i32 to vector<16xi32>
      %ne3A_998 = arith.cmpi ne, %get3A_10, %ne3A_997 : vector<16xi32>
      %add3A_999 = arith.constant -1.47637355 : f32
      %add3A_1000 = vector.broadcast %add3A_999 : f32 to vector<16xf32>
      %add3A_1001 = arith.addf %add3A_995, %add3A_1000 : vector<16xf32>
      %jit3A_1002 = arith.constant 0.000000e+00 : f32
      %broadcast_in_dim3A_1003 = vector.broadcast %jit3A_1002 : f32 to vector<16xf32>
      %select_n3A_1004 = arith.select %ne3A_998, %add3A_1001, %broadcast_in_dim3A_1003 : vector<16xi1>, vector<16xf32>
      %add3A_1005 = arith.addf %add3A_824, %select_n3A_1004 : vector<16xf32>
      %get3A_1006 = arith.constant 0 : i32
      %get3A_1007 = arith.index_cast %get3A_1006 : i32 to index
      %get3A_1008 = arith.constant 80 : index
      %get3A_1009 = tpu.vector_load %arg9[%get3A_1007, %get3A_1008] {strides = array<i32>} : memref<16x256xf32, #tpu.memory_space<vmem>>, vector<16xf32>,
      %add3A_1010 = arith.addf %broadcast_in_dim3A_48, %get3A_1009 : vector<16xf32>
      %get3A_1011 = arith.constant 0 : i32
      %get3A_1012 = arith.index_cast %get3A_1011 : i32 to index
      %get3A_1013 = arith.constant 208 : index
      %get3A_1014 = tpu.vector_load %arg9[%get3A_1012, %get3A_1013] {strides = array<i32>} : memref<16x256xf32, #tpu.memory_space<vmem>>, vector<16xf32>,
      %add3A_1015 = arith.addf %broadcast_in_dim3A_48, %get3A_1014 : vector<16xf32>
      %get3A_1016 = arith.constant 1 : i32
      %get3A_1017 = arith.index_cast %get3A_1016 : i32 to index
      %get3A_1018 = arith.constant 80 : index
      %get3A_1019 = tpu.vector_load %arg9[%get3A_1017, %get3A_1018] {strides = array<i32>} : memref<16x256xf32, #tpu.memory_space<vmem>>, vector<16xf32>,
      %add3A_1020 = arith.addf %add3A_1010, %get3A_1019 : vector<16xf32>
      %get3A_1021 = arith.constant 1 : i32
      %get3A_1022 = arith.index_cast %get3A_1021 : i32 to index
      %get3A_1023 = arith.constant 208 : index
      %get3A_1024 = tpu.vector_load %arg9[%get3A_1022, %get3A_1023] {strides = array<i32>} : memref<16x256xf32, #tpu.memory_space<vmem>>, vector<16xf32>,
      %add3A_1025 = arith.addf %add3A_1015, %get3A_1024 : vector<16xf32>
      %get3A_1026 = arith.constant 2 : i32
      %get3A_1027 = arith.index_cast %get3A_1026 : i32 to index
      %get3A_1028 = arith.constant 80 : index
      %get3A_1029 = tpu.vector_load %arg9[%get3A_1027, %get3A_1028] {strides = array<i32>} : memref<16x256xf32, #tpu.memory_space<vmem>>, vector<16xf32>,
      %add3A_1030 = arith.addf %add3A_1020, %get3A_1029 : vector<16xf32>
      %get3A_1031 = arith.constant 2 : i32
      %get3A_1032 = arith.index_cast %get3A_1031 : i32 to index
      %get3A_1033 = arith.constant 208 : index
      %get3A_1034 = tpu.vector_load %arg9[%get3A_1032, %get3A_1033] {strides = array<i32>} : memref<16x256xf32, #tpu.memory_space<vmem>>, vector<16xf32>,
      %add3A_1035 = arith.addf %add3A_1025, %get3A_1034 : vector<16xf32>
      %get3A_1036 = arith.constant 3 : i32
      %get3A_1037 = arith.index_cast %get3A_1036 : i32 to index
      %get3A_1038 = arith.constant 80 : index
      %get3A_1039 = tpu.vector_load %arg9[%get3A_1037, %get3A_1038] {strides = array<i32>} : memref<16x256xf32, #tpu.memory_space<vmem>>, vector<16xf32>,
      %add3A_1040 = arith.addf %add3A_1030, %get3A_1039 : vector<16xf32>
      %get3A_1041 = arith.constant 3 : i32
      %get3A_1042 = arith.index_cast %get3A_1041 : i32 to index
      %get3A_1043 = arith.constant 208 : index
      %get3A_1044 = tpu.vector_load %arg9[%get3A_1042, %get3A_1043] {strides = array<i32>} : memref<16x256xf32, #tpu.memory_space<vmem>>, vector<16xf32>,
      %add3A_1045 = arith.addf %add3A_1035, %get3A_1044 : vector<16xf32>
      %get3A_1046 = arith.constant 4 : i32
      %get3A_1047 = arith.index_cast %get3A_1046 : i32 to index
      %get3A_1048 = arith.constant 80 : index
      %get3A_1049 = tpu.vector_load %arg9[%get3A_1047, %get3A_1048] {strides = array<i32>} : memref<16x256xf32, #tpu.memory_space<vmem>>, vector<16xf32>,
      %add3A_1050 = arith.addf %add3A_1040, %get3A_1049 : vector<16xf32>
      %get3A_1051 = arith.constant 4 : i32
      %get3A_1052 = arith.index_cast %get3A_1051 : i32 to index
      %get3A_1053 = arith.constant 208 : index
      %get3A_1054 = tpu.vector_load %arg9[%get3A_1052, %get3A_1053] {strides = array<i32>} : memref<16x256xf32, #tpu.memory_space<vmem>>, vector<16xf32>,
      %add3A_1055 = arith.addf %add3A_1045, %get3A_1054 : vector<16xf32>
      %get3A_1056 = arith.constant 5 : i32
      %get3A_1057 = arith.index_cast %get3A_1056 : i32 to index
      %get3A_1058 = arith.constant 80 : index
      %get3A_1059 = tpu.vector_load %arg9[%get3A_1057, %get3A_1058] {strides = array<i32>} : memref<16x256xf32, #tpu.memory_space<vmem>>, vector<16xf32>,
      %add3A_1060 = arith.addf %add3A_1050, %get3A_1059 : vector<16xf32>
      %get3A_1061 = arith.constant 5 : i32
      %get3A_1062 = arith.index_cast %get3A_1061 : i32 to index
      %get3A_1063 = arith.constant 208 : index
      %get3A_1064 = tpu.vector_load %arg9[%get3A_1062, %get3A_1063] {strides = array<i32>} : memref<16x256xf32, #tpu.memory_space<vmem>>, vector<16xf32>,
      %add3A_1065 = arith.addf %add3A_1055, %get3A_1064 : vector<16xf32>
      %get3A_1066 = arith.constant 6 : i32
      %get3A_1067 = arith.index_cast %get3A_1066 : i32 to index
      %get3A_1068 = arith.constant 80 : index
      %get3A_1069 = tpu.vector_load %arg9[%get3A_1067, %get3A_1068] {strides = array<i32>} : memref<16x256xf32, #tpu.memory_space<vmem>>, vector<16xf32>,
      %add3A_1070 = arith.addf %add3A_1060, %get3A_1069 : vector<16xf32>
      %get3A_1071 = arith.constant 6 : i32
      %get3A_1072 = arith.index_cast %get3A_1071 : i32 to index
      %get3A_1073 = arith.constant 208 : index
      %get3A_1074 = tpu.vector_load %arg9[%get3A_1072, %get3A_1073] {strides = array<i32>} : memref<16x256xf32, #tpu.memory_space<vmem>>, vector<16xf32>,
      %add3A_1075 = arith.addf %add3A_1065, %get3A_1074 : vector<16xf32>
      %get3A_1076 = arith.constant 7 : i32
      %get3A_1077 = arith.index_cast %get3A_1076 : i32 to index
      %get3A_1078 = arith.constant 80 : index
      %get3A_1079 = tpu.vector_load %arg9[%get3A_1077, %get3A_1078] {strides = array<i32>} : memref<16x256xf32, #tpu.memory_space<vmem>>, vector<16xf32>,
      %add3A_1080 = arith.addf %add3A_1070, %get3A_1079 : vector<16xf32>
      %get3A_1081 = arith.constant 7 : i32
      %get3A_1082 = arith.index_cast %get3A_1081 : i32 to index
      %get3A_1083 = arith.constant 208 : index
      %get3A_1084 = tpu.vector_load %arg9[%get3A_1082, %get3A_1083] {strides = array<i32>} : memref<16x256xf32, #tpu.memory_space<vmem>>, vector<16xf32>,
      %add3A_1085 = arith.addf %add3A_1075, %get3A_1084 : vector<16xf32>
      %get3A_1086 = arith.constant 8 : i32
      %get3A_1087 = arith.index_cast %get3A_1086 : i32 to index
      %get3A_1088 = arith.constant 80 : index
      %get3A_1089 = tpu.vector_load %arg9[%get3A_1087, %get3A_1088] {strides = array<i32>} : memref<16x256xf32, #tpu.memory_space<vmem>>, vector<16xf32>,
      %add3A_1090 = arith.addf %add3A_1080, %get3A_1089 : vector<16xf32>
      %get3A_1091 = arith.constant 8 : i32
      %get3A_1092 = arith.index_cast %get3A_1091 : i32 to index
      %get3A_1093 = arith.constant 208 : index
      %get3A_1094 = tpu.vector_load %arg9[%get3A_1092, %get3A_1093] {strides = array<i32>} : memref<16x256xf32, #tpu.memory_space<vmem>>, vector<16xf32>,
      %add3A_1095 = arith.addf %add3A_1085, %get3A_1094 : vector<16xf32>
      %get3A_1096 = arith.constant 9 : i32
      %get3A_1097 = arith.index_cast %get3A_1096 : i32 to index
      %get3A_1098 = arith.constant 80 : index
      %get3A_1099 = tpu.vector_load %arg9[%get3A_1097, %get3A_1098] {strides = array<i32>} : memref<16x256xf32, #tpu.memory_space<vmem>>, vector<16xf32>,
      %add3A_1100 = arith.addf %add3A_1090, %get3A_1099 : vector<16xf32>
      %get3A_1101 = arith.constant 9 : i32
      %get3A_1102 = arith.index_cast %get3A_1101 : i32 to index
      %get3A_1103 = arith.constant 208 : index
      %get3A_1104 = tpu.vector_load %arg9[%get3A_1102, %get3A_1103] {strides = array<i32>} : memref<16x256xf32, #tpu.memory_space<vmem>>, vector<16xf32>,
      %add3A_1105 = arith.addf %add3A_1095, %get3A_1104 : vector<16xf32>
      %get3A_1106 = arith.constant 10 : i32
      %get3A_1107 = arith.index_cast %get3A_1106 : i32 to index
      %get3A_1108 = arith.constant 80 : index
      %get3A_1109 = tpu.vector_load %arg9[%get3A_1107, %get3A_1108] {strides = array<i32>} : memref<16x256xf32, #tpu.memory_space<vmem>>, vector<16xf32>,
      %add3A_1110 = arith.addf %add3A_1100, %get3A_1109 : vector<16xf32>
      %get3A_1111 = arith.constant 10 : i32
      %get3A_1112 = arith.index_cast %get3A_1111 : i32 to index
      %get3A_1113 = arith.constant 208 : index
      %get3A_1114 = tpu.vector_load %arg9[%get3A_1112, %get3A_1113] {strides = array<i32>} : memref<16x256xf32, #tpu.memory_space<vmem>>, vector<16xf32>,
      %add3A_1115 = arith.addf %add3A_1105, %get3A_1114 : vector<16xf32>
      %get3A_1116 = arith.constant 11 : i32
      %get3A_1117 = arith.index_cast %get3A_1116 : i32 to index
      %get3A_1118 = arith.constant 80 : index
      %get3A_1119 = tpu.vector_load %arg9[%get3A_1117, %get3A_1118] {strides = array<i32>} : memref<16x256xf32, #tpu.memory_space<vmem>>, vector<16xf32>,
      %add3A_1120 = arith.addf %add3A_1110, %get3A_1119 : vector<16xf32>
      %get3A_1121 = arith.constant 11 : i32
      %get3A_1122 = arith.index_cast %get3A_1121 : i32 to index
      %get3A_1123 = arith.constant 208 : index
      %get3A_1124 = tpu.vector_load %arg9[%get3A_1122, %get3A_1123] {strides = array<i32>} : memref<16x256xf32, #tpu.memory_space<vmem>>, vector<16xf32>,
      %add3A_1125 = arith.addf %add3A_1115, %get3A_1124 : vector<16xf32>
      %get3A_1126 = arith.constant 12 : i32
      %get3A_1127 = arith.index_cast %get3A_1126 : i32 to index
      %get3A_1128 = arith.constant 80 : index
      %get3A_1129 = tpu.vector_load %arg9[%get3A_1127, %get3A_1128] {strides = array<i32>} : memref<16x256xf32, #tpu.memory_space<vmem>>, vector<16xf32>,
      %add3A_1130 = arith.addf %add3A_1120, %get3A_1129 : vector<16xf32>
      %get3A_1131 = arith.constant 12 : i32
      %get3A_1132 = arith.index_cast %get3A_1131 : i32 to index
      %get3A_1133 = arith.constant 208 : index
      %get3A_1134 = tpu.vector_load %arg9[%get3A_1132, %get3A_1133] {strides = array<i32>} : memref<16x256xf32, #tpu.memory_space<vmem>>, vector<16xf32>,
      %add3A_1135 = arith.addf %add3A_1125, %get3A_1134 : vector<16xf32>
      %get3A_1136 = arith.constant 13 : i32
      %get3A_1137 = arith.index_cast %get3A_1136 : i32 to index
      %get3A_1138 = arith.constant 80 : index
      %get3A_1139 = tpu.vector_load %arg9[%get3A_1137, %get3A_1138] {strides = array<i32>} : memref<16x256xf32, #tpu.memory_space<vmem>>, vector<16xf32>,
      %add3A_1140 = arith.addf %add3A_1130, %get3A_1139 : vector<16xf32>
      %get3A_1141 = arith.constant 13 : i32
      %get3A_1142 = arith.index_cast %get3A_1141 : i32 to index
      %get3A_1143 = arith.constant 208 : index
      %get3A_1144 = tpu.vector_load %arg9[%get3A_1142, %get3A_1143] {strides = array<i32>} : memref<16x256xf32, #tpu.memory_space<vmem>>, vector<16xf32>,
      %add3A_1145 = arith.addf %add3A_1135, %get3A_1144 : vector<16xf32>
      %get3A_1146 = arith.constant 14 : i32
      %get3A_1147 = arith.index_cast %get3A_1146 : i32 to index
      %get3A_1148 = arith.constant 80 : index
      %get3A_1149 = tpu.vector_load %arg9[%get3A_1147, %get3A_1148] {strides = array<i32>} : memref<16x256xf32, #tpu.memory_space<vmem>>, vector<16xf32>,
      %add3A_1150 = arith.addf %add3A_1140, %get3A_1149 : vector<16xf32>
      %get3A_1151 = arith.constant 14 : i32
      %get3A_1152 = arith.index_cast %get3A_1151 : i32 to index
      %get3A_1153 = arith.constant 208 : index
      %get3A_1154 = tpu.vector_load %arg9[%get3A_1152, %get3A_1153] {strides = array<i32>} : memref<16x256xf32, #tpu.memory_space<vmem>>, vector<16xf32>,
      %add3A_1155 = arith.addf %add3A_1145, %get3A_1154 : vector<16xf32>
      %get3A_1156 = arith.constant 15 : i32
      %get3A_1157 = arith.index_cast %get3A_1156 : i32 to index
      %get3A_1158 = arith.constant 80 : index
      %get3A_1159 = tpu.vector_load %arg9[%get3A_1157, %get3A_1158] {strides = array<i32>} : memref<16x256xf32, #tpu.memory_space<vmem>>, vector<16xf32>,
      %add3A_1160 = arith.addf %add3A_1150, %get3A_1159 : vector<16xf32>
      %get3A_1161 = arith.constant 15 : i32
      %get3A_1162 = arith.index_cast %get3A_1161 : i32 to index
      %get3A_1163 = arith.constant 208 : index
      %get3A_1164 = tpu.vector_load %arg9[%get3A_1162, %get3A_1163] {strides = array<i32>} : memref<16x256xf32, #tpu.memory_space<vmem>>, vector<16xf32>,
      %add3A_1165 = arith.addf %add3A_1155, %get3A_1164 : vector<16xf32>
      %mul3A_1166 = arith.constant -1.000020e-06 : f32
      %mul3A_1167 = vector.broadcast %mul3A_1166 : f32 to vector<16xf32>
      %mul3A_1168 = arith.mulf %mul3A_1167, %add3A_1160 : vector<16xf32>
      %mul3A_1169 = arith.constant -8.999990e-01 : f32
      %mul3A_1170 = vector.broadcast %mul3A_1169 : f32 to vector<16xf32>
      %mul3A_1171 = arith.mulf %mul3A_1170, %add3A_1165 : vector<16xf32>
      %add3A_1172 = arith.addf %mul3A_1168, %mul3A_1171 : vector<16xf32>
      %mul3A_1173 = arith.constant 1.000020e-06 : f32
      %mul3A_1174 = vector.broadcast %mul3A_1173 : f32 to vector<16xf32>
      %mul3A_1175 = arith.mulf %mul3A_1174, %scan3A_58#21 : vector<16xf32>
      %add3A_1176 = arith.addf %add3A_1172, %mul3A_1175 : vector<16xf32>
      %ne3A_1177 = arith.constant 0 : i32
      %ne3A_1178 = vector.broadcast %ne3A_1177 : i32 to vector<16xi32>
      %ne3A_1179 = arith.cmpi ne, %get3A_12, %ne3A_1178 : vector<16xi32>
      %add3A_1180 = arith.constant -1.47637355 : f32
      %add3A_1181 = vector.broadcast %add3A_1180 : f32 to vector<16xf32>
      %add3A_1182 = arith.addf %add3A_1176, %add3A_1181 : vector<16xf32>
      %jit3A_1183 = arith.constant 0.000000e+00 : f32
      %broadcast_in_dim3A_1184 = vector.broadcast %jit3A_1183 : f32 to vector<16xf32>
      %select_n3A_1185 = arith.select %ne3A_1179, %add3A_1182, %broadcast_in_dim3A_1184 : vector<16xi1>, vector<16xf32>
      %add3A_1186 = arith.addf %add3A_1005, %select_n3A_1185 : vector<16xf32>
      %get3A_1187 = arith.constant 0 : i32
      %get3A_1188 = arith.index_cast %get3A_1187 : i32 to index
      %get3A_1189 = arith.constant 96 : index
      %get3A_1190 = tpu.vector_load %arg9[%get3A_1188, %get3A_1189] {strides = array<i32>} : memref<16x256xf32, #tpu.memory_space<vmem>>, vector<16xf32>,
      %add3A_1191 = arith.addf %broadcast_in_dim3A_48, %get3A_1190 : vector<16xf32>
      %get3A_1192 = arith.constant 0 : i32
      %get3A_1193 = arith.index_cast %get3A_1192 : i32 to index
      %get3A_1194 = arith.constant 224 : index
      %get3A_1195 = tpu.vector_load %arg9[%get3A_1193, %get3A_1194] {strides = array<i32>} : memref<16x256xf32, #tpu.memory_space<vmem>>, vector<16xf32>,
      %add3A_1196 = arith.addf %broadcast_in_dim3A_48, %get3A_1195 : vector<16xf32>
      %get3A_1197 = arith.constant 1 : i32
      %get3A_1198 = arith.index_cast %get3A_1197 : i32 to index
      %get3A_1199 = arith.constant 96 : index
      %get3A_1200 = tpu.vector_load %arg9[%get3A_1198, %get3A_1199] {strides = array<i32>} : memref<16x256xf32, #tpu.memory_space<vmem>>, vector<16xf32>,
      %add3A_1201 = arith.addf %add3A_1191, %get3A_1200 : vector<16xf32>
      %get3A_1202 = arith.constant 1 : i32
      %get3A_1203 = arith.index_cast %get3A_1202 : i32 to index
      %get3A_1204 = arith.constant 224 : index
      %get3A_1205 = tpu.vector_load %arg9[%get3A_1203, %get3A_1204] {strides = array<i32>} : memref<16x256xf32, #tpu.memory_space<vmem>>, vector<16xf32>,
      %add3A_1206 = arith.addf %add3A_1196, %get3A_1205 : vector<16xf32>
      %get3A_1207 = arith.constant 2 : i32
      %get3A_1208 = arith.index_cast %get3A_1207 : i32 to index
      %get3A_1209 = arith.constant 96 : index
      %get3A_1210 = tpu.vector_load %arg9[%get3A_1208, %get3A_1209] {strides = array<i32>} : memref<16x256xf32, #tpu.memory_space<vmem>>, vector<16xf32>,
      %add3A_1211 = arith.addf %add3A_1201, %get3A_1210 : vector<16xf32>
      %get3A_1212 = arith.constant 2 : i32
      %get3A_1213 = arith.index_cast %get3A_1212 : i32 to index
      %get3A_1214 = arith.constant 224 : index
      %get3A_1215 = tpu.vector_load %arg9[%get3A_1213, %get3A_1214] {strides = array<i32>} : memref<16x256xf32, #tpu.memory_space<vmem>>, vector<16xf32>,
      %add3A_1216 = arith.addf %add3A_1206, %get3A_1215 : vector<16xf32>
      %get3A_1217 = arith.constant 3 : i32
      %get3A_1218 = arith.index_cast %get3A_1217 : i32 to index
      %get3A_1219 = arith.constant 96 : index
      %get3A_1220 = tpu.vector_load %arg9[%get3A_1218, %get3A_1219] {strides = array<i32>} : memref<16x256xf32, #tpu.memory_space<vmem>>, vector<16xf32>,
      %add3A_1221 = arith.addf %add3A_1211, %get3A_1220 : vector<16xf32>
      %get3A_1222 = arith.constant 3 : i32
      %get3A_1223 = arith.index_cast %get3A_1222 : i32 to index
      %get3A_1224 = arith.constant 224 : index
      %get3A_1225 = tpu.vector_load %arg9[%get3A_1223, %get3A_1224] {strides = array<i32>} : memref<16x256xf32, #tpu.memory_space<vmem>>, vector<16xf32>,
      %add3A_1226 = arith.addf %add3A_1216, %get3A_1225 : vector<16xf32>
      %get3A_1227 = arith.constant 4 : i32
      %get3A_1228 = arith.index_cast %get3A_1227 : i32 to index
      %get3A_1229 = arith.constant 96 : index
      %get3A_1230 = tpu.vector_load %arg9[%get3A_1228, %get3A_1229] {strides = array<i32>} : memref<16x256xf32, #tpu.memory_space<vmem>>, vector<16xf32>,
      %add3A_1231 = arith.addf %add3A_1221, %get3A_1230 : vector<16xf32>
      %get3A_1232 = arith.constant 4 : i32
      %get3A_1233 = arith.index_cast %get3A_1232 : i32 to index
      %get3A_1234 = arith.constant 224 : index
      %get3A_1235 = tpu.vector_load %arg9[%get3A_1233, %get3A_1234] {strides = array<i32>} : memref<16x256xf32, #tpu.memory_space<vmem>>, vector<16xf32>,
      %add3A_1236 = arith.addf %add3A_1226, %get3A_1235 : vector<16xf32>
      %get3A_1237 = arith.constant 5 : i32
      %get3A_1238 = arith.index_cast %get3A_1237 : i32 to index
      %get3A_1239 = arith.constant 96 : index
      %get3A_1240 = tpu.vector_load %arg9[%get3A_1238, %get3A_1239] {strides = array<i32>} : memref<16x256xf32, #tpu.memory_space<vmem>>, vector<16xf32>,
      %add3A_1241 = arith.addf %add3A_1231, %get3A_1240 : vector<16xf32>
      %get3A_1242 = arith.constant 5 : i32
      %get3A_1243 = arith.index_cast %get3A_1242 : i32 to index
      %get3A_1244 = arith.constant 224 : index
      %get3A_1245 = tpu.vector_load %arg9[%get3A_1243, %get3A_1244] {strides = array<i32>} : memref<16x256xf32, #tpu.memory_space<vmem>>, vector<16xf32>,
      %add3A_1246 = arith.addf %add3A_1236, %get3A_1245 : vector<16xf32>
      %get3A_1247 = arith.constant 6 : i32
      %get3A_1248 = arith.index_cast %get3A_1247 : i32 to index
      %get3A_1249 = arith.constant 96 : index
      %get3A_1250 = tpu.vector_load %arg9[%get3A_1248, %get3A_1249] {strides = array<i32>} : memref<16x256xf32, #tpu.memory_space<vmem>>, vector<16xf32>,
      %add3A_1251 = arith.addf %add3A_1241, %get3A_1250 : vector<16xf32>
      %get3A_1252 = arith.constant 6 : i32
      %get3A_1253 = arith.index_cast %get3A_1252 : i32 to index
      %get3A_1254 = arith.constant 224 : index
      %get3A_1255 = tpu.vector_load %arg9[%get3A_1253, %get3A_1254] {strides = array<i32>} : memref<16x256xf32, #tpu.memory_space<vmem>>, vector<16xf32>,
      %add3A_1256 = arith.addf %add3A_1246, %get3A_1255 : vector<16xf32>
      %get3A_1257 = arith.constant 7 : i32
      %get3A_1258 = arith.index_cast %get3A_1257 : i32 to index
      %get3A_1259 = arith.constant 96 : index
      %get3A_1260 = tpu.vector_load %arg9[%get3A_1258, %get3A_1259] {strides = array<i32>} : memref<16x256xf32, #tpu.memory_space<vmem>>, vector<16xf32>,
      %add3A_1261 = arith.addf %add3A_1251, %get3A_1260 : vector<16xf32>
      %get3A_1262 = arith.constant 7 : i32
      %get3A_1263 = arith.index_cast %get3A_1262 : i32 to index
      %get3A_1264 = arith.constant 224 : index
      %get3A_1265 = tpu.vector_load %arg9[%get3A_1263, %get3A_1264] {strides = array<i32>} : memref<16x256xf32, #tpu.memory_space<vmem>>, vector<16xf32>,
      %add3A_1266 = arith.addf %add3A_1256, %get3A_1265 : vector<16xf32>
      %get3A_1267 = arith.constant 8 : i32
      %get3A_1268 = arith.index_cast %get3A_1267 : i32 to index
      %get3A_1269 = arith.constant 96 : index
      %get3A_1270 = tpu.vector_load %arg9[%get3A_1268, %get3A_1269] {strides = array<i32>} : memref<16x256xf32, #tpu.memory_space<vmem>>, vector<16xf32>,
      %add3A_1271 = arith.addf %add3A_1261, %get3A_1270 : vector<16xf32>
      %get3A_1272 = arith.constant 8 : i32
      %get3A_1273 = arith.index_cast %get3A_1272 : i32 to index
      %get3A_1274 = arith.constant 224 : index
      %get3A_1275 = tpu.vector_load %arg9[%get3A_1273, %get3A_1274] {strides = array<i32>} : memref<16x256xf32, #tpu.memory_space<vmem>>, vector<16xf32>,
      %add3A_1276 = arith.addf %add3A_1266, %get3A_1275 : vector<16xf32>
      %get3A_1277 = arith.constant 9 : i32
      %get3A_1278 = arith.index_cast %get3A_1277 : i32 to index
      %get3A_1279 = arith.constant 96 : index
      %get3A_1280 = tpu.vector_load %arg9[%get3A_1278, %get3A_1279] {strides = array<i32>} : memref<16x256xf32, #tpu.memory_space<vmem>>, vector<16xf32>,
      %add3A_1281 = arith.addf %add3A_1271, %get3A_1280 : vector<16xf32>
      %get3A_1282 = arith.constant 9 : i32
      %get3A_1283 = arith.index_cast %get3A_1282 : i32 to index
      %get3A_1284 = arith.constant 224 : index
      %get3A_1285 = tpu.vector_load %arg9[%get3A_1283, %get3A_1284] {strides = array<i32>} : memref<16x256xf32, #tpu.memory_space<vmem>>, vector<16xf32>,
      %add3A_1286 = arith.addf %add3A_1276, %get3A_1285 : vector<16xf32>
      %get3A_1287 = arith.constant 10 : i32
      %get3A_1288 = arith.index_cast %get3A_1287 : i32 to index
      %get3A_1289 = arith.constant 96 : index
      %get3A_1290 = tpu.vector_load %arg9[%get3A_1288, %get3A_1289] {strides = array<i32>} : memref<16x256xf32, #tpu.memory_space<vmem>>, vector<16xf32>,
      %add3A_1291 = arith.addf %add3A_1281, %get3A_1290 : vector<16xf32>
      %get3A_1292 = arith.constant 10 : i32
      %get3A_1293 = arith.index_cast %get3A_1292 : i32 to index
      %get3A_1294 = arith.constant 224 : index
      %get3A_1295 = tpu.vector_load %arg9[%get3A_1293, %get3A_1294] {strides = array<i32>} : memref<16x256xf32, #tpu.memory_space<vmem>>, vector<16xf32>,
      %add3A_1296 = arith.addf %add3A_1286, %get3A_1295 : vector<16xf32>
      %get3A_1297 = arith.constant 11 : i32
      %get3A_1298 = arith.index_cast %get3A_1297 : i32 to index
      %get3A_1299 = arith.constant 96 : index
      %get3A_1300 = tpu.vector_load %arg9[%get3A_1298, %get3A_1299] {strides = array<i32>} : memref<16x256xf32, #tpu.memory_space<vmem>>, vector<16xf32>,
      %add3A_1301 = arith.addf %add3A_1291, %get3A_1300 : vector<16xf32>
      %get3A_1302 = arith.constant 11 : i32
      %get3A_1303 = arith.index_cast %get3A_1302 : i32 to index
      %get3A_1304 = arith.constant 224 : index
      %get3A_1305 = tpu.vector_load %arg9[%get3A_1303, %get3A_1304] {strides = array<i32>} : memref<16x256xf32, #tpu.memory_space<vmem>>, vector<16xf32>,
      %add3A_1306 = arith.addf %add3A_1296, %get3A_1305 : vector<16xf32>
      %get3A_1307 = arith.constant 12 : i32
      %get3A_1308 = arith.index_cast %get3A_1307 : i32 to index
      %get3A_1309 = arith.constant 96 : index
      %get3A_1310 = tpu.vector_load %arg9[%get3A_1308, %get3A_1309] {strides = array<i32>} : memref<16x256xf32, #tpu.memory_space<vmem>>, vector<16xf32>,
      %add3A_1311 = arith.addf %add3A_1301, %get3A_1310 : vector<16xf32>
      %get3A_1312 = arith.constant 12 : i32
      %get3A_1313 = arith.index_cast %get3A_1312 : i32 to index
      %get3A_1314 = arith.constant 224 : index
      %get3A_1315 = tpu.vector_load %arg9[%get3A_1313, %get3A_1314] {strides = array<i32>} : memref<16x256xf32, #tpu.memory_space<vmem>>, vector<16xf32>,
      %add3A_1316 = arith.addf %add3A_1306, %get3A_1315 : vector<16xf32>
      %get3A_1317 = arith.constant 13 : i32
      %get3A_1318 = arith.index_cast %get3A_1317 : i32 to index
      %get3A_1319 = arith.constant 96 : index
      %get3A_1320 = tpu.vector_load %arg9[%get3A_1318, %get3A_1319] {strides = array<i32>} : memref<16x256xf32, #tpu.memory_space<vmem>>, vector<16xf32>,
      %add3A_1321 = arith.addf %add3A_1311, %get3A_1320 : vector<16xf32>
      %get3A_1322 = arith.constant 13 : i32
      %get3A_1323 = arith.index_cast %get3A_1322 : i32 to index
      %get3A_1324 = arith.constant 224 : index
      %get3A_1325 = tpu.vector_load %arg9[%get3A_1323, %get3A_1324] {strides = array<i32>} : memref<16x256xf32, #tpu.memory_space<vmem>>, vector<16xf32>,
      %add3A_1326 = arith.addf %add3A_1316, %get3A_1325 : vector<16xf32>
      %get3A_1327 = arith.constant 14 : i32
      %get3A_1328 = arith.index_cast %get3A_1327 : i32 to index
      %get3A_1329 = arith.constant 96 : index
      %get3A_1330 = tpu.vector_load %arg9[%get3A_1328, %get3A_1329] {strides = array<i32>} : memref<16x256xf32, #tpu.memory_space<vmem>>, vector<16xf32>,
      %add3A_1331 = arith.addf %add3A_1321, %get3A_1330 : vector<16xf32>
      %get3A_1332 = arith.constant 14 : i32
      %get3A_1333 = arith.index_cast %get3A_1332 : i32 to index
      %get3A_1334 = arith.constant 224 : index
      %get3A_1335 = tpu.vector_load %arg9[%get3A_1333, %get3A_1334] {strides = array<i32>} : memref<16x256xf32, #tpu.memory_space<vmem>>, vector<16xf32>,
      %add3A_1336 = arith.addf %add3A_1326, %get3A_1335 : vector<16xf32>
      %get3A_1337 = arith.constant 15 : i32
      %get3A_1338 = arith.index_cast %get3A_1337 : i32 to index
      %get3A_1339 = arith.constant 96 : index
      %get3A_1340 = tpu.vector_load %arg9[%get3A_1338, %get3A_1339] {strides = array<i32>} : memref<16x256xf32, #tpu.memory_space<vmem>>, vector<16xf32>,
      %add3A_1341 = arith.addf %add3A_1331, %get3A_1340 : vector<16xf32>
      %get3A_1342 = arith.constant 15 : i32
      %get3A_1343 = arith.index_cast %get3A_1342 : i32 to index
      %get3A_1344 = arith.constant 224 : index
      %get3A_1345 = tpu.vector_load %arg9[%get3A_1343, %get3A_1344] {strides = array<i32>} : memref<16x256xf32, #tpu.memory_space<vmem>>, vector<16xf32>,
      %add3A_1346 = arith.addf %add3A_1336, %get3A_1345 : vector<16xf32>
      %mul3A_1347 = arith.constant -1.000020e-06 : f32
      %mul3A_1348 = vector.broadcast %mul3A_1347 : f32 to vector<16xf32>
      %mul3A_1349 = arith.mulf %mul3A_1348, %add3A_1341 : vector<16xf32>
      %mul3A_1350 = arith.constant -8.999990e-01 : f32
      %mul3A_1351 = vector.broadcast %mul3A_1350 : f32 to vector<16xf32>
      %mul3A_1352 = arith.mulf %mul3A_1351, %add3A_1346 : vector<16xf32>
      %add3A_1353 = arith.addf %mul3A_1349, %mul3A_1352 : vector<16xf32>
      %mul3A_1354 = arith.constant 1.000020e-06 : f32
      %mul3A_1355 = vector.broadcast %mul3A_1354 : f32 to vector<16xf32>
      %mul3A_1356 = arith.mulf %mul3A_1355, %scan3A_58#22 : vector<16xf32>
      %add3A_1357 = arith.addf %add3A_1353, %mul3A_1356 : vector<16xf32>
      %ne3A_1358 = arith.constant 0 : i32
      %ne3A_1359 = vector.broadcast %ne3A_1358 : i32 to vector<16xi32>
      %ne3A_1360 = arith.cmpi ne, %get3A_14, %ne3A_1359 : vector<16xi32>
      %add3A_1361 = arith.constant -1.47637355 : f32
      %add3A_1362 = vector.broadcast %add3A_1361 : f32 to vector<16xf32>
      %add3A_1363 = arith.addf %add3A_1357, %add3A_1362 : vector<16xf32>
      %jit3A_1364 = arith.constant 0.000000e+00 : f32
      %broadcast_in_dim3A_1365 = vector.broadcast %jit3A_1364 : f32 to vector<16xf32>
      %select_n3A_1366 = arith.select %ne3A_1360, %add3A_1363, %broadcast_in_dim3A_1365 : vector<16xi1>, vector<16xf32>
      %add3A_1367 = arith.addf %add3A_1186, %select_n3A_1366 : vector<16xf32>
      %get3A_1368 = arith.constant 0 : i32
      %get3A_1369 = arith.index_cast %get3A_1368 : i32 to index
      %get3A_1370 = arith.constant 112 : index
      %get3A_1371 = tpu.vector_load %arg9[%get3A_1369, %get3A_1370] {strides = array<i32>} : memref<16x256xf32, #tpu.memory_space<vmem>>, vector<16xf32>,
      %add3A_1372 = arith.addf %broadcast_in_dim3A_48, %get3A_1371 : vector<16xf32>
      %get3A_1373 = arith.constant 0 : i32
      %get3A_1374 = arith.index_cast %get3A_1373 : i32 to index
      %get3A_1375 = arith.constant 240 : index
      %get3A_1376 = tpu.vector_load %arg9[%get3A_1374, %get3A_1375] {strides = array<i32>} : memref<16x256xf32, #tpu.memory_space<vmem>>, vector<16xf32>,
      %add3A_1377 = arith.addf %broadcast_in_dim3A_48, %get3A_1376 : vector<16xf32>
      %get3A_1378 = arith.constant 1 : i32
      %get3A_1379 = arith.index_cast %get3A_1378 : i32 to index
      %get3A_1380 = arith.constant 112 : index
      %get3A_1381 = tpu.vector_load %arg9[%get3A_1379, %get3A_1380] {strides = array<i32>} : memref<16x256xf32, #tpu.memory_space<vmem>>, vector<16xf32>,
      %add3A_1382 = arith.addf %add3A_1372, %get3A_1381 : vector<16xf32>
      %get3A_1383 = arith.constant 1 : i32
      %get3A_1384 = arith.index_cast %get3A_1383 : i32 to index
      %get3A_1385 = arith.constant 240 : index
      %get3A_1386 = tpu.vector_load %arg9[%get3A_1384, %get3A_1385] {strides = array<i32>} : memref<16x256xf32, #tpu.memory_space<vmem>>, vector<16xf32>,
      %add3A_1387 = arith.addf %add3A_1377, %get3A_1386 : vector<16xf32>
      %get3A_1388 = arith.constant 2 : i32
      %get3A_1389 = arith.index_cast %get3A_1388 : i32 to index
      %get3A_1390 = arith.constant 112 : index
      %get3A_1391 = tpu.vector_load %arg9[%get3A_1389, %get3A_1390] {strides = array<i32>} : memref<16x256xf32, #tpu.memory_space<vmem>>, vector<16xf32>,
      %add3A_1392 = arith.addf %add3A_1382, %get3A_1391 : vector<16xf32>
      %get3A_1393 = arith.constant 2 : i32
      %get3A_1394 = arith.index_cast %get3A_1393 : i32 to index
      %get3A_1395 = arith.constant 240 : index
      %get3A_1396 = tpu.vector_load %arg9[%get3A_1394, %get3A_1395] {strides = array<i32>} : memref<16x256xf32, #tpu.memory_space<vmem>>, vector<16xf32>,
      %add3A_1397 = arith.addf %add3A_1387, %get3A_1396 : vector<16xf32>
      %get3A_1398 = arith.constant 3 : i32
      %get3A_1399 = arith.index_cast %get3A_1398 : i32 to index
      %get3A_1400 = arith.constant 112 : index
      %get3A_1401 = tpu.vector_load %arg9[%get3A_1399, %get3A_1400] {strides = array<i32>} : memref<16x256xf32, #tpu.memory_space<vmem>>, vector<16xf32>,
      %add3A_1402 = arith.addf %add3A_1392, %get3A_1401 : vector<16xf32>
      %get3A_1403 = arith.constant 3 : i32
      %get3A_1404 = arith.index_cast %get3A_1403 : i32 to index
      %get3A_1405 = arith.constant 240 : index
      %get3A_1406 = tpu.vector_load %arg9[%get3A_1404, %get3A_1405] {strides = array<i32>} : memref<16x256xf32, #tpu.memory_space<vmem>>, vector<16xf32>,
      %add3A_1407 = arith.addf %add3A_1397, %get3A_1406 : vector<16xf32>
      %get3A_1408 = arith.constant 4 : i32
      %get3A_1409 = arith.index_cast %get3A_1408 : i32 to index
      %get3A_1410 = arith.constant 112 : index
      %get3A_1411 = tpu.vector_load %arg9[%get3A_1409, %get3A_1410] {strides = array<i32>} : memref<16x256xf32, #tpu.memory_space<vmem>>, vector<16xf32>,
      %add3A_1412 = arith.addf %add3A_1402, %get3A_1411 : vector<16xf32>
      %get3A_1413 = arith.constant 4 : i32
      %get3A_1414 = arith.index_cast %get3A_1413 : i32 to index
      %get3A_1415 = arith.constant 240 : index
      %get3A_1416 = tpu.vector_load %arg9[%get3A_1414, %get3A_1415] {strides = array<i32>} : memref<16x256xf32, #tpu.memory_space<vmem>>, vector<16xf32>,
      %add3A_1417 = arith.addf %add3A_1407, %get3A_1416 : vector<16xf32>
      %get3A_1418 = arith.constant 5 : i32
      %get3A_1419 = arith.index_cast %get3A_1418 : i32 to index
      %get3A_1420 = arith.constant 112 : index
      %get3A_1421 = tpu.vector_load %arg9[%get3A_1419, %get3A_1420] {strides = array<i32>} : memref<16x256xf32, #tpu.memory_space<vmem>>, vector<16xf32>,
      %add3A_1422 = arith.addf %add3A_1412, %get3A_1421 : vector<16xf32>
      %get3A_1423 = arith.constant 5 : i32
      %get3A_1424 = arith.index_cast %get3A_1423 : i32 to index
      %get3A_1425 = arith.constant 240 : index
      %get3A_1426 = tpu.vector_load %arg9[%get3A_1424, %get3A_1425] {strides = array<i32>} : memref<16x256xf32, #tpu.memory_space<vmem>>, vector<16xf32>,
      %add3A_1427 = arith.addf %add3A_1417, %get3A_1426 : vector<16xf32>
      %get3A_1428 = arith.constant 6 : i32
      %get3A_1429 = arith.index_cast %get3A_1428 : i32 to index
      %get3A_1430 = arith.constant 112 : index
      %get3A_1431 = tpu.vector_load %arg9[%get3A_1429, %get3A_1430] {strides = array<i32>} : memref<16x256xf32, #tpu.memory_space<vmem>>, vector<16xf32>,
      %add3A_1432 = arith.addf %add3A_1422, %get3A_1431 : vector<16xf32>
      %get3A_1433 = arith.constant 6 : i32
      %get3A_1434 = arith.index_cast %get3A_1433 : i32 to index
      %get3A_1435 = arith.constant 240 : index
      %get3A_1436 = tpu.vector_load %arg9[%get3A_1434, %get3A_1435] {strides = array<i32>} : memref<16x256xf32, #tpu.memory_space<vmem>>, vector<16xf32>,
      %add3A_1437 = arith.addf %add3A_1427, %get3A_1436 : vector<16xf32>
      %get3A_1438 = arith.constant 7 : i32
      %get3A_1439 = arith.index_cast %get3A_1438 : i32 to index
      %get3A_1440 = arith.constant 112 : index
      %get3A_1441 = tpu.vector_load %arg9[%get3A_1439, %get3A_1440] {strides = array<i32>} : memref<16x256xf32, #tpu.memory_space<vmem>>, vector<16xf32>,
      %add3A_1442 = arith.addf %add3A_1432, %get3A_1441 : vector<16xf32>
      %get3A_1443 = arith.constant 7 : i32
      %get3A_1444 = arith.index_cast %get3A_1443 : i32 to index
      %get3A_1445 = arith.constant 240 : index
      %get3A_1446 = tpu.vector_load %arg9[%get3A_1444, %get3A_1445] {strides = array<i32>} : memref<16x256xf32, #tpu.memory_space<vmem>>, vector<16xf32>,
      %add3A_1447 = arith.addf %add3A_1437, %get3A_1446 : vector<16xf32>
      %get3A_1448 = arith.constant 8 : i32
      %get3A_1449 = arith.index_cast %get3A_1448 : i32 to index
      %get3A_1450 = arith.constant 112 : index
      %get3A_1451 = tpu.vector_load %arg9[%get3A_1449, %get3A_1450] {strides = array<i32>} : memref<16x256xf32, #tpu.memory_space<vmem>>, vector<16xf32>,
      %add3A_1452 = arith.addf %add3A_1442, %get3A_1451 : vector<16xf32>
      %get3A_1453 = arith.constant 8 : i32
      %get3A_1454 = arith.index_cast %get3A_1453 : i32 to index
      %get3A_1455 = arith.constant 240 : index
      %get3A_1456 = tpu.vector_load %arg9[%get3A_1454, %get3A_1455] {strides = array<i32>} : memref<16x256xf32, #tpu.memory_space<vmem>>, vector<16xf32>,
      %add3A_1457 = arith.addf %add3A_1447, %get3A_1456 : vector<16xf32>
      %get3A_1458 = arith.constant 9 : i32
      %get3A_1459 = arith.index_cast %get3A_1458 : i32 to index
      %get3A_1460 = arith.constant 112 : index
      %get3A_1461 = tpu.vector_load %arg9[%get3A_1459, %get3A_1460] {strides = array<i32>} : memref<16x256xf32, #tpu.memory_space<vmem>>, vector<16xf32>,
      %add3A_1462 = arith.addf %add3A_1452, %get3A_1461 : vector<16xf32>
      %get3A_1463 = arith.constant 9 : i32
      %get3A_1464 = arith.index_cast %get3A_1463 : i32 to index
      %get3A_1465 = arith.constant 240 : index
      %get3A_1466 = tpu.vector_load %arg9[%get3A_1464, %get3A_1465] {strides = array<i32>} : memref<16x256xf32, #tpu.memory_space<vmem>>, vector<16xf32>,
      %add3A_1467 = arith.addf %add3A_1457, %get3A_1466 : vector<16xf32>
      %get3A_1468 = arith.constant 10 : i32
      %get3A_1469 = arith.index_cast %get3A_1468 : i32 to index
      %get3A_1470 = arith.constant 112 : index
      %get3A_1471 = tpu.vector_load %arg9[%get3A_1469, %get3A_1470] {strides = array<i32>} : memref<16x256xf32, #tpu.memory_space<vmem>>, vector<16xf32>,
      %add3A_1472 = arith.addf %add3A_1462, %get3A_1471 : vector<16xf32>
      %get3A_1473 = arith.constant 10 : i32
      %get3A_1474 = arith.index_cast %get3A_1473 : i32 to index
      %get3A_1475 = arith.constant 240 : index
      %get3A_1476 = tpu.vector_load %arg9[%get3A_1474, %get3A_1475] {strides = array<i32>} : memref<16x256xf32, #tpu.memory_space<vmem>>, vector<16xf32>,
      %add3A_1477 = arith.addf %add3A_1467, %get3A_1476 : vector<16xf32>
      %get3A_1478 = arith.constant 11 : i32
      %get3A_1479 = arith.index_cast %get3A_1478 : i32 to index
      %get3A_1480 = arith.constant 112 : index
      %get3A_1481 = tpu.vector_load %arg9[%get3A_1479, %get3A_1480] {strides = array<i32>} : memref<16x256xf32, #tpu.memory_space<vmem>>, vector<16xf32>,
      %add3A_1482 = arith.addf %add3A_1472, %get3A_1481 : vector<16xf32>
      %get3A_1483 = arith.constant 11 : i32
      %get3A_1484 = arith.index_cast %get3A_1483 : i32 to index
      %get3A_1485 = arith.constant 240 : index
      %get3A_1486 = tpu.vector_load %arg9[%get3A_1484, %get3A_1485] {strides = array<i32>} : memref<16x256xf32, #tpu.memory_space<vmem>>, vector<16xf32>,
      %add3A_1487 = arith.addf %add3A_1477, %get3A_1486 : vector<16xf32>
      %get3A_1488 = arith.constant 12 : i32
      %get3A_1489 = arith.index_cast %get3A_1488 : i32 to index
      %get3A_1490 = arith.constant 112 : index
      %get3A_1491 = tpu.vector_load %arg9[%get3A_1489, %get3A_1490] {strides = array<i32>} : memref<16x256xf32, #tpu.memory_space<vmem>>, vector<16xf32>,
      %add3A_1492 = arith.addf %add3A_1482, %get3A_1491 : vector<16xf32>
      %get3A_1493 = arith.constant 12 : i32
      %get3A_1494 = arith.index_cast %get3A_1493 : i32 to index
      %get3A_1495 = arith.constant 240 : index
      %get3A_1496 = tpu.vector_load %arg9[%get3A_1494, %get3A_1495] {strides = array<i32>} : memref<16x256xf32, #tpu.memory_space<vmem>>, vector<16xf32>,
      %add3A_1497 = arith.addf %add3A_1487, %get3A_1496 : vector<16xf32>
      %get3A_1498 = arith.constant 13 : i32
      %get3A_1499 = arith.index_cast %get3A_1498 : i32 to index
      %get3A_1500 = arith.constant 112 : index
      %get3A_1501 = tpu.vector_load %arg9[%get3A_1499, %get3A_1500] {strides = array<i32>} : memref<16x256xf32, #tpu.memory_space<vmem>>, vector<16xf32>,
      %add3A_1502 = arith.addf %add3A_1492, %get3A_1501 : vector<16xf32>
      %get3A_1503 = arith.constant 13 : i32
      %get3A_1504 = arith.index_cast %get3A_1503 : i32 to index
      %get3A_1505 = arith.constant 240 : index
      %get3A_1506 = tpu.vector_load %arg9[%get3A_1504, %get3A_1505] {strides = array<i32>} : memref<16x256xf32, #tpu.memory_space<vmem>>, vector<16xf32>,
      %add3A_1507 = arith.addf %add3A_1497, %get3A_1506 : vector<16xf32>
      %get3A_1508 = arith.constant 14 : i32
      %get3A_1509 = arith.index_cast %get3A_1508 : i32 to index
      %get3A_1510 = arith.constant 112 : index
      %get3A_1511 = tpu.vector_load %arg9[%get3A_1509, %get3A_1510] {strides = array<i32>} : memref<16x256xf32, #tpu.memory_space<vmem>>, vector<16xf32>,
      %add3A_1512 = arith.addf %add3A_1502, %get3A_1511 : vector<16xf32>
      %get3A_1513 = arith.constant 14 : i32
      %get3A_1514 = arith.index_cast %get3A_1513 : i32 to index
      %get3A_1515 = arith.constant 240 : index
      %get3A_1516 = tpu.vector_load %arg9[%get3A_1514, %get3A_1515] {strides = array<i32>} : memref<16x256xf32, #tpu.memory_space<vmem>>, vector<16xf32>,
      %add3A_1517 = arith.addf %add3A_1507, %get3A_1516 : vector<16xf32>
      %get3A_1518 = arith.constant 15 : i32
      %get3A_1519 = arith.index_cast %get3A_1518 : i32 to index
      %get3A_1520 = arith.constant 112 : index
      %get3A_1521 = tpu.vector_load %arg9[%get3A_1519, %get3A_1520] {strides = array<i32>} : memref<16x256xf32, #tpu.memory_space<vmem>>, vector<16xf32>,
      %add3A_1522 = arith.addf %add3A_1512, %get3A_1521 : vector<16xf32>
      %get3A_1523 = arith.constant 15 : i32
      %get3A_1524 = arith.index_cast %get3A_1523 : i32 to index
      %get3A_1525 = arith.constant 240 : index
      %get3A_1526 = tpu.vector_load %arg9[%get3A_1524, %get3A_1525] {strides = array<i32>} : memref<16x256xf32, #tpu.memory_space<vmem>>, vector<16xf32>,
      %add3A_1527 = arith.addf %add3A_1517, %get3A_1526 : vector<16xf32>
      %mul3A_1528 = arith.constant -1.000020e-06 : f32
      %mul3A_1529 = vector.broadcast %mul3A_1528 : f32 to vector<16xf32>
      %mul3A_1530 = arith.mulf %mul3A_1529, %add3A_1522 : vector<16xf32>
      %mul3A_1531 = arith.constant -8.999990e-01 : f32
      %mul3A_1532 = vector.broadcast %mul3A_1531 : f32 to vector<16xf32>
      %mul3A_1533 = arith.mulf %mul3A_1532, %add3A_1527 : vector<16xf32>
      %add3A_1534 = arith.addf %mul3A_1530, %mul3A_1533 : vector<16xf32>
      %mul3A_1535 = arith.constant 1.000020e-06 : f32
      %mul3A_1536 = vector.broadcast %mul3A_1535 : f32 to vector<16xf32>
      %mul3A_1537 = arith.mulf %mul3A_1536, %scan3A_58#23 : vector<16xf32>
      %add3A_1538 = arith.addf %add3A_1534, %mul3A_1537 : vector<16xf32>
      %ne3A_1539 = arith.constant 0 : i32
      %ne3A_1540 = vector.broadcast %ne3A_1539 : i32 to vector<16xi32>
      %ne3A_1541 = arith.cmpi ne, %get3A_16, %ne3A_1540 : vector<16xi32>
      %add3A_1542 = arith.constant -1.47637355 : f32
      %add3A_1543 = vector.broadcast %add3A_1542 : f32 to vector<16xf32>
      %add3A_1544 = arith.addf %add3A_1538, %add3A_1543 : vector<16xf32>
      %jit3A_1545 = arith.constant 0.000000e+00 : f32
      %broadcast_in_dim3A_1546 = vector.broadcast %jit3A_1545 : f32 to vector<16xf32>
      %select_n3A_1547 = arith.select %ne3A_1541, %add3A_1544, %broadcast_in_dim3A_1546 : vector<16xi1>, vector<16xf32>
      %add3A_1548 = arith.addf %add3A_1367, %select_n3A_1547 : vector<16xf32>
      %swap3A_1549 = arith.constant 0 : index
      %swap3A_1550 = tpu.vector_load %arg10[%swap3A_1549] {strides = array<i32>} : memref<16xf32, #tpu.memory_space<vmem>>, vector<16xf32>,
      tpu.vector_store %arg10[%swap3A_1549], %add3A_1548 {strides = array<i32>} : memref<16xf32, #tpu.memory_space<vmem>>, vector<16xf32>,
      "tpu.region"() ({
        %run_scoped3A = tpu.sem_alloc : memref<!tpu.dma_semaphore, #tpu.memory_space<semaphore_mem>>
        %dma_start3A_1551 = arith.constant 0 : i32
        %dma_start3A_1552 = tpu.memref_slice %arg4[%arg0, %dma_start3A_1551] : memref<2x16xf32, #tpu.memory_space<hbm>> -> memref<1x16xf32, #tpu.memory_space<hbm>>
        %dma_start3A_1553 = tpu.memref_squeeze %dma_start3A_1552 : memref<1x16xf32, #tpu.memory_space<hbm>> -> memref<16xf32, #tpu.memory_space<hbm>>
        %dma_start3A_1554 = arith.constant 0 : i32
        %dma_start3A_1555 = tpu.memref_slice %arg4[%arg0, %dma_start3A_1554] : memref<2x16xf32, #tpu.memory_space<hbm>> -> memref<1x16xf32, #tpu.memory_space<hbm>>
        %dma_start3A_1556 = tpu.memref_squeeze %dma_start3A_1555 : memref<1x16xf32, #tpu.memory_space<hbm>> -> memref<16xf32, #tpu.memory_space<hbm>>
        tpu.enqueue_dma source(%arg10 : memref<16xf32, #tpu.memory_space<vmem>>) target(%dma_start3A_1556 : memref<16xf32, #tpu.memory_space<hbm>>) target_semaphore(%run_scoped3A : memref<!tpu.dma_semaphore, #tpu.memory_space<semaphore_mem>>)
        %dma_wait3A_1557 = arith.constant 0 : i32
        %dma_wait3A_1558 = tpu.memref_slice %arg4[%arg0, %dma_wait3A_1557] : memref<2x16xf32, #tpu.memory_space<hbm>> -> memref<1x16xf32, #tpu.memory_space<hbm>>
        %dma_wait3A_1559 = tpu.memref_squeeze %dma_wait3A_1558 : memref<1x16xf32, #tpu.memory_space<hbm>> -> memref<16xf32, #tpu.memory_space<hbm>>
        %dma_wait3A_1560 = arith.constant 0 : i32
        %dma_wait3A_1561 = tpu.memref_slice %arg4[%arg0, %dma_wait3A_1560] : memref<2x16xf32, #tpu.memory_space<hbm>> -> memref<1x16xf32, #tpu.memory_space<hbm>>
        %dma_wait3A_1562 = tpu.memref_squeeze %dma_wait3A_1561 : memref<1x16xf32, #tpu.memory_space<hbm>> -> memref<16xf32, #tpu.memory_space<hbm>>
        tpu.wait_dma2 semaphore(%run_scoped3A : memref<!tpu.dma_semaphore, #tpu.memory_space<semaphore_mem>>) src(%arg10 : memref<16xf32, #tpu.memory_space<vmem>>) dst(%dma_wait3A_1562 : memref<16xf32, #tpu.memory_space<hbm>>)
        tpu.yield
      }) : () -> ()
    } else {
    }
    return
  }
}

</mosaic_0001>

<sc_bundles>
// kernel: kernel.3.cloned.1.call-start
scs
__scs_entry_jumppad:
0x0: {  	(pc) =	sbr.rel $0x88, $3  }
0x1: {  	(tag) =	ssettag $0x0;
	lr =	simm.s32 $0x1  }
0x2: {  	[smem:$0x3F9F] =	sst lr;
	_ =	strace $0xD0000000  }
0x3: {  	_ = 	snop  }
0x4: {  	_ = 	snop  }
0x5: {  	_ = 	snop  }
0x6: {  	_ = 	snop  }
0x7: {  	_ = 	snop  }
__scs_overlays_trampoline_lowered:
0x8: {  	[smem:$0x3FAE] =	sst s0  }
0x9: {  	[smem:$0x3FAF] =	sst s1  }
0xa: {  	[smem:$0x3FB0] =	sst s2  }
0xb: {  	[smem:$0x3FB1] =	sst s3  }
0xc: {  	[smem:$0x3FB2] =	sst s4  }
0xd: {  	[smem:$0x3FB3] =	sst s5  }
0xe: {  	[smem:$0x3FB4] =	sst s6  }
0xf: {  	[smem:$0x3FB5] =	sst s7  }
0x10: {  	[smem:$0x3FB6] =	sst s8  }
0x11: {  	[smem:$0x3FB7] =	sst s9;
	s0 =	simm.s32 @!p0 $0x0  }
0x12: {  	s1 =	sld [smem:$0x3F9D];
	s0 =	simm.s32 @p0 $0x1  }
0x13: {  	[smem:$0x3FB8] =	sst s0;
	s0 =	simm.s32 @!p1 $0x0  }
0x14: {  	s2 =	sld [smem:$0x3F9C];
	s0 =	simm.s32 @p1 $0x1  }
0x15: {  	[smem:$0x3FB9] =	sst s0;
	s0 =	simm.s32 @!p2 $0x0  }
0x16: {  	s3 =	sld [smem:$0x3FDB];
	s0 =	simm.s32 @p2 $0x1  }
0x17: {  	s4 =	simm.s32 $0x1BF5;
	[smem:$0x3FBB] =	sst s0  }
0x18: {  	s0 =	sld [smem:$0x3F9E];
	_ =	swait.ge [sflag:s4], $0x0  }
0x19: {  	s7 =	sld [smem:$0x3F9F]  }
0x1a: {  	s8 =	sadd.s32 $0xFFFFE003, lr  }
0x1b: {  	s9 =	sadd.s32 $0xFFFFFEF7, lr;
	s5 =	simm.s32 $0xFFFFFFFF;
	p2 =	slt.u32 s8, $0xFFFFF086  }
0x1c: {  	p1 =	slt.u32 s9, $0xF7A;
	s5 =	simm.s32 @!p2 $0x0  }
0x1d: {  	s5 =	simm.s32 @p1 $0x1;
	p0 =	seq.s32 s7, s2  }
0x1e: {  	s7 =	smul.u32 @!p0 $0xF7A, s2;
	p2 =	seq.s32 @!p0 s5, $0x0  }
0x1f: {  	s9 =	smul.u32 $0xF7A, s1;
	s8 =	simm.s32 @!p0 $0x1BF5;
	p2 =	por !p2, p0  }
0x20: {  	[sflag:s8] =	ssyncset.s32 @!p0 $0xFFFFF086;
	s6 =	sadd.s32 @!p0 s3, s7;
	s7 =	simm.s32 @!p0 $0x108  }
0x21: {  	s3 =	sadd.s32 s3, s9;
	s6 =	sadd.s32 @!p0 $0x88, s6;
	s7 =	simm.s32 @p2 $0x1082  }
0x22: {  	[simem:s7], [sflag:s8] =	dma.local @!p0 [hbm:s6], $0xF7A  }
0x23: {  	s9 =	sor.u32 $0xD0000000, s2;
	s6 =	simm.s32 $0x108;
	_ =	swait.ge @!p0 [sflag:s8], $0x0  }
0x24: {  	s3 =	sadd.s32 $0x88, s3;
	s6 =	simm.s32 @!p1 $0x1082;
	[sflag:s4] =	ssyncset.s32 $0xFFFFF086  }
0x25: {  	[simem:s6], [sflag:s4] =	dma.local [hbm:s3], $0xF7A  }
0x26: {  	[smem:$0x3F9F] =	sst s1;
	(tag) =	ssettag s2;
	_ =	strace s9  }
0x27: {  	s1 =	sld [smem:$0x3FAF]  }
0x28: {  	s2 =	sld [smem:$0x3FB0]  }
0x29: {  	s4 =	sld [smem:$0x3FB2]  }
0x2a: {  	p0 =	seq.s32 s5, $0x0;
	s5 =	sld [smem:$0x3FB3]  }
0x2b: {  	s6 =	sld [smem:$0x3FB4]  }
0x2c: {  	s7 =	sld [smem:$0x3FB5]  }
0x2d: {  	s3 =	simm.s32 $0x108;
	s8 =	sld [smem:$0x3FB6]  }
0x2e: {  	s3 =	simm.s32 @!p0 $0x1082;
	s9 =	sld [smem:$0x3FB7]  }
0x2f: {  	lr =	sadd.s32 s0, s3;
	s0 =	sld [smem:$0x3FAE]  }
0x30: {  	s3 =	sld [smem:$0x3FB1]  }
0x31: {  	[smem:$0x3FBA] =	sst s10  }
0x32: {  	s10 =	sld [smem:$0x3FB8];
	_ =	sdelay $0x3  }
0x33: {  	p0 =	seq.s32 s10, $0x1;
	s10 =	sld [smem:$0x3FBA];
	_ =	sdelay $0x3  }
0x34: {  	[smem:$0x3FBA] =	sst s10  }
0x35: {  	s10 =	sld [smem:$0x3FB9];
	_ =	sdelay $0x3  }
0x36: {  	p1 =	seq.s32 s10, $0x1;
	s10 =	sld [smem:$0x3FBA];
	_ =	sdelay $0x3  }
0x37: {  	[smem:$0x3FBA] =	sst s10  }
0x38: {  	s10 =	sld [smem:$0x3FBB]  }
0x39: {  	_ = 	snop;
	(pc) =	sbr.ind lr, $3  }
0x3a: {  	_ = 	snop  }
0x3b: {  	_ = 	snop  }
0x3c: {  	p2 =	seq.s32 s10, $0x1;
	s10 =	sld [smem:$0x3FBA]  }
0x3d: {  	_ =	shalt  }
0x3e: {  	_ =	shalt  }
0x3f: {  	_ =	shalt  }
0x40: {  	_ =	shalt  }
0x41: {  	_ =	shalt  }
0x42: {  	_ =	shalt  }
0x43: {  	_ =	shalt  }
0x44: {  	_ =	shalt  }
0x45: {  	_ =	shalt  }
0x46: {  	_ =	shalt  }
0x47: {  	_ =	shalt  }
0x48: {  	_ =	shalt  }
0x49: {  	_ =	shalt  }
0x4a: {  	_ =	shalt  }
0x4b: {  	_ =	shalt  }
0x4c: {  	_ =	shalt  }
0x4d: {  	_ =	shalt  }
0x4e: {  	_ =	shalt  }
0x4f: {  	_ =	shalt  }
0x50: {  	_ =	shalt  }
0x51: {  	_ =	shalt  }
0x52: {  	_ =	shalt  }
0x53: {  	_ =	shalt  }
0x54: {  	_ =	shalt  }
0x55: {  	_ =	shalt  }
0x56: {  	_ =	shalt  }
0x57: {  	_ =	shalt  }
0x58: {  	_ =	shalt  }
0x59: {  	_ =	shalt  }
0x5a: {  	_ =	shalt  }
0x5b: {  	_ =	shalt  }
0x5c: {  	_ =	shalt  }
0x5d: {  	_ =	shalt  }
0x5e: {  	_ =	shalt  }
0x5f: {  	_ =	shalt  }
0x60: {  	_ =	shalt  }
0x61: {  	_ =	shalt  }
0x62: {  	_ =	shalt  }
0x63: {  	_ =	shalt  }
0x64: {  	_ =	shalt  }
0x65: {  	_ =	shalt  }
0x66: {  	_ =	shalt  }
0x67: {  	_ =	shalt  }
0x68: {  	_ =	shalt  }
0x69: {  	_ =	shalt  }
0x6a: {  	_ =	shalt  }
0x6b: {  	_ =	shalt  }
0x6c: {  	_ =	shalt  }
0x6d: {  	_ =	shalt  }
0x6e: {  	_ =	shalt  }
0x6f: {  	_ =	shalt  }
0x70: {  	_ =	shalt  }
0x71: {  	_ =	shalt  }
0x72: {  	_ =	shalt  }
0x73: {  	_ =	shalt  }
0x74: {  	_ =	shalt  }
0x75: {  	_ =	shalt  }
0x76: {  	_ =	shalt  }
0x77: {  	_ =	shalt  }
0x78: {  	_ =	shalt  }
0x79: {  	_ =	shalt  }
0x7a: {  	_ =	shalt  }
0x7b: {  	_ =	shalt  }
0x7c: {  	_ =	shalt  }
0x7d: {  	_ =	shalt  }
0x7e: {  	_ =	shalt  }
0x7f: {  	_ =	shalt  }
0x80: {  	_ =	shalt  }
0x81: {  	_ =	shalt  }
0x82: {  	_ =	shalt  }
0x83: {  	_ =	shalt  }
0x84: {  	_ =	shalt  }
0x85: {  	_ =	shalt  }
0x86: {  	_ =	shalt  }
0x87: {  	_ =	shalt  }
.Lfunc_end0:
.L_simem_size_0:
called_computation_lowered:
.L_overlay_start_0:
0x88: {  	s2 =	sld [smem:$0x3FD9]  }
0x89: {  	s3 =	sld [smem:$0x3FFE];
	_ =	sdelay $0x1  }
0x8a: {  	s1 =	srdreg.scid  }
0x8b: {  	s0 =	sand.u32 $0x1, s1  }
0x8c: {  	s17 =	sshll.u32 s0, $0xA;
	s2 =	sadd.s32 s3, s2  }
0x8d: {  	s2 =	sadd.s32 s2, s17  }
0x8e: {  	[smem:$0x3FC6] =	sst s2  }
0x8f: {  	_ = 	snop  }
0x90: {  	s2 =	sld [smem:$0x3FC9]  }
0x91: {  	s18 =	sld [smem:$0x3FC8];
	(tm) =	ssettm $0x1  }
0x92: {  	s4 =	sld [smem:$0x3FFB];
	_ =	sdelay $0x3  }
0x93: {  	_ =	strace s4  }
0x94: {  	s4 =	sld [smem:$0x3FFC];
	_ =	sdelay $0x3  }
0x95: {  	_ =	strace s4  }
0x96: {  	s4 =	sld [smem:$0x3FFD];
	_ =	sdelay $0x3  }
0x97: {  	_ =	strace s4  }
0x98: {  	_ =	strace $0x8FFFFFFF  }
0x99: {  	s19 =	sld [smem:$0x3FDB];
	_ =	sdelay $0x1  }
0x9a: {  	s5 =	simm.s32 $_scs_section_size  }
0x9b: {  	s6 =	simm.s32 $_size__tile_overlayer_lowered;
	s7 =	simm.s32 $_tile_overlayer_lowered  }
0x9c: {  	s22 =	simm.s32 $0x1BFF;
	s21 =	sshll.u32 s7, $0x1;
	s4 =	sadd.s32 s5, s19  }
0x9d: {  	s8 =	simm.s32 $0x0;
	s20 =	sshll.u32 s6, $0x1;
	s6 =	sadd.s32 s21, s4  }
0x9e: {  	[timem:s8], [sflag:s22] =	dma.local [hbm:s6], s20  }
0x9f: {  	_ =	swait.ge [sflag:s22], s20  }
0xa0: {  	s5 =	ssub.s32 $0x0, s20;
	[sflag:s22] =	ssyncset.done $0x0  }
0xa1: {  	[sflag:s22] =	ssyncadd.s32 s5;
	_ =	sdelay $0x1  }
0xa2: {  	s23 =	simm.s32 $0x1B8B  }
0xa3: {  	_ =	swait.ge [sflag:s23], $0x1  }
0xa4: {  	[sflag:s23] =	ssyncset.done $0x0  }
0xa5: {  	s25 =	simm.s32 $0x1B8E;
	s24 =	sld [smem:$0x3FFE];
	[sflag:s23] =	ssyncadd.s32 $0xFFFFFFFF  }
0xa6: {  	s26 =	simm.s32 $execute0_lowered;
	[smem:$0x3FD2] =	sst s25  }
0xa7: {  	s6 =	sshll.u32 s26, $0x1;
	_ =	strace $0x80000046;
	[dreg:$0x1] =	wrdreg $0xFFFFFFFF  }
0xa8: {  	s28 =	simm.s32 $_size_execute0_lowered;
	s4 =	sadd.s32 s4, s6;
	[dreg:$0x0] =	wrdreg $0x0  }
0xa9: {  	s6 =	sshll.u32 s28, $0x1;
	[dreg:$0x2] =	wrdreg s4  }
0xaa: {  	[dreg:$0x3] =	wrdreg s6  }
0xab: {  	[dreg:$0x4] =	wrdreg $0xC0  }
0xac: {  	_ =	task [dreg:s8], $0x5FFFF  }
0xad: {  	[dreg:$0x1] =	wrdreg $0xFFFFFFFF  }
0xae: {  	[dreg:$0x0] =	wrdreg $0x60  }
0xaf: {  	[dreg:$0x2] =	wrdreg s2  }
0xb0: {  	[dreg:$0x3] =	wrdreg s18  }
0xb1: {  	[dreg:$0x4] =	wrdreg s24  }
0xb2: {  	[dreg:$0x5] =	wrdreg $0xDA000  }
0xb3: {  	[dreg:$0x6] =	wrdreg $0x9  }
0xb4: {  	_ =	task.clear_ibuf [dreg:s8], $0x7FFFF;
	_ =	strace $0x90000046  }
0xb5: {  	s29 =	simm.s32 $0x9;
	_ =	strace $0x80000048  }
0xb6: {  	_ =	swait.ge [sflag:s29], $0x1  }
0xb7: {  	[sflag:s29] =	ssyncadd.s32 $0xFFFFFFFF  }
0xb8: {  	_ =	strace $0x90000048  }
0xb9: {  	_ =	sfence  }
0xba: {  	s30 =	sld [smem:$0x0];
	_ =	sdelay $0x2  }
0xbb: {  	s31 =	sshll.u32 s1, $0xD;
	s1 =	sshrl.u32 s1, $0x2  }
0xbc: {  	s3 =	sand.u32 $0x4000, s31;
	s1 =	sadd.s32 s1, s30  }
0xbd: {  	s0 =	sor.u32 s3, s0;
	s1 =	sshll.u32 s1, $0x11  }
0xbe: {  	s0 =	sor.u32 s1, s0  }
0xbf: {  	s0 =	sadd.s32 $0x8F2B, s0  }
0xc0: {  	[sflag:s0] =	ssyncadd.remote.s32 $0x1  }
0xc1: {  	_ =	sfence.sel $0xFFFF  }
0xc2: {  	[dreg:$0x0] =	wrdreg $0xFFFFFFFF;
	(pc) =	sbr.abs _section_cstart, $3  }
0xc3: {  	[dreg:$0x1] =	wrdreg $0xFFFFFFFF  }
0xc4: {  	_ =	task.clear_ibuf [dreg:s8], $0x2FFFF;
	_ =	strace $0x9FFFFFFF  }
0xc5: {  	(tm) =	ssettm $0x7FFFFFFF  }
tec
execute0_lowered:
.L_overlay_start_1:
0x0: {  	(tag) =	ssettag $0x1  }
0x1: {  	s1 =	rddreg [dreg:$0x0]  }
0x2: {  	s7 =	rddreg [dreg:$0x1]  }
0x3: {  	s11 =	rddreg [dreg:$0x2]  }
0x4: {  	s2 =	rddreg [dreg:$0x3];
	s3 =	simm.s32 $0x0;
	s4 =	srdreg.scid  }
0x5: {  	s15 =	simm.s32 $0x400;
	s16 =	simm.s32 $0x2000;
	s17 =	simm.s32 $0x6400  }
0x6: {  	s18 =	simm.s32 $0x1;
	s19 =	simm.s32 $0x2;
	s20 =	simm.s32 $0x80  }
0x7: {  	s21 =	simm.s32 $0xC880;
	s22 =	simm.s32 $0xC980;
	s23 =	simm.s32 $0xD980  }
0x8: {  	s24 =	simm.s32 $0x0;
	[smem:$0x7FF] =	sst s3;
	s12 =	sand.u32 $0x1, s4  }
0x9: {  	v0 =	vlaneseq.u32;
	s4 =	stileid.u32;
	_ =	strace $0x80000047;
	s6 =	ssub.s32 $0x2, s12  }
0xa: {  	v1 =	vor.u32 $0x10, v0;
	s5 =	sor.u32 $0x6, s12;
	s9 =	smul.u32 $0x32000, s4;
	s31 =	sshll.u32 s4, $0x8  }
0xb: {  	v59 =	vor.u32 $0x20, v0;
	s10 =	sshll.u32 s4, $0x7;
	s12 =	sshll.u32 s12, $0x4;
	[tilespmem:$0x1FF90] =	vst v1;
	p0 =	sne.s32 s4, $0x0  }
0xc: {  	v60 =	vor.u32 $0x30, v0;
	[tilespmem:$0x1FFA0] =	vst v59;
	s8 =	sshrl.u32 s6, $0x1;
	s29 =	sshll.u32 s5, $0x4;
	s10 =	sand.u32 $0x380, s10  }
.Ltmp0:
0xd: {  	v61 =	vor.u32 $0x40, v0;
	[tilespmem:$0x1FFB0] =	vst v60;
	s13 =	ssub.s32 s6, s8;
	s6 =	sshll.u32 s5, $0xA;
	(pc) =	sbr.rel .LBB2_1-.Ltmp0, $4  }
0xe: {  	v62 =	vor.u32 $0x50, v0;
	[tilespmem:$0x1FFC0] =	vst v61;
	s11 =	sadd.s32 s11, s12;
	s7 =	sadd.s32 s7, s29;
	s30 =	sor.u32 s9, s6  }
0xf: {  	v63 =	vor.u32 $0x60, v0;
	[tilespmem:$0x1FFD0] =	vst v62;
	s9 =	sand.u32 $0x800, s31;
	s12 =	smax.u32 s13, $0x1;
	s13 =	simm.s32 $0xC800  }
0x10: {  	v0 =	vor.u32 $0x70, v0;
	[tilespmem:$0x1FFE0] =	vst v63;
	s8 =	sshrl.u32 s30, $0x3;
	s14 =	sadd.s32 s9, s2;
	s9 =	sor.u32 $0x20, s4  }
0x11: {  	vm0 =	vmxor vm0, vm0;
	[tilespmem:$0x1FFF0] =	vst v0;
	s8 =	sadd.s32 s1, s8;
	s10 =	sadd.s32 s10, s14;
	s14 =	simm.s32 $0x3  }
.LBB2_9:
0x12: {  	s24 =	sadd.s32 $0x1, s24  }
0x13: {  	p1 =	sne.s32 s24, s12  }
.Ltmp1:
0x14: {  	_ = 	snop;
	(pc) =	sbr.rel @!p1 .LBB2_10-.Ltmp1, $1  }
0x15: {  	_ =	sdelay $0x3  }
.LBB2_1:
0x16: {  	[tilespmem:s13], [sflag:$0x3] =	stream.linear.gather [hbm4b:s7+s3], $0x80, $0x38;
	[tilespmem:$0xDB00] =	vst v63  }
0x17: {  	_ =	swait.ge [sflag:s14], $0x80  }
0x18: {  	[sflag:s14] =	ssyncset.done $0x0  }
0x19: {  	[sflag:s14] =	ssyncadd.s32 $0xFFFFFF80  }
0x1a: {  	v55 =	vld [tilespmem:$0xC800]  }
0x1b: {  	v54 =	vld [tilespmem:$0xC810]  }
0x1c: {  	v52 =	vld [tilespmem:$0xC820]  }
0x1d: {  	v48 =	vld [tilespmem:$0xC830]  }
0x1e: {  	v3 =	vimm.f32 $0.0e+00;
	v43 =	vimm.f32 $0.0e+00;
	v44 =	vimm.f32 $0.0e+00;
	v45 =	vld [tilespmem:$0xC840]  }
0x1f: {  	v47 =	vimm.f32 $0.0e+00;
	v50 =	vimm.f32 $0.0e+00;
	v51 =	vimm.f32 $0.0e+00;
	v46 =	vld [tilespmem:$0xC850]  }
0x20: {  	v60 =	vimm.f32 $0.0e+00;
	v23 =	vimm.f32 $0.0e+00;
	v25 =	vimm.f32 $0.0e+00;
	v49 =	vld [tilespmem:$0xC860]  }
0x21: {  	v26 =	vimm.f32 $0.0e+00;
	v27 =	vimm.f32 $0.0e+00;
	v28 =	vimm.f32 $0.0e+00;
	v53 =	vld [tilespmem:$0xC870];
	[tilespmem:s3], [sflag:$0x1] =	stream.strided.gather [hbm4b:s8+s15], $0x6400, s16, s15, $0x38  }
0x22: {  	v30 =	vimm.f32 $0.0e+00;
	v32 =	vimm.f32 $0.0e+00;
	v33 =	vimm.f32 $0.0e+00;
	[tilespmem:$0x1FF50] =	vst v48  }
0x23: {  	v35 =	vimm.f32 $0.0e+00;
	v29 =	vimm.f32 $0.0e+00;
	v31 =	vimm.f32 $0.0e+00;
	[tilespmem:$0x1FF60] =	vst v52  }
0x24: {  	v34 =	vimm.f32 $0.0e+00;
	v36 =	vimm.f32 $0.0e+00;
	v37 =	vimm.f32 $0.0e+00;
	[tilespmem:$0x1FF70] =	vst v54  }
0x25: {  	v38 =	vimm.f32 $0.0e+00;
	v39 =	vimm.f32 $0.0e+00;
	v40 =	vimm.f32 $0.0e+00;
	s25 =	simm.s32 $0x0;
	[tilespmem:$0x1FF80] =	vst v55  }
.LBB2_2:
0x26: {  	s29 =	sshll.u32 s25, $0x5  }
0x27: {  	s28 =	sor.u32 s29, s4  }
0x28: {  	s30 =	sor.u32 $0x10, s28  }
0x29: {  	[tilespmem:$0x1FEE0] =	vst v60;
	s26 =	smul.u32 $0xC8, s30  }
0x2a: {  	[tilespmem:$0x1FEF0] =	vst v51;
	p1 =	slt.u32 s30, $0x1F4  }
0x2b: {  	[tilespmem:$0x1FF00] =	vst v50;
	s26 =	simm.s32 @!p1 $0x0  }
0x2c: {  	[tilespmem:$0x1FF10] =	vst v47;
	s30 =	sor.u32 s5, s26  }
0x2d: {  	[tilespmem:$0x1FF20] =	vst v44;
	s30 =	sshll.u32 s30, $0x7  }
0x2e: {  	[tilespmem:$0x1FF30] =	vst v43;
	s30 =	sand.u32 $0x1FFFFF80, s30  }
0x2f: {  	[tilespmem:$0x1FF40] =	vst v3;
	s30 =	sadd.s32 s1, s30  }
0x30: {  	[tilespmem:s17], [sflag:$0x2] =	stream.strided.gather [hbm4b:s30+s15], $0x6400, s16, s15, $0x38;
	[tilespmem:$0xDB00] =	vst v63  }
0x31: {  	_ =	swait.ge [sflag:s18], $0x6400  }
0x32: {  	[sflag:s18] =	ssyncset.done $0x0  }
0x33: {  	s0 =	simm.s32 $0x0;
	[sflag:s18] =	ssyncadd.s32 $0xFFFF9C00  }
0x34: {  	v1 =	vld [tilespmem:s0+$0x70]  }
0x35: {  	v2 =	vld [tilespmem:s0+$0x0]  }
0x36: {  	v3 =	vld [tilespmem:s0+$0x10]  }
0x37: {  	v63 =	vld [tilespmem:s0+$0x20]  }
0x38: {  	v0 =	vld [tilespmem:s0+$0x30]  }
0x39: {  	v4 =	vimm.f32 $0.0e+00;
	v60 =	vimm.f32 $0.0e+00;
	v61 =	vimm.f32 $0.0e+00;
	v62 =	vld [tilespmem:s0+$0x40]  }
0x3a: {  	v10 =	vimm.f32 $0.0e+00;
	v11 =	vimm.f32 $0.0e+00;
	v14 =	vld [tilespmem:s0+$0x50];
	v50 =	vadd.f32 v1, v4  }
0x3b: {  	s31 =	simm.s32 $0x400;
	v9 =	vimm.f32 $0.0e+00;
	s30 =	simm.s32 $0x80;
	v15 =	vld [tilespmem:s0+$0x60];
	v47 =	vadd.f32 v2, v4;
	v51 =	vadd.f32 v3, v4  }
.LBB2_3:
0x3c: {  	p2 =	sne.s32 s31, $0x18E00;
	v1 =	vld [tilespmem:s30+$0x70];
	v60 =	vadd.f32 v63, v60  }
0x3d: {  	v2 =	vld [tilespmem:s30+$0x0];
	v61 =	vadd.f32 v0, v61  }
0x3e: {  	v3 =	vld [tilespmem:s30+$0x10];
	v10 =	vadd.f32 v62, v10  }
.Ltmp2:
0x3f: {  	v63 =	vld [tilespmem:s30+$0x20];
	v11 =	vadd.f32 v14, v11;
	(pc) =	sbr.rel @p2 .LBB2_3-.Ltmp2, $4  }
0x40: {  	v0 =	vld [tilespmem:s30+$0x30];
	v9 =	vadd.f32 v15, v9  }
0x41: {  	v62 =	vld [tilespmem:s30+$0x40];
	v50 =	vadd.f32 v1, v50  }
0x42: {  	v47 =	vadd.f32 v2, v47;
	v14 =	vld [tilespmem:s30+$0x50]  }
0x43: {  	v51 =	vadd.f32 v3, v51;
	v15 =	vld [tilespmem:s30+$0x60];
	s30 =	sshra.s32 s31, $0x2;
	s31 =	sadd.s32 $0x200, s31  }
0x44: {  	s0 =	smul.u32 $0xC8, s28;
	_ =	sdelay $0x1  }
0x45: {  	v7 =	vld [tilespmem:$0x1FF90];
	v1 =	vmov s0  }
0x46: {  	v3 =	vsub.s32 v55, v1  }
0x47: {  	v5 =	vlaneseq.u32;
	v12 =	vld [tilespmem:$0x1FFA0];
	v18 =	vshll.u32 v3, $0x7  }
0x48: {  	vm2 =	vlt.u32 v3, $0xC8;
	v3 =	vor.u32 v5, v18;
	v18 =	vsub.s32 v54, v1  }
0x49: {  	v24 =	vshll.u32 v18, $0x7  }
0x4a: {  	vm3 =	vlt.u32 v18, $0xC8;
	v18 =	vor.u32 v7, v24;
	v24 =	vsub.s32 v52, v1  }
0x4b: {  	v41 =	vshll.u32 v24, $0x7  }
0x4c: {  	vm4 =	vlt.u32 v24, $0xC8;
	v24 =	vor.u32 v12, v41  }
0x4d: {  	v3 =	vsel vm2, v3, v5;
	v24 =	vsel vm4, v24, v12;
	v12 =	vld [tilespmem:$0x1FFB0];
	_ =	sdelay $0x2  }
0x4e: {  	v48 =	vsub.s32 v48, v1  }
0x4f: {  	s31 =	simm.s32 $0x0;
	v42 =	vshll.u32 v48, $0x7  }
0x50: {  	vm5 =	vlt.u32 v48, $0xC8;
	v43 =	vld.idx.msk [tilespmem:v3+s31+$0x0], vm2;
	v3 =	vor.u32 v12, v42  }
0x51: {  	v18 =	vsel vm3, v18, v7;
	v3 =	vsel vm5, v3, v12;
	v12 =	vld [tilespmem:$0x1FFC0];
	_ =	sdelay $0x2  }
0x52: {  	v52 =	vsub.s32 v45, v1  }
0x53: {  	v2 =	vld [tilespmem:s30+$0x70];
	v54 =	vshll.u32 v52, $0x7  }
0x54: {  	v22 =	vmov v45;
	vm6 =	vlt.u32 v52, $0xC8;
	v45 =	vld.idx.msk [tilespmem:v18+s31+$0x0], vm3;
	v18 =	vor.u32 v12, v54  }
0x55: {  	v18 =	vsel vm6, v18, v12;
	v12 =	vld [tilespmem:$0x1FFD0]  }
0x56: {  	v4 =	vld [tilespmem:s30+$0x0]  }
0x57: {  	v19 =	vld [tilespmem:s30+$0x10]  }
0x58: {  	v20 =	vld [tilespmem:s30+$0x20];
	v55 =	vsub.s32 v46, v1  }
0x59: {  	v6 =	vld [tilespmem:s30+$0x40];
	v56 =	vshll.u32 v55, $0x7  }
0x5a: {  	vm7 =	vlt.u32 v55, $0xC8;
	v48 =	vld.idx.msk [tilespmem:v24+s31+$0x0], vm4;
	v24 =	vor.u32 v12, v56  }
0x5b: {  	v24 =	vsel vm7, v24, v12;
	v12 =	vld [tilespmem:$0x1FFE0]  }
0x5c: {  	v8 =	vld [tilespmem:s30+$0x60]  }
0x5d: {  	v44 =	vld [tilespmem:$0x0]  }
0x5e: {  	v21 =	vmov v46;
	v46 =	vld [tilespmem:$0x10];
	v57 =	vsub.s32 v49, v1  }
0x5f: {  	v16 =	vmov v49;
	v49 =	vld [tilespmem:$0x20];
	v58 =	vshll.u32 v57, $0x7  }
0x60: {  	vm8 =	vlt.u32 v57, $0xC8;
	v52 =	vld.idx.msk [tilespmem:v3+s31+$0x0], vm5;
	v3 =	vor.u32 v12, v58  }
0x61: {  	v3 =	vsel vm8, v3, v12;
	v12 =	vld [tilespmem:$0x1FFF0]  }
0x62: {  	v55 =	vld [tilespmem:$0x40]  }
0x63: {  	v57 =	vld [tilespmem:$0x50]  }
0x64: {  	v5 =	vld [tilespmem:s30+$0x30];
	v1 =	vsub.s32 v53, v1  }
0x65: {  	v17 =	vmov v53;
	s29 =	sadd.s32 s9, s29;
	v53 =	vld [tilespmem:$0x30];
	v59 =	vshll.u32 v1, $0x7  }
0x66: {  	v7 =	vld [tilespmem:s30+$0x50];
	vm1 =	vlt.u32 v1, $0xC8;
	s30 =	smul.u32 $0x32000, s29;
	v1 =	vor.u32 v12, v59  }
0x67: {  	p2 =	slt.u32 s29, $0x1F4;
	v41 =	vld [tilespmem:$0x70];
	v1 =	vsel vm1, v1, v12  }
0x68: {  	s30 =	simm.s32 @!p2 $0x0;
	v54 =	vld.idx.msk [tilespmem:v18+s31+$0x0], vm6  }
0x69: {  	s29 =	sor.u32 s6, s30;
	v56 =	vld [tilespmem:$0x60]  }
0x6a: {  	s29 =	sshrl.u32 s29, $0x3;
	v59 =	vld.idx.msk [tilespmem:v24+s31+$0x0], vm7  }
0x6b: {  	s29 =	sadd.s32 s1, s29;
	v58 =	vld.idx.msk [tilespmem:v3+s31+$0x0], vm8  }
0x6c: {  	v42 =	vld.idx.msk [tilespmem:v1+s31+$0x0], vm1;
	[tilespmem:s31], [sflag:$0x1] =	stream.strided.gather [hbm4b:s29+s15], $0x6400, s16, s15, $0x38;
	[tilespmem:$0xDB00] =	vst v63  }
0x6d: {  	_ =	swait.ge [sflag:s19], $0x6400  }
0x6e: {  	[sflag:s19] =	ssyncset.done $0x0  }
0x6f: {  	v10 =	vadd.f32 v62, v10;
	s31 =	simm.s32 $0x0;
	[sflag:s19] =	ssyncadd.s32 $0xFFFF9C00  }
0x70: {  	v3 =	vadd.f32 v0, v61;
	v24 =	vadd.f32 v14, v11;
	v18 =	vld [tilespmem:s31+$0x6470]  }
0x71: {  	v61 =	vadd.f32 v15, v9;
	v1 =	vadd.f32 v63, v60;
	v60 =	vld [tilespmem:s31+$0x6400]  }
0x72: {  	v0 =	vadd.f32 v2, v50;
	v50 =	vadd.f32 v4, v47;
	v2 =	vld [tilespmem:s31+$0x6410]  }
0x73: {  	v47 =	vadd.f32 v19, v51;
	v11 =	vadd.f32 v6, v10;
	v63 =	vld [tilespmem:s31+$0x6420]  }
0x74: {  	v62 =	vimm.f32 $0.0e+00;
	v14 =	vadd.f32 v5, v3;
	v9 =	vadd.f32 v7, v24;
	v19 =	vld [tilespmem:s31+$0x6430]  }
0x75: {  	v10 =	vadd.f32 v8, v61;
	v24 =	vimm.f32 $0.0e+00;
	v15 =	vadd.f32 v20, v1;
	v20 =	vld [tilespmem:s31+$0x6440]  }
0x76: {  	v1 =	vimm.f32 $0.0e+00;
	v3 =	vld [tilespmem:s31+$0x6450];
	v51 =	vadd.f32 v18, v62;
	v60 =	vadd.f32 v60, v62  }
0x77: {  	s30 =	simm.s32 $0x400;
	s29 =	simm.s32 $0x80;
	v4 =	vld [tilespmem:s31+$0x6460];
	v61 =	vadd.f32 v2, v62;
	v18 =	vimm.f32 $0.0e+00;
	v2 =	vimm.f32 $0.0e+00  }
.LBB2_5:
0x78: {  	p2 =	sne.s32 s30, $0x18E00;
	v5 =	vld [tilespmem:s29+$0x6470];
	v62 =	vadd.f32 v63, v62  }
0x79: {  	v6 =	vld [tilespmem:s29+$0x6400];
	v18 =	vadd.f32 v19, v18  }
0x7a: {  	v7 =	vld [tilespmem:s29+$0x6410];
	v2 =	vadd.f32 v20, v2  }
.Ltmp3:
0x7b: {  	v63 =	vld [tilespmem:s29+$0x6420];
	v24 =	vadd.f32 v3, v24;
	(pc) =	sbr.rel @p2 .LBB2_5-.Ltmp3, $4  }
0x7c: {  	v19 =	vld [tilespmem:s29+$0x6430];
	v1 =	vadd.f32 v4, v1  }
0x7d: {  	v20 =	vld [tilespmem:s29+$0x6440];
	v51 =	vadd.f32 v5, v51  }
0x7e: {  	v60 =	vadd.f32 v6, v60;
	v3 =	vld [tilespmem:s29+$0x6450]  }
0x7f: {  	v61 =	vadd.f32 v7, v61;
	v4 =	vld [tilespmem:s29+$0x6460];
	s29 =	sshra.s32 s30, $0x2;
	s30 =	sadd.s32 $0x200, s30  }
0x80: {  	v5 =	vld [tilespmem:s29+$0x6470]  }
0x81: {  	v6 =	vld [tilespmem:s29+$0x6400]  }
0x82: {  	v7 =	vld [tilespmem:s29+$0x6410];
	v62 =	vadd.f32 v63, v62;
	v15 =	vadd.f32 v15, v38  }
0x83: {  	v8 =	vld [tilespmem:s29+$0x6420];
	v11 =	vadd.f32 v11, v36;
	v10 =	vadd.f32 v10, v31  }
0x84: {  	v12 =	vld [tilespmem:s29+$0x6430];
	v18 =	vadd.f32 v19, v18;
	v14 =	vadd.f32 v14, v37  }
0x85: {  	v13 =	vld [tilespmem:s29+$0x6440];
	v0 =	vadd.f32 v0, v29;
	v2 =	vadd.f32 v20, v2;
	v20 =	vnsel vm4, $0x0, v48  }
0x86: {  	v63 =	vld [tilespmem:s29+$0x6450];
	v3 =	vadd.f32 v3, v24;
	v20 =	vadd.f32 v20, v32;
	v24 =	vnsel vm5, $0x0, v52  }
0x87: {  	v1 =	vadd.f32 v4, v1;
	v24 =	vadd.f32 v24, v30  }
0x88: {  	v19 =	vld [tilespmem:s29+$0x6460];
	v4 =	vadd.f32 v5, v51;
	v5 =	vadd.f32 v6, v60  }
0x89: {  	v43 =	vnsel vm2, $0x0, v43;
	v36 =	vld [tilespmem:$0x1FF10];
	v6 =	vadd.f32 v7, v61;
	v7 =	vadd.f32 v8, v62  }
0x8a: {  	p2 =	seq.s32 s28, $0x0;
	v31 =	vmov s26;
	v38 =	vld [tilespmem:$0x1FF30];
	v8 =	vadd.f32 v12, v18;
	v2 =	vadd.f32 v13, v2  }
0x8b: {  	v23 =	vpsel p2, v44, v23;
	v37 =	vld [tilespmem:$0x1FF20];
	v3 =	vadd.f32 v63, v3;
	v13 =	vadd.f32 v50, v40  }
0x8c: {  	v12 =	vadd.f32 v43, v35;
	v18 =	vadd.f32 v47, v39;
	v50 =	vnsel vm3, $0x0, v45;
	v51 =	vld [tilespmem:$0x1FEE0]  }
0x8d: {  	v30 =	vnsel vm6, $0x0, v54;
	v1 =	vadd.f32 v19, v1;
	v19 =	vadd.f32 v50, v33;
	v33 =	vld [tilespmem:$0x1FEF0]  }
0x8e: {  	v48 =	vld [tilespmem:$0x1FF50];
	v28 =	vadd.f32 v30, v28;
	v47 =	vpsel p2, v55, v36;
	v30 =	vnsel vm7, $0x0, v59  }
0x8f: {  	v52 =	vld [tilespmem:$0x1FF60];
	v43 =	vpsel p2, v56, v38;
	vm7 =	vmmov vm0;
	v39 =	vlaneseq.u32  }
0x90: {  	v35 =	vld [tilespmem:$0x1FF00];
	v56 =	vsub.s32 v22, v31;
	v61 =	vsub.s32 v16, v31;
	v27 =	vadd.f32 v30, v27  }
0x91: {  	v55 =	vld [tilespmem:$0x1FF80];
	v44 =	vpsel p2, v57, v37;
	v30 =	vnsel vm8, $0x0, v58;
	vm7 =	vmneg @p1 vm7  }
0x92: {  	v57 =	vsub.s32 v21, v31;
	v60 =	vpsel p2, v46, v51;
	v51 =	vpsel p2, v49, v33;
	v49 =	vld [tilespmem:$0x1FFA0]  }
0x93: {  	vm9 =	vlt.u32 v61, $0xC8;
	v63 =	vshll.u32 v61, $0x7;
	v26 =	vadd.f32 v30, v26  }
0x94: {  	v54 =	vld [tilespmem:$0x1FF70];
	vm15 =	vlt.u32 v57, $0xC8;
	vm9 =	vmand vm7, vm9;
	v45 =	vsub.s32 v52, v31  }
0x95: {  	vm8 =	vmand vm7, vm15;
	vm12 =	vlt.u32 v45, $0xC8;
	v32 =	vshll.u32 v45, $0x7  }
0x96: {  	v59 =	vld [tilespmem:$0x1FFD0];
	v50 =	vpsel p2, v53, v35;
	v30 =	vsub.s32 v55, v31;
	vm4 =	vmand vm7, vm12  }
0x97: {  	v46 =	vsub.s32 v48, v31;
	v53 =	vld [tilespmem:$0x1FFB0];
	v35 =	vshll.u32 v57, $0x7;
	v32 =	vor.u32 v49, v32  }
0x98: {  	vm2 =	vlt.u32 v30, $0xC8;
	v29 =	vshll.u32 v30, $0x7;
	v32 =	vsel vm4, v32, v49;
	v49 =	vmovc v16;
	v16 =	vld [tilespmem:$0x1FFE0]  }
0x99: {  	v40 =	vld [tilespmem:$0x1FF90];
	v30 =	vsub.s32 v54, v31;
	vm2 =	vmand vm7, vm2;
	v29 =	vor.u32 v39, v29  }
0x9a: {  	vm13 =	vlt.u32 v46, $0xC8;
	v33 =	vshll.u32 v46, $0x7;
	v29 =	vsel vm2, v29, v39  }
0x9b: {  	v35 =	vor.u32 v59, v35;
	v31 =	vsub.s32 v17, v31;
	vm3 =	vlt.u32 v30, $0xC8  }
0x9c: {  	v58 =	vld [tilespmem:$0x1FFC0];
	vm5 =	vmand vm7, vm13;
	v62 =	vsel vm8, v35, v59;
	v33 =	vor.u32 v53, v33  }
0x9d: {  	v30 =	vshll.u32 v30, $0x7;
	v33 =	vsel vm5, v33, v53;
	v53 =	vmovc v17;
	v17 =	vld [tilespmem:$0x1FFF0];
	v35 =	vor.u32 v16, v63  }
0x9e: {  	vm3 =	vmand vm7, vm3;
	v30 =	vor.u32 v40, v30;
	v36 =	vsel vm9, v35, v16  }
0x9f: {  	v9 =	vadd.f32 v9, v34;
	vm14 =	vlt.u32 v56, $0xC8;
	v30 =	vsel vm3, v30, v40;
	v29 =	vld.idx.msk [tilespmem:v29+s17+$0x0], vm2  }
0xa0: {  	v34 =	vshll.u32 v56, $0x7;
	vm6 =	vmand vm7, vm14;
	v5 =	vpsel !p1, $0x0, v5  }
0xa1: {  	v34 =	vor.u32 v58, v34;
	vm10 =	vlt.u32 v31, $0xC8;
	v31 =	vshll.u32 v31, $0x7;
	v59 =	vld.idx.msk [tilespmem:v62+s17+$0x0], vm8  }
0xa2: {  	v34 =	vsel vm6, v34, v58;
	vm7 =	vmand vm7, vm10;
	v31 =	vor.u32 v17, v31;
	v32 =	vld.idx.msk [tilespmem:v32+s17+$0x0], vm4  }
0xa3: {  	v61 =	vpsel !p1, $0x0, v8;
	v2 =	vpsel !p1, $0x0, v2;
	v31 =	vsel vm7, v31, v17;
	v62 =	vld.idx.msk [tilespmem:v36+s17+$0x0], vm9  }
0xa4: {  	v37 =	vadd.f32 v61, v14;
	v40 =	vadd.f32 v5, v13;
	v30 =	vld.idx.msk [tilespmem:v30+s17+$0x0], vm3;
	v5 =	vnsel vm2, $0x0, v29  }
0xa5: {  	v39 =	vnsel vm1, $0x0, v42;
	v56 =	vld.idx.msk [tilespmem:v33+s17+$0x0], vm5;
	v35 =	vadd.f32 v5, v12;
	v5 =	vpsel !p1, $0x0, v6  }
0xa6: {  	v25 =	vadd.f32 v39, v25;
	v39 =	vadd.f32 v5, v18;
	v5 =	vpsel !p1, $0x0, v7  }
0xa7: {  	v1 =	vpsel !p1, $0x0, v1;
	v57 =	vld.idx.msk [tilespmem:v34+s17+$0x0], vm6;
	v38 =	vadd.f32 v5, v15;
	v5 =	vnsel vm4, $0x0, v32  }
0xa8: {  	s25 =	sadd.s32 $0x1, s25;
	v63 =	vld.idx.msk [tilespmem:v31+s17+$0x0], vm7;
	v31 =	vadd.f32 v1, v10;
	v36 =	vadd.f32 v2, v11;
	v1 =	vnsel vm9, $0x0, v62  }
0xa9: {  	v2 =	vpsel !p1, $0x0, v3;
	v3 =	vld [tilespmem:$0x1FF40];
	v26 =	vadd.f32 v1, v26;
	v1 =	vpsel !p1, $0x0, v4;
	p1 =	sne.s32 s25, $0x10  }
.Ltmp4:
0xaa: {  	v58 =	vnsel vm3, $0x0, v30;
	v32 =	vadd.f32 v5, v20;
	v5 =	vnsel vm5, $0x0, v56;
	(pc) =	sbr.rel @p1 .LBB2_2-.Ltmp4, $4  }
0xab: {  	v33 =	vadd.f32 v58, v19;
	v30 =	vadd.f32 v5, v24  }
0xac: {  	v5 =	vnsel vm6, $0x0, v57;
	v34 =	vadd.f32 v2, v9;
	v2 =	vnsel vm8, $0x0, v59  }
0xad: {  	v45 =	vmovc v22;
	v28 =	vadd.f32 v5, v28;
	v27 =	vadd.f32 v2, v27;
	v2 =	vnsel vm7, $0x0, v63  }
0xae: {  	v46 =	vmovc v21;
	v3 =	vpsel p2, v41, v3;
	v25 =	vadd.f32 v2, v25;
	v29 =	vadd.f32 v1, v0  }
0xaf: {  	_ =	swait.ge [sflag:s18], $0x6400  }
0xb0: {  	[sflag:s18] =	ssyncset.done $0x0  }
0xb1: {  	[sflag:s18] =	ssyncadd.s32 $0xFFFF9C00  }
0xb2: {  	[tilespmem:$0xC880] =	vst v40  }
0xb3: {  	[tilespmem:$0xC900] =	vst v35  }
0xb4: {  	[tilespmem:$0xC890] =	vst v39  }
0xb5: {  	[tilespmem:$0xC910] =	vst v33  }
0xb6: {  	[tilespmem:$0xC8A0] =	vst v38  }
0xb7: {  	[tilespmem:$0xC920] =	vst v32  }
0xb8: {  	[tilespmem:$0xC8B0] =	vst v37  }
0xb9: {  	[tilespmem:$0xC930] =	vst v30  }
0xba: {  	[tilespmem:$0xC8C0] =	vst v36  }
0xbb: {  	[tilespmem:$0xC940] =	vst v28  }
0xbc: {  	[tilespmem:$0xC8D0] =	vst v34  }
0xbd: {  	[tilespmem:$0xC950] =	vst v27  }
0xbe: {  	[tilespmem:$0xC8E0] =	vst v31  }
0xbf: {  	[tilespmem:$0xC960] =	vst v26  }
0xc0: {  	[tilespmem:$0xC8F0] =	vst v29  }
0xc1: {  	[tilespmem:$0xC970] =	vst v25  }
0xc2: {  	[spmem:s10] =	stream.strided.scatter [tilespmem:s21], [sflag:$0x3], $0x100, s15, s20, $0x38;
	[tilespmem:$0xDB00] =	vst v63  }
.Ltmp5:
0xc3: {  	_ =	swait.ge [sflag:s14], $0x100;
	(pc) =	sbr.rel @p0 .LBB2_9-.Ltmp5, $3  }
0xc4: {  	[sflag:s14] =	ssyncset.done $0x0  }
0xc5: {  	[sflag:s14] =	ssyncadd.s32 $0xFFFFFF00  }
0xc6: {  	[bflag:$0x0] =	sbarrier.arrive $0xFFFF;
	_ =	sdelay $0x1  }
0xc7: {  	[tilespmem:s22], [sflag:$0x3] =	stream.linear.gather [spmem:s2], $0x1000, $0x38;
	[tilespmem:$0xDB00] =	vst v63  }
0xc8: {  	_ =	swait.ge [sflag:s14], $0x1000  }
0xc9: {  	[sflag:s14] =	ssyncset.done $0x0  }
0xca: {  	[sflag:s14] =	ssyncadd.s32 $0xFFFFF000  }
0xcb: {  	v0 =	vld [tilespmem:$0xC980]  }
0xcc: {  	v1 =	vld [tilespmem:$0xCD80]  }
0xcd: {  	v2 =	vld [tilespmem:$0xCA00]  }
0xce: {  	[tilespmem:$0x1FF40] =	vst v3;
	v3 =	vld [tilespmem:$0xCE00]  }
0xcf: {  	v4 =	vld [tilespmem:$0xCA80]  }
0xd0: {  	v5 =	vld [tilespmem:$0xCE80]  }
0xd1: {  	v6 =	vld [tilespmem:$0xCB00]  }
0xd2: {  	v7 =	vld [tilespmem:$0xCF00]  }
0xd3: {  	v8 =	vld [tilespmem:$0xCB80]  }
0xd4: {  	v9 =	vld [tilespmem:$0xCF80]  }
0xd5: {  	v10 =	vld [tilespmem:$0xCC00]  }
0xd6: {  	v11 =	vld [tilespmem:$0xD000]  }
0xd7: {  	v12 =	vld [tilespmem:$0xCC80]  }
0xd8: {  	v13 =	vld [tilespmem:$0xD080]  }
0xd9: {  	v14 =	vld [tilespmem:$0xCD00]  }
0xda: {  	v15 =	vld [tilespmem:$0xD100]  }
0xdb: {  	v18 =	vld [tilespmem:$0xD180]  }
0xdc: {  	v19 =	vld [tilespmem:$0xD580]  }
0xdd: {  	v25 =	vld [tilespmem:$0xD200]  }
0xde: {  	v24 =	vld [tilespmem:$0xD600]  }
0xdf: {  	v27 =	vld [tilespmem:$0xD280]  }
0xe0: {  	v26 =	vld [tilespmem:$0xD680]  }
0xe1: {  	v29 =	vld [tilespmem:$0xD300]  }
0xe2: {  	v31 =	vld [tilespmem:$0xD700]  }
0xe3: {  	v33 =	vld [tilespmem:$0xD380]  }
0xe4: {  	v32 =	vld [tilespmem:$0xD780]  }
0xe5: {  	v36 =	vld [tilespmem:$0xD400]  }
0xe6: {  	v37 =	vld [tilespmem:$0xD800]  }
0xe7: {  	v17 =	vld [tilespmem:$0xD120]  }
0xe8: {  	v40 =	vld [tilespmem:$0xD480]  }
0xe9: {  	v41 =	vld [tilespmem:$0xD880]  }
0xea: {  	[tilespmem:$0x1FEB0] =	vst v46;
	v46 =	vld [tilespmem:$0xD500]  }
0xeb: {  	[tilespmem:$0x1FF10] =	vst v47;
	v47 =	vld [tilespmem:$0xD900]  }
0xec: {  	[tilespmem:$0x1FA30] =	vst v17;
	v17 =	vld [tilespmem:$0xD1A0]  }
0xed: {  	v38 =	vld [tilespmem:$0xC990]  }
0xee: {  	v39 =	vld [tilespmem:$0xCD90]  }
0xef: {  	[tilespmem:$0x1FF20] =	vst v44;
	v44 =	vld [tilespmem:$0xCA10]  }
0xf0: {  	[tilespmem:$0x1FEA0] =	vst v45;
	v45 =	vld [tilespmem:$0xCE10]  }
0xf1: {  	[tilespmem:$0x1FA40] =	vst v17;
	v17 =	vld [tilespmem:$0xD5A0]  }
0xf2: {  	[tilespmem:$0x1FF00] =	vst v50;
	v50 =	vld [tilespmem:$0xCA90]  }
0xf3: {  	v21 =	vmov v51;
	v51 =	vld [tilespmem:$0xCE90]  }
0xf4: {  	v54 =	vld [tilespmem:$0xCB10]  }
0xf5: {  	v55 =	vld [tilespmem:$0xCF10]  }
0xf6: {  	[tilespmem:$0x1FA70] =	vst v17;
	v17 =	vld [tilespmem:$0xD220]  }
0xf7: {  	v58 =	vld [tilespmem:$0xCB90]  }
0xf8: {  	v59 =	vld [tilespmem:$0xCF90]  }
0xf9: {  	v62 =	vld [tilespmem:$0xCC10]  }
0xfa: {  	v63 =	vld [tilespmem:$0xD010]  }
0xfb: {  	[tilespmem:$0x1FA80] =	vst v17;
	v17 =	vld [tilespmem:$0xD620]  }
0xfc: {  	v16 =	vld [tilespmem:$0xCC90]  }
0xfd: {  	v30 =	vld [tilespmem:$0xD090]  }
0xfe: {  	v34 =	vld [tilespmem:$0xCD10]  }
0xff: {  	v35 =	vld [tilespmem:$0xD110]  }
0x100: {  	[tilespmem:$0x1FAB0] =	vst v17;
	v17 =	vld [tilespmem:$0xD2A0]  }
0x101: {  	v42 =	vld [tilespmem:$0xD190]  }
0x102: {  	v48 =	vld [tilespmem:$0xD590]  }
0x103: {  	v56 =	vld [tilespmem:$0xD210]  }
0x104: {  	v57 =	vld [tilespmem:$0xD610]  }
0x105: {  	[tilespmem:$0x1FAC0] =	vst v17;
	v17 =	vld [tilespmem:$0xD6A0]  }
0x106: {  	v61 =	vld [tilespmem:$0xD290]  }
0x107: {  	v20 =	vld [tilespmem:$0xD690]  }
0x108: {  	v22 =	vld [tilespmem:$0xD310]  }
0x109: {  	v28 =	vld [tilespmem:$0xD710]  }
0x10a: {  	[tilespmem:$0x1FAF0] =	vst v17;
	v17 =	vld [tilespmem:$0xD320]  }
0x10b: {  	[tilespmem:$0x1FF30] =	vst v43;
	v43 =	vld [tilespmem:$0xCB20]  }
0x10c: {  	[tilespmem:$0x1FEC0] =	vst v49;
	v49 =	vld [tilespmem:$0xCBA0]  }
0x10d: {  	[tilespmem:$0x1FED0] =	vst v53;
	v53 =	vld [tilespmem:$0xCC20]  }
0x10e: {  	[tilespmem:$0x1F980] =	vst v30;
	v30 =	vld [tilespmem:$0xD390]  }
0x10f: {  	[tilespmem:$0x1FB00] =	vst v17;
	v17 =	vld [tilespmem:$0xD720]  }
0x110: {  	[tilespmem:$0x1F990] =	vst v34;
	v34 =	vld [tilespmem:$0xD790]  }
0x111: {  	[tilespmem:$0x1F9A0] =	vst v35;
	v35 =	vld [tilespmem:$0xD410]  }
0x112: {  	[tilespmem:$0x1F9B0] =	vst v42;
	v42 =	vld [tilespmem:$0xD810]  }
0x113: {  	[tilespmem:$0x1F9C0] =	vst v48;
	v48 =	vld [tilespmem:$0xD490]  }
0x114: {  	[tilespmem:$0x1FB30] =	vst v17;
	v17 =	vld [tilespmem:$0xD3A0]  }
0x115: {  	[tilespmem:$0x1F9D0] =	vst v56;
	v56 =	vld [tilespmem:$0xD890]  }
0x116: {  	[tilespmem:$0x1F9E0] =	vst v57;
	v57 =	vld [tilespmem:$0xD510]  }
0x117: {  	[tilespmem:$0x1F9F0] =	vst v61;
	v61 =	vld [tilespmem:$0xD910]  }
0x118: {  	[tilespmem:$0x1FA00] =	vst v20;
	v20 =	vld [tilespmem:$0xC9A0]  }
0x119: {  	v0 =	vadd.f32 $0.0e+00, v0;
	[tilespmem:$0x1FB40] =	vst v17;
	v17 =	vld [tilespmem:$0xD7A0]  }
0x11a: {  	[tilespmem:$0x1FA20] =	vst v28;
	v28 =	vld [tilespmem:$0xCA20]  }
0x11b: {  	[tilespmem:$0x1F970] =	vst v16;
	v16 =	vmov v52;
	v52 =	vld [tilespmem:$0xCFA0];
	v1 =	vadd.f32 $0.0e+00, v1;
	v0 =	vadd.f32 v2, v0  }
0x11c: {  	[tilespmem:$0x1FA10] =	vst v22;
	v22 =	vmov v60;
	v60 =	vld [tilespmem:$0xD0A0]  }
0x11d: {  	v1 =	vadd.f32 v3, v1;
	v0 =	vadd.f32 v4, v0;
	v4 =	vld [tilespmem:$0xCCB0]  }
0x11e: {  	[tilespmem:$0x1FB70] =	vst v17;
	v17 =	vld [tilespmem:$0xD420]  }
0x11f: {  	v1 =	vadd.f32 v5, v1;
	v5 =	vld [tilespmem:$0xD0B0]  }
0x120: {  	[tilespmem:$0x1FA50] =	vst v30;
	v30 =	vld [tilespmem:$0xCDA0]  }
0x121: {  	[tilespmem:$0x1FA60] =	vst v34;
	v34 =	vld [tilespmem:$0xCE20]  }
0x122: {  	[tilespmem:$0x1FA90] =	vst v35;
	v35 =	vld [tilespmem:$0xCAA0]  }
0x123: {  	[tilespmem:$0x1FB80] =	vst v17;
	v17 =	vld [tilespmem:$0xD820]  }
0x124: {  	[tilespmem:$0x1FAA0] =	vst v42;
	v42 =	vld [tilespmem:$0xCEA0]  }
0x125: {  	[tilespmem:$0x1FAD0] =	vst v48;
	v48 =	vld [tilespmem:$0xCF20]  }
0x126: {  	[tilespmem:$0x1FAE0] =	vst v56;
	v56 =	vld [tilespmem:$0xD020]  }
0x127: {  	[tilespmem:$0x1FB10] =	vst v57;
	v57 =	vld [tilespmem:$0xCCA0]  }
0x128: {  	[tilespmem:$0x1FBB0] =	vst v17;
	v17 =	vld [tilespmem:$0xD4A0]  }
0x129: {  	[tilespmem:$0x1FB20] =	vst v61;
	v61 =	vld [tilespmem:$0xCD20]  }
0x12a: {  	v0 =	vadd.f32 v6, v0;
	v6 =	vld [tilespmem:$0xCD30]  }
0x12b: {  	v1 =	vadd.f32 v7, v1;
	v7 =	vld [tilespmem:$0xD130]  }
0x12c: {  	v0 =	vadd.f32 v8, v0;
	v8 =	vld [tilespmem:$0xD1B0]  }
0x12d: {  	[tilespmem:$0x1FBC0] =	vst v17;
	v17 =	vld [tilespmem:$0xD8A0]  }
0x12e: {  	v1 =	vadd.f32 v9, v1;
	v9 =	vld [tilespmem:$0xD5B0]  }
0x12f: {  	[tilespmem:$0x1FC80] =	vst v4;
	v4 =	vld [tilespmem:$0xD7B0]  }
0x130: {  	[tilespmem:$0x1FC90] =	vst v5;
	v5 =	vld [tilespmem:$0xD430]  }
0x131: {  	v0 =	vadd.f32 v10, v0;
	v10 =	vld [tilespmem:$0xD230]  }
0x132: {  	[tilespmem:$0x1FBF0] =	vst v17;
	v17 =	vld [tilespmem:$0xD520]  }
0x133: {  	v1 =	vadd.f32 v11, v1;
	v11 =	vld [tilespmem:$0xD630]  }
0x134: {  	[tilespmem:$0x1FCA0] =	vst v6;
	v6 =	vld [tilespmem:$0xD830]  }
0x135: {  	[tilespmem:$0x1FCB0] =	vst v7;
	v7 =	vld [tilespmem:$0xD4B0]  }
0x136: {  	v0 =	vadd.f32 v12, v0;
	v12 =	vld [tilespmem:$0xD2B0]  }
0x137: {  	[tilespmem:$0x1FC00] =	vst v17;
	v17 =	vld [tilespmem:$0xD920]  }
0x138: {  	v1 =	vadd.f32 v13, v1;
	v13 =	vld [tilespmem:$0xD6B0]  }
0x139: {  	[tilespmem:$0x1FCC0] =	vst v8;
	v8 =	vld [tilespmem:$0xD8B0]  }
0x13a: {  	[tilespmem:$0x1FCD0] =	vst v9;
	v9 =	vld [tilespmem:$0xD530]  }
0x13b: {  	v1 =	vadd.f32 v15, v1;
	v15 =	vld [tilespmem:$0xD330]  }
0x13c: {  	[tilespmem:$0x1FC30] =	vst v17;
	v17 =	vld [tilespmem:$0xC9B0]  }
0x13d: {  	v0 =	vadd.f32 v14, v0;
	v14 =	vld [tilespmem:$0xCE40]  }
0x13e: {  	[tilespmem:$0x1FCE0] =	vst v10;
	v10 =	vld [tilespmem:$0xD930]  }
0x13f: {  	[tilespmem:$0x1FCF0] =	vst v11;
	v11 =	vld [tilespmem:$0xC9C0]  }
0x140: {  	v1 =	vadd.f32 v19, v1;
	v19 =	vld [tilespmem:$0xD3B0]  }
0x141: {  	[tilespmem:$0x1FB50] =	vst v17;
	v17 =	vld [tilespmem:$0xCDB0]  }
0x142: {  	[tilespmem:$0x1FDF0] =	vst v7;
	v7 =	vld [tilespmem:$0xC9D0]  }
0x143: {  	[tilespmem:$0x1FD00] =	vst v12;
	v12 =	vld [tilespmem:$0xCDC0]  }
0x144: {  	[tilespmem:$0x1FD10] =	vst v13;
	v13 =	vld [tilespmem:$0xCA40]  }
0x145: {  	v0 =	vadd.f32 v18, v0;
	v1 =	vadd.f32 v24, v1;
	v24 =	vld [tilespmem:$0xCB40]  }
0x146: {  	v18 =	vadd.f32 $0.0e+00, v39;
	[tilespmem:$0x1FB60] =	vst v17;
	v17 =	vld [tilespmem:$0xCA30]  }
0x147: {  	v0 =	vadd.f32 v25, v0;
	v25 =	vld [tilespmem:$0xCF40]  }
0x148: {  	v3 =	vadd.f32 v45, v18;
	v45 =	vld [tilespmem:$0x1F990]  }
0x149: {  	[tilespmem:$0x1FE30] =	vst v9;
	v9 =	vld [tilespmem:$0x1FA10]  }
0x14a: {  	v18 =	vld [tilespmem:$0x1FA90]  }
0x14b: {  	[tilespmem:$0x1FB90] =	vst v17;
	v17 =	vld [tilespmem:$0xCE30]  }
0x14c: {  	[tilespmem:$0x1FE10] =	vst v8;
	v8 =	vld [tilespmem:$0xCDD0]  }
0x14d: {  	[tilespmem:$0x1FD30] =	vst v15;
	v15 =	vld [tilespmem:$0xCAC0]  }
0x14e: {  	[tilespmem:$0x1FD80] =	vst v14;
	v14 =	vld [tilespmem:$0x1FA60]  }
0x14f: {  	v1 =	vadd.f32 v26, v1;
	v26 =	vld [tilespmem:$0xCBC0]  }
0x150: {  	[tilespmem:$0x1FBA0] =	vst v17;
	v17 =	vld [tilespmem:$0xCAB0]  }
0x151: {  	v0 =	vadd.f32 v27, v0;
	v27 =	vld [tilespmem:$0xCFC0]  }
0x152: {  	v3 =	vadd.f32 v51, v3;
	v51 =	vld [tilespmem:$0x1F9C0]  }
0x153: {  	[tilespmem:$0x1FE50] =	vst v10;
	v10 =	vld [tilespmem:$0x1FA20]  }
0x154: {  	[tilespmem:$0x1FD20] =	vst v11;
	v11 =	vld [tilespmem:$0x1FA30]  }
0x155: {  	[tilespmem:$0x1FBD0] =	vst v17;
	v17 =	vld [tilespmem:$0xCEB0]  }
0x156: {  	[tilespmem:$0x1FD70] =	vst v19;
	v19 =	vld [tilespmem:$0xCEC0]  }
0x157: {  	v1 =	vadd.f32 v31, v1;
	v31 =	vld [tilespmem:$0xCC40]  }
0x158: {  	v0 =	vadd.f32 v29, v0;
	v29 =	vmul.f32 $1.000020010e-06, v23;
	v23 =	vld [tilespmem:$0xD040]  }
0x159: {  	v3 =	vadd.f32 v55, v3;
	v55 =	vld [tilespmem:$0x1F9E0]  }
0x15a: {  	[tilespmem:$0x1FBE0] =	vst v17;
	v17 =	vld [tilespmem:$0xCB30]  }
0x15b: {  	[tilespmem:$0x1FD40] =	vst v12;
	v12 =	vld [tilespmem:$0x1FA40]  }
0x15c: {  	[tilespmem:$0x1FD60] =	vst v13;
	v13 =	vld [tilespmem:$0x1FA50]  }
0x15d: {  	[tilespmem:$0x1FDE0] =	vst v24;
	v24 =	vld [tilespmem:$0xD4C0]  }
0x15e: {  	[tilespmem:$0x1FE00] =	vst v25;
	v25 =	vld [tilespmem:$0xD8C0]  }
0x15f: {  	[tilespmem:$0x1FC10] =	vst v17;
	v17 =	vld [tilespmem:$0xCF30]  }
0x160: {  	v0 =	vadd.f32 v33, v0;
	v33 =	vld [tilespmem:$0xCCC0]  }
0x161: {  	v1 =	vadd.f32 v32, v1;
	[tilespmem:$0x1FDA0] =	vst v15;
	v15 =	vld [tilespmem:$0x1FA70]  }
0x162: {  	v32 =	vadd.f32 $0.0e+00, v20;
	v20 =	vld [tilespmem:$0x1FAB0]  }
0x163: {  	[tilespmem:$0x1FE40] =	vst v27;
	v27 =	vld [tilespmem:$0xD7C0];
	v0 =	vadd.f32 v36, v0;
	v1 =	vadd.f32 v37, v1  }
0x164: {  	[tilespmem:$0x1FC20] =	vst v17;
	v17 =	vld [tilespmem:$0xCBB0]  }
0x165: {  	[tilespmem:$0x1FE20] =	vst v26;
	v26 =	vld [tilespmem:$0xD540];
	v0 =	vadd.f32 v40, v0;
	v1 =	vadd.f32 v41, v1  }
0x166: {  	v37 =	vadd.f32 v59, v3;
	v59 =	vld [tilespmem:$0xCD40]  }
0x167: {  	[tilespmem:$0x1FDC0] =	vst v19;
	v19 =	vld [tilespmem:$0x1FAA0];
	v0 =	vadd.f32 v46, v0;
	v1 =	vadd.f32 v47, v1  }
0x168: {  	[tilespmem:$0x1FE60] =	vst v31;
	v31 =	vld [tilespmem:$0xD6C0]  }
0x169: {  	v0 =	vmul.f32 $-1.000020010e-06, v0;
	v1 =	vmul.f32 $8.999990220e-01, v1;
	[tilespmem:$0x1FC40] =	vst v17;
	v17 =	vld [tilespmem:$0xCFB0]  }
0x16a: {  	v40 =	vld [tilespmem:$0x1F970]  }
0x16b: {  	[tilespmem:$0x1FE70] =	vst v33;
	v33 =	vld [tilespmem:$0x1FAC0];
	v0 =	vsub.f32 v0, v1  }
0x16c: {  	v46 =	vld [tilespmem:$0x1F9A0]  }
0x16d: {  	[tilespmem:$0x1FD90] =	vst v4;
	v47 =	vld [tilespmem:$0xD640];
	v4 =	vadd.f32 v0, v29;
	v0 =	vadd.f32 v28, v32  }
0x16e: {  	[tilespmem:$0x1FC50] =	vst v17;
	v17 =	vld [tilespmem:$0xCC30]  }
0x16f: {  	v32 =	vld [tilespmem:$0xD340];
	v39 =	vadd.f32 v35, v0  }
0x170: {  	v29 =	vld [tilespmem:$0xD740]  }
0x171: {  	[tilespmem:$0x1FDB0] =	vst v5;
	v28 =	vld [tilespmem:$0xD440];
	v5 =	vadd.f32 v43, v39  }
0x172: {  	v0 =	vld [tilespmem:$0xD5C0]  }
0x173: {  	v5 =	vadd.f32 v49, v5;
	[tilespmem:$0x1FC60] =	vst v17;
	v17 =	vld [tilespmem:$0xD030]  }
0x174: {  	v49 =	vld [tilespmem:$0xD2C0]  }
0x175: {  	v35 =	vld [tilespmem:$0x1FAE0];
	v5 =	vadd.f32 v53, v5  }
0x176: {  	v39 =	vld [tilespmem:$0x1FB20]  }
0x177: {  	v5 =	vadd.f32 v57, v5;
	v57 =	vld [tilespmem:$0x1FA00]  }
0x178: {  	[tilespmem:$0x1FC70] =	vst v17;
	v17 =	vld [tilespmem:$0xD730]  }
0x179: {  	[tilespmem:$0x1FE90] =	vst v49;
	v49 =	vld [tilespmem:$0x1FBC0]  }
0x17a: {  	v53 =	vld [tilespmem:$0x1FC00]  }
0x17b: {  	v43 =	vld [tilespmem:$0x1FB60]  }
0x17c: {  	[tilespmem:$0x1FE80] =	vst v47;
	v47 =	vld [tilespmem:$0x1FBA0]  }
0x17d: {  	v5 =	vadd.f32 v61, v5;
	v61 =	vld [tilespmem:$0x1FC40];
	[tilespmem:$0x1FD50] =	vst v17;
	v17 =	vadd.f32 $0.0e+00, v38  }
0x17e: {  	v38 =	vadd.f32 $0.0e+00, v30;
	v30 =	vld [tilespmem:$0xD3C0]  }
0x17f: {  	v2 =	vadd.f32 v44, v17;
	v44 =	vld [tilespmem:$0x1F980]  }
0x180: {  	v17 =	vld [tilespmem:$0x1FA80]  }
0x181: {  	v3 =	vadd.f32 v34, v38;
	v34 =	vld [tilespmem:$0x1FAD0]  }
0x182: {  	v38 =	vld [tilespmem:$0x1FB10]  }
0x183: {  	v2 =	vadd.f32 v50, v2;
	v50 =	vld [tilespmem:$0x1F9B0]  }
0x184: {  	v3 =	vadd.f32 v42, v3;
	v42 =	vld [tilespmem:$0x1FB50]  }
0x185: {  	v2 =	vadd.f32 v54, v2;
	v54 =	vld [tilespmem:$0x1F9D0]  }
0x186: {  	v3 =	vadd.f32 v48, v3;
	v48 =	vld [tilespmem:$0x1FBB0]  }
0x187: {  	v5 =	vadd.f32 v12, v5;
	v36 =	vadd.f32 v58, v2;
	v58 =	vld [tilespmem:$0xD0C0]  }
0x188: {  	v2 =	vadd.f32 v63, v37;
	v63 =	vld [tilespmem:$0xD1C0]  }
0x189: {  	v5 =	vadd.f32 v17, v5;
	v37 =	vld [tilespmem:$0x1FB00]  }
0x18a: {  	v3 =	vadd.f32 v52, v3;
	v52 =	vld [tilespmem:$0x1FBF0]  }
0x18b: {  	v5 =	vadd.f32 v33, v5;
	v33 =	vld [tilespmem:$0xCFD0]  }
0x18c: {  	v12 =	vadd.f32 $0.0e+00, v42;
	v42 =	vld [tilespmem:$0x1FC80]  }
0x18d: {  	v1 =	vadd.f32 v62, v36;
	v62 =	vld [tilespmem:$0xD140]  }
0x18e: {  	v3 =	vadd.f32 v56, v3;
	v56 =	vld [tilespmem:$0x1F9F0]  }
0x18f: {  	v36 =	vld [tilespmem:$0x1FAF0]  }
0x190: {  	v2 =	vadd.f32 v44, v2;
	v44 =	vld [tilespmem:$0x1FB70]  }
0x191: {  	v41 =	vadd.f32 v40, v1;
	v1 =	vld [tilespmem:$0xD240]  }
0x192: {  	v3 =	vadd.f32 v60, v3;
	v60 =	vld [tilespmem:$0xD940]  }
0x193: {  	v40 =	vld [tilespmem:$0x1FB30]  }
0x194: {  	v2 =	vadd.f32 v46, v2;
	v46 =	vld [tilespmem:$0x1FB90]  }
0x195: {  	v5 =	vadd.f32 v37, v5;
	v37 =	vld [tilespmem:$0x1FC50]  }
0x196: {  	[tilespmem:$0x1FDD0] =	vst v6;
	v6 =	vadd.f32 v45, v41;
	v41 =	vld [tilespmem:$0x1FB40]  }
0x197: {  	v3 =	vadd.f32 v11, v3;
	v11 =	vld [tilespmem:$0xCAD0]  }
0x198: {  	v45 =	vld [tilespmem:$0x1FB80]  }
0x199: {  	v2 =	vadd.f32 v51, v2;
	v51 =	vld [tilespmem:$0x1FBE0]  }
0x19a: {  	v3 =	vadd.f32 v15, v3;
	v15 =	vld [tilespmem:$0xCB50]  }
0x19b: {  	v6 =	vadd.f32 v50, v6;
	v50 =	vld [tilespmem:$0x1FBD0]  }
0x19c: {  	v2 =	vadd.f32 v55, v2;
	v55 =	vld [tilespmem:$0x1FC20]  }
0x19d: {  	v12 =	vadd.f32 v46, v12;
	v46 =	vld [tilespmem:$0x1FF80]  }
0x19e: {  	v2 =	vadd.f32 v57, v2;
	v57 =	vld [tilespmem:$0xD840]  }
0x19f: {  	v3 =	vadd.f32 v20, v3;
	v20 =	vld [tilespmem:$0xCBD0]  }
0x1a0: {  	v6 =	vadd.f32 v54, v6;
	v54 =	vld [tilespmem:$0x1FC10]  }
0x1a1: {  	v5 =	vadd.f32 v41, v5;
	v41 =	vmul.f32 $1.000020010e-06, v21;
	v21 =	vld [tilespmem:$0xD1D0]  }
0x1a2: {  	v2 =	vadd.f32 v10, v2;
	v10 =	vld [tilespmem:$0xCE50]  }
0x1a3: {  	v6 =	vadd.f32 v56, v6;
	v56 =	vld [tilespmem:$0x1FC30]  }
0x1a4: {  	v3 =	vadd.f32 v36, v3;
	v36 =	vld [tilespmem:$0xCCD0]  }
0x1a5: {  	v5 =	vadd.f32 v45, v5;
	v45 =	vld [tilespmem:$0x1FCB0]  }
0x1a6: {  	v12 =	vadd.f32 v50, v12;
	v50 =	vld [tilespmem:$0x1FCE0]  }
0x1a7: {  	v6 =	vadd.f32 v9, v6;
	v9 =	vld [tilespmem:$0xCA50]  }
0x1a8: {  	v2 =	vadd.f32 v14, v2;
	v14 =	vld [tilespmem:$0xCED0]  }
0x1a9: {  	v3 =	vadd.f32 v40, v3;
	v40 =	vmul.f32 $1.000020010e-06, v22;
	v22 =	vld [tilespmem:$0xD5D0]  }
0x1aa: {  	vm1 =	veq.s32 v46, $0x0;
	v46 =	vld [tilespmem:$0xD850]  }
0x1ab: {  	v4 =	vadd.f32 $-1.476373550e+00, v4;
	v5 =	vadd.f32 v49, v5;
	v49 =	vld [tilespmem:$0x1FCD0]  }
0x1ac: {  	v12 =	vadd.f32 v54, v12;
	v54 =	vld [tilespmem:$0x1FD20]  }
0x1ad: {  	v4 =	vsel vm1, $0x0, v4;
	vm1 =	veq.s32 v16, $0x0;
	v16 =	vld [tilespmem:$0xD8E0]  }
0x1ae: {  	v2 =	vadd.f32 v19, v2;
	v19 =	vld [tilespmem:$0xCF50]  }
0x1af: {  	v6 =	vadd.f32 v13, v6;
	v13 =	vadd.f32 $0.0e+00, v43;
	v43 =	vld [tilespmem:$0x1FC90]  }
0x1b0: {  	v8 =	vadd.f32 $0.0e+00, v8;
	v3 =	vadd.f32 v44, v3;
	v44 =	vld [tilespmem:$0x1FCA0]  }
0x1b1: {  	v5 =	vadd.f32 v53, v5;
	v53 =	vld [tilespmem:$0x1FD10]  }
0x1b2: {  	v8 =	vadd.f32 v10, v8;
	v10 =	vld [tilespmem:$0xCBE0]  }
0x1b3: {  	v2 =	vadd.f32 v35, v2;
	v35 =	vld [tilespmem:$0xD050]  }
0x1b4: {  	v7 =	vadd.f32 $0.0e+00, v7;
	v13 =	vadd.f32 v47, v13;
	v47 =	vld [tilespmem:$0x1FCC0]  }
0x1b5: {  	v6 =	vadd.f32 v18, v6;
	v3 =	vadd.f32 v48, v3;
	v48 =	vld [tilespmem:$0x1FF70]  }
0x1b6: {  	v7 =	vadd.f32 v9, v7;
	v9 =	vld [tilespmem:$0xCF60]  }
0x1b7: {  	v6 =	vadd.f32 v34, v6;
	v34 =	vld [tilespmem:$0xCC50]  }
0x1b8: {  	v2 =	vadd.f32 v39, v2;
	v39 =	vld [tilespmem:$0x1FC70]  }
0x1b9: {  	v13 =	vadd.f32 v51, v13;
	v51 =	vld [tilespmem:$0x1FCF0]  }
0x1ba: {  	v8 =	vadd.f32 v14, v8;
	v3 =	vadd.f32 v52, v3;
	v52 =	vld [tilespmem:$0x1FD00]  }
0x1bb: {  	v7 =	vadd.f32 v11, v7;
	v11 =	vld [tilespmem:$0xCFE0]  }
0x1bc: {  	v8 =	vadd.f32 v19, v8;
	v19 =	vld [tilespmem:$0xD0E0]  }
0x1bd: {  	v6 =	vadd.f32 v38, v6;
	v38 =	vld [tilespmem:$0x1FC60]  }
0x1be: {  	v13 =	vadd.f32 v55, v13;
	v55 =	vld [tilespmem:$0x1FD30]  }
0x1bf: {  	v3 =	vadd.f32 v56, v3;
	v56 =	vld [tilespmem:$0x1FD40]  }
0x1c0: {  	vm2 =	veq.s32 v48, $0x0;
	v48 =	vld [tilespmem:$0x1FD60]  }
0x1c1: {  	v7 =	vadd.f32 v15, v7;
	v15 =	vld [tilespmem:$0xD060];
	v8 =	vadd.f32 v33, v8  }
0x1c2: {  	v2 =	vmul.f32 $8.999990220e-01, v2;
	v6 =	vmul.f32 $-1.000020010e-06, v6;
	v13 =	vadd.f32 v37, v13;
	v37 =	vld [tilespmem:$0xD0D0]  }
0x1c3: {  	v5 =	vmul.f32 $-1.000020010e-06, v5;
	v3 =	vmul.f32 $8.999990220e-01, v3;
	v8 =	vadd.f32 v35, v8;
	v35 =	vld [tilespmem:$0xD2F0]  }
0x1c4: {  	v2 =	vsub.f32 v6, v2;
	v6 =	vld [tilespmem:$0xCD50]  }
0x1c5: {  	v12 =	vadd.f32 v61, v12;
	v3 =	vsub.f32 v5, v3;
	v5 =	vld [tilespmem:$0xD250]  }
0x1c6: {  	v13 =	vadd.f32 v39, v13;
	v39 =	vld [tilespmem:$0xD650]  }
0x1c7: {  	v7 =	vadd.f32 v20, v7;
	v12 =	vadd.f32 v38, v12;
	v38 =	vld [tilespmem:$0xD150]  }
0x1c8: {  	v61 =	vadd.f32 $0.0e+00, v56;
	v56 =	vld [tilespmem:$0x1FDE0]  }
0x1c9: {  	v7 =	vadd.f32 v34, v7;
	v34 =	vld [tilespmem:$0xD670]  }
0x1ca: {  	v2 =	vadd.f32 v2, v40;
	v40 =	vld [tilespmem:$0xD2D0]  }
0x1cb: {  	v3 =	vadd.f32 v3, v41;
	v41 =	vld [tilespmem:$0xD6D0]  }
0x1cc: {  	v13 =	vadd.f32 v43, v13;
	v43 =	vld [tilespmem:$0xD3D0]  }
0x1cd: {  	v12 =	vadd.f32 v42, v12;
	v42 =	vld [tilespmem:$0xD350]  }
0x1ce: {  	v7 =	vadd.f32 v36, v7;
	v36 =	vld [tilespmem:$0xD6F0]  }
0x1cf: {  	v8 =	vadd.f32 v37, v8;
	v37 =	vld [tilespmem:$0xD370]  }
0x1d0: {  	v13 =	vadd.f32 v45, v13;
	v12 =	vadd.f32 v44, v12;
	v44 =	vld [tilespmem:$0xD450]  }
0x1d1: {  	v6 =	vadd.f32 v6, v7;
	v7 =	vld [tilespmem:$0xD660]  }
0x1d2: {  	v13 =	vadd.f32 v49, v13;
	v49 =	vld [tilespmem:$0x1FD70]  }
0x1d3: {  	v2 =	vadd.f32 $-1.476373550e+00, v2;
	v12 =	vadd.f32 v47, v12;
	v47 =	vld [tilespmem:$0x1FD50]  }
0x1d4: {  	v8 =	vadd.f32 v38, v8;
	v6 =	vadd.f32 v21, v6;
	v21 =	vld [tilespmem:$0xD6E0]  }
0x1d5: {  	v3 =	vadd.f32 $-1.476373550e+00, v3;
	v2 =	vsel vm2, $0x0, v2;
	v13 =	vadd.f32 v51, v13;
	v51 =	vld [tilespmem:$0x1FD90]  }
0x1d6: {  	v2 =	vadd.f32 v2, v4;
	v8 =	vadd.f32 v22, v8;
	v22 =	vld [tilespmem:$0xD360]  }
0x1d7: {  	v3 =	vsel vm1, $0x0, v3;
	v4 =	vadd.f32 v50, v12;
	v12 =	vld [tilespmem:$0xD750]  }
0x1d8: {  	v18 =	vadd.f32 v3, v2;
	v3 =	vld [tilespmem:$0xD7D0]  }
0x1d9: {  	v50 =	vld [tilespmem:$0x1FD80]  }
0x1da: {  	v5 =	vadd.f32 v5, v6;
	v6 =	vld [tilespmem:$0xD760];
	v2 =	vadd.f32 v52, v4  }
0x1db: {  	v4 =	vadd.f32 v53, v13;
	v52 =	vld [tilespmem:$0x1FDA0]  }
0x1dc: {  	v13 =	vadd.f32 $0.0e+00, v54;
	v2 =	vadd.f32 v55, v2;
	v55 =	vld [tilespmem:$0x1FDD0]  }
0x1dd: {  	v53 =	vld [tilespmem:$0x1FDB0];
	v4 =	vadd.f32 v47, v4  }
0x1de: {  	v54 =	vld [tilespmem:$0x1FDC0];
	v13 =	vadd.f32 v48, v13  }
0x1df: {  	v45 =	vadd.f32 v50, v61;
	v61 =	vld [tilespmem:$0x1FDF0];
	v4 =	vadd.f32 v51, v4  }
0x1e0: {  	v2 =	vadd.f32 v49, v2;
	v13 =	vadd.f32 v52, v13;
	v52 =	vld [tilespmem:$0x1FE00]  }
0x1e1: {  	v4 =	vadd.f32 v55, v4;
	v55 =	vld [tilespmem:$0x1FE30]  }
0x1e2: {  	v8 =	vadd.f32 v39, v8;
	v39 =	vld [tilespmem:$0xD770];
	v2 =	vadd.f32 v53, v2  }
0x1e3: {  	v13 =	vadd.f32 v56, v13;
	v56 =	vld [tilespmem:$0x1FE40]  }
0x1e4: {  	v45 =	vadd.f32 v54, v45;
	v54 =	vld [tilespmem:$0x1FE20];
	v2 =	vadd.f32 v61, v2  }
0x1e5: {  	v5 =	vadd.f32 v40, v5;
	v40 =	vld [tilespmem:$0x1FF00]  }
0x1e6: {  	v45 =	vadd.f32 v52, v45;
	v2 =	vadd.f32 v55, v2;
	v55 =	vld [tilespmem:$0x1FE60]  }
0x1e7: {  	v8 =	vadd.f32 v41, v8;
	v41 =	vld [tilespmem:$0x1FF10]  }
0x1e8: {  	v45 =	vadd.f32 v56, v45;
	v56 =	vld [tilespmem:$0x1FE70]  }
0x1e9: {  	v47 =	vld [tilespmem:$0xD4D0];
	v13 =	vadd.f32 v54, v13  }
0x1ea: {  	v53 =	vld [tilespmem:$0x1FE10]  }
0x1eb: {  	v48 =	vld [tilespmem:$0xD8D0];
	v13 =	vadd.f32 v55, v13  }
0x1ec: {  	v61 =	vld [tilespmem:$0x1FE50];
	v23 =	vadd.f32 v23, v45  }
0x1ed: {  	v5 =	vadd.f32 v42, v5;
	v50 =	vld [tilespmem:$0xD950];
	v13 =	vadd.f32 v56, v13  }
0x1ee: {  	v8 =	vadd.f32 v12, v8;
	v12 =	vld [tilespmem:$0xD4E0];
	v23 =	vadd.f32 v58, v23  }
0x1ef: {  	v4 =	vadd.f32 v53, v4;
	v13 =	vadd.f32 v59, v13;
	v59 =	vld [tilespmem:$0x1FE80]  }
0x1f0: {  	v51 =	vld [tilespmem:$0xC9E0];
	v5 =	vadd.f32 v43, v5;
	v23 =	vadd.f32 v62, v23  }
0x1f1: {  	v3 =	vadd.f32 v3, v8;
	v4 =	vadd.f32 v61, v4;
	v61 =	vld [tilespmem:$0x1FE90]  }
0x1f2: {  	v49 =	vld [tilespmem:$0xD550];
	v0 =	vadd.f32 v0, v23;
	v13 =	vadd.f32 v63, v13  }
0x1f3: {  	v42 =	vadd.f32 v44, v5;
	v5 =	vld [tilespmem:$0xD960];
	v3 =	vadd.f32 v46, v3  }
0x1f4: {  	v44 =	vld [tilespmem:$0xC9F0];
	v1 =	vadd.f32 v1, v13;
	v0 =	vadd.f32 v59, v0  }
0x1f5: {  	v43 =	vadd.f32 $0.0e+00, v51;
	v3 =	vadd.f32 v48, v3;
	v48 =	vld [tilespmem:$0xCA70]  }
0x1f6: {  	v51 =	vld [tilespmem:$0xCEF0];
	v1 =	vadd.f32 v61, v1;
	v0 =	vadd.f32 v31, v0  }
0x1f7: {  	v52 =	vld [tilespmem:$0xCDE0]  }
0x1f8: {  	v54 =	vld [tilespmem:$0xCE60];
	v1 =	vadd.f32 v32, v1;
	v0 =	vadd.f32 v29, v0  }
0x1f9: {  	v53 =	vld [tilespmem:$0xCA60];
	v3 =	vadd.f32 v50, v3  }
0x1fa: {  	v50 =	vld [tilespmem:$0xCAF0];
	v1 =	vadd.f32 v30, v1;
	v0 =	vadd.f32 v27, v0  }
0x1fb: {  	v17 =	vadd.f32 $0.0e+00, v44;
	v44 =	vld [tilespmem:$0xD4F0]  }
0x1fc: {  	v45 =	vld [tilespmem:$0xCEE0];
	v1 =	vadd.f32 v28, v1;
	v0 =	vadd.f32 v57, v0  }
0x1fd: {  	v46 =	vadd.f32 $0.0e+00, v52;
	v52 =	vld [tilespmem:$0xCB70]  }
0x1fe: {  	v58 =	vld [tilespmem:$0xCC60];
	v1 =	vadd.f32 v24, v1;
	v0 =	vadd.f32 v25, v0  }
0x1ff: {  	v2 =	vmul.f32 $-1.000020010e-06, v2;
	v4 =	vmul.f32 $8.999990220e-01, v4;
	v8 =	vadd.f32 v53, v43;
	v53 =	vld [tilespmem:$0xCF70]  }
0x200: {  	v43 =	vld [tilespmem:$0xD870];
	v1 =	vadd.f32 v26, v1;
	v0 =	vadd.f32 v60, v0  }
0x201: {  	v55 =	vld [tilespmem:$0xCAE0];
	v2 =	vsub.f32 v2, v4;
	v4 =	vmul.f32 $1.000020010e-06, v40  }
0x202: {  	v40 =	vld [tilespmem:$0xD3F0];
	v1 =	vmul.f32 $-1.000020010e-06, v1;
	v0 =	vmul.f32 $8.999990220e-01, v0  }
0x203: {  	v62 =	vld [tilespmem:$0xCD60]  }
0x204: {  	v56 =	vld [tilespmem:$0xCB60];
	v0 =	vsub.f32 v1, v0;
	v1 =	vmul.f32 $1.000020010e-06, v41  }
0x205: {  	v23 =	vld [tilespmem:$0xD1F0]  }
0x206: {  	v0 =	vadd.f32 v0, v1;
	v1 =	vadd.f32 v47, v42;
	v47 =	vld [tilespmem:$0xCDF0]  }
0x207: {  	v8 =	vadd.f32 v55, v8;
	v55 =	vld [tilespmem:$0xCBF0]  }
0x208: {  	v32 =	vadd.f32 v54, v46;
	v1 =	vadd.f32 v49, v1;
	v49 =	vld [tilespmem:$0xCE70]  }
0x209: {  	v63 =	vld [tilespmem:$0xD160]  }
0x20a: {  	v8 =	vadd.f32 v56, v8;
	v13 =	vld [tilespmem:$0xCCE0];
	v32 =	vadd.f32 v45, v32  }
0x20b: {  	v59 =	vld [tilespmem:$0xD070];
	v33 =	vadd.f32 $0.0e+00, v47  }
0x20c: {  	v8 =	vadd.f32 v10, v8;
	v61 =	vld [tilespmem:$0xD0F0];
	v9 =	vadd.f32 v9, v32  }
0x20d: {  	v17 =	vadd.f32 v48, v17;
	v31 =	vld [tilespmem:$0xD1E0];
	v54 =	vadd.f32 v49, v33  }
0x20e: {  	v8 =	vadd.f32 v58, v8;
	v57 =	vld [tilespmem:$0xCFF0];
	v9 =	vadd.f32 v11, v9  }
0x20f: {  	v56 =	vadd.f32 v50, v17;
	v58 =	vld [tilespmem:$0xCC70];
	v10 =	vadd.f32 v51, v54  }
0x210: {  	v29 =	vld [tilespmem:$0xD5E0];
	v8 =	vadd.f32 v13, v8;
	v9 =	vadd.f32 v15, v9  }
0x211: {  	v30 =	vld [tilespmem:$0xD260];
	v11 =	vadd.f32 v52, v56;
	v10 =	vadd.f32 v53, v10  }
0x212: {  	v8 =	vadd.f32 v62, v8;
	v60 =	vld [tilespmem:$0xCCF0];
	v9 =	vadd.f32 v19, v9  }
0x213: {  	v62 =	vld [tilespmem:$0xCD70];
	v11 =	vadd.f32 v55, v11;
	v10 =	vadd.f32 v57, v10  }
0x214: {  	v2 =	vadd.f32 v2, v4;
	v9 =	vadd.f32 v63, v9;
	v63 =	vld [tilespmem:$0xD170]  }
0x215: {  	v27 =	vld [tilespmem:$0xD2E0];
	v11 =	vadd.f32 v58, v11;
	v10 =	vadd.f32 v59, v10  }
0x216: {  	v2 =	vadd.f32 $-1.476373550e+00, v2;
	v8 =	vadd.f32 v31, v8;
	v31 =	vld [tilespmem:$0xD5F0]  }
0x217: {  	v4 =	vld [tilespmem:$0xD560];
	v11 =	vadd.f32 v60, v11;
	v10 =	vadd.f32 v61, v10  }
0x218: {  	v32 =	vld [tilespmem:$0xD270];
	v8 =	vadd.f32 v30, v8;
	v9 =	vadd.f32 v29, v9  }
0x219: {  	v24 =	vld [tilespmem:$0xD3E0];
	v33 =	vadd.f32 v62, v11;
	v10 =	vadd.f32 v63, v10  }
0x21a: {  	v25 =	vld [tilespmem:$0xD7E0];
	v8 =	vadd.f32 v27, v8;
	v7 =	vadd.f32 v7, v9  }
0x21b: {  	v26 =	vld [tilespmem:$0xD460];
	v9 =	vadd.f32 v23, v33;
	v10 =	vadd.f32 v31, v10  }
0x21c: {  	v50 =	vld [tilespmem:$0x1FF50];
	v8 =	vadd.f32 v22, v8;
	v7 =	vadd.f32 v21, v7  }
0x21d: {  	v28 =	vld [tilespmem:$0xD860];
	v38 =	vadd.f32 v32, v9;
	v10 =	vadd.f32 v34, v10  }
0x21e: {  	v8 =	vadd.f32 v24, v8;
	v41 =	vld [tilespmem:$0xD7F0];
	v6 =	vadd.f32 v6, v7  }
0x21f: {  	v45 =	vld [tilespmem:$0xD8F0];
	v7 =	vadd.f32 v35, v38;
	v10 =	vadd.f32 v36, v10  }
0x220: {  	v8 =	vadd.f32 v26, v8;
	v42 =	vld [tilespmem:$0xD470];
	v6 =	vadd.f32 v25, v6  }
0x221: {  	v52 =	vld [tilespmem:$0x1FF20];
	v7 =	vadd.f32 v37, v7;
	v9 =	vadd.f32 v39, v10  }
0x222: {  	v8 =	vadd.f32 v12, v8;
	v47 =	vld [tilespmem:$0xD570];
	v6 =	vadd.f32 v28, v6  }
0x223: {  	v49 =	vld [tilespmem:$0xD970];
	v7 =	vadd.f32 v40, v7;
	v46 =	vadd.f32 v41, v9  }
0x224: {  	v3 =	vmul.f32 $8.999990220e-01, v3;
	v4 =	vadd.f32 v4, v8;
	v51 =	vld [tilespmem:$0x1FEA0];
	v6 =	vadd.f32 v16, v6  }
0x225: {  	vm1 =	veq.s32 v50, $0x0;
	v53 =	vld [tilespmem:$0x1FF30];
	v48 =	vadd.f32 v42, v7;
	v8 =	vadd.f32 v43, v46  }
0x226: {  	v0 =	vadd.f32 $-1.476373550e+00, v0;
	v1 =	vmul.f32 $-1.000020010e-06, v1;
	v5 =	vadd.f32 v5, v6  }
0x227: {  	v2 =	vsel vm1, $0x0, v2;
	v6 =	vadd.f32 v44, v48;
	v8 =	vadd.f32 v45, v8  }
0x228: {  	v1 =	vsub.f32 v1, v3;
	v3 =	vmul.f32 $1.000020010e-06, v52;
	v4 =	vmul.f32 $-1.000020010e-06, v4;
	v57 =	vld [tilespmem:$0x1FF40]  }
0x229: {  	v58 =	vld [tilespmem:$0x1FEB0];
	v5 =	vmul.f32 $8.999990220e-01, v5;
	v6 =	vadd.f32 v47, v6;
	v7 =	vadd.f32 v49, v8  }
0x22a: {  	v1 =	vadd.f32 v1, v3;
	vm1 =	veq.s32 v51, $0x0;
	v3 =	vmul.f32 $1.000020010e-06, v53  }
0x22b: {  	v4 =	vsub.f32 v4, v5;
	v61 =	vld [tilespmem:$0x1FEC0];
	v54 =	vmul.f32 $-1.000020010e-06, v6;
	v55 =	vmul.f32 $8.999990220e-01, v7  }
0x22c: {  	v2 =	vadd.f32 v2, v18;
	v1 =	vadd.f32 $-1.476373550e+00, v1;
	v0 =	vsel vm1, $0x0, v0  }
0x22d: {  	v5 =	vmul.f32 $1.000020010e-06, v57;
	v3 =	vadd.f32 v4, v3;
	v63 =	vld [tilespmem:$0x1FED0];
	v56 =	vsub.f32 v54, v55  }
0x22e: {  	vm1 =	veq.s32 v58, $0x0;
	v0 =	vadd.f32 v0, v2  }
0x22f: {  	v1 =	vsel vm1, $0x0, v1;
	v59 =	vadd.f32 $-1.476373550e+00, v3;
	v60 =	vadd.f32 v56, v5  }
0x230: {  	v0 =	vadd.f32 v1, v0;
	vm1 =	veq.s32 v61, $0x0  }
0x231: {  	v1 =	vsel vm1, $0x0, v59;
	v62 =	vadd.f32 $-1.476373550e+00, v60  }
0x232: {  	v0 =	vadd.f32 v1, v0;
	vm1 =	veq.s32 v63, $0x0  }
0x233: {  	v1 =	vsel vm1, $0x0, v62  }
0x234: {  	v0 =	vadd.f32 v1, v0;
	_ =	sdelay $0x1  }
.Ltmp6:
0x235: {  	[tilespmem:$0xD980] =	vst v0;
	(pc) =	sbr.rel .LBB2_9-.Ltmp6, $4  }
0x236: {  	[hbm4b:s11+s3] =	stream.linear.scatter [tilespmem:s23], [sflag:$0x3], $0x80, $0x38;
	[tilespmem:$0xDB00] =	vst v63  }
0x237: {  	_ =	swait.ge [sflag:s14], $0x80  }
0x238: {  	[sflag:s14] =	ssyncset.done $0x0  }
0x239: {  	[sflag:s14] =	ssyncadd.s32 $0xFFFFFF80  }
.LBB2_10:
0x23a: {  	_ =	sfence.sel $0x180000  }
0x23b: {  	[bflag:$0x0] =	sbarrier.arrive $0xFFFF  }
0x23c: {  	_ =	strace $0x90000047  }
0x23d: {  	[bflag:$0x2] =	sbarrier.arrive $0xFFFF  }
0x23e: {  	s0 =	rddreg [dreg:$0x4]  }
0x23f: {  	s0 =	sadd.s32 @!p0 $0x100000, s0  }
0x240: {  	[sflag:s0] =	ssyncadd.tile.s32 @!p0 $0x1;
	_ =	shalt  }
.Lfunc_end2:
_tile_overlayer_lowered:
.L_overlay_start_2:
0x241: {  	(tag) =	ssettag $0x2  }
0x242: {  	s0 =	rddreg [dreg:$0x0];
	s2 =	stileid.u32  }
0x243: {  	s1 =	rddreg [dreg:$0x1];
	p0 =	sne.s32 s2, $0x0  }
0x244: {  	s3 =	rddreg [dreg:$0x2];
	[bflag:$0x3] =	sbarrier.arrive $0xFFFF;
	s2 =	simm.s32 @!p0 $0x1C03  }
0x245: {  	[timem:s3], [sflag:s2] =	dma.local @!p0 [hbm:s0], s1  }
0x246: {  	s0 =	simm.s32 @!p0 $0x3  }
0x247: {  	_ =	swait.ge @!p0 [sflag:s0], s1  }
0x248: {  	s1 =	ssub.s32 @!p0 $0x0, s1;
	[sflag:s0] =	ssyncset.done @!p0 $0x0  }
0x249: {  	[sflag:s0] =	ssyncadd.s32 @!p0 s1  }
0x24a: {  	[bflag:$0x3] =	sbarrier.arrive $0xFFFF  }
0x24b: {  	_ =	shalt  }

</sc_bundles>
